<compile_context>
chip_gen: v7x
topology: tpu7x:2x2x1
jax: 0.10.2.dev20260603
libtpu: 0.0.44.dev20260713+nightly
codegen_flags: <defaults>
</compile_context>

<pallas_src>
import functools

import jax
import jax.numpy as jnp
from jax import lax
from jax.experimental import pallas as pl
from jax.experimental.pallas import tpu as pltpu
from jax.experimental.pallas import tpu_sc as plsc

N = 10000
D = 128
E = 320000
NC = 2
NS = 16
NW = NC * NS
K = 128
CH = 80
SCH = 40
EPW = CH * K
EPAD = NW * EPW
NP = 10112
RPZ = NP // NS
DW = D

_MESH = plsc.VectorSubcoreMesh(core_axis_name="c", subcore_axis_name="s")



@functools.partial(
    pl.kernel,
    out_type=jax.ShapeDtypeStruct((NC, NP, D), jnp.float32),
    mesh=_MESH,
    scratch_types=[
        pltpu.VMEM((CH, K), jnp.int32),
        pltpu.VMEM((K, D), jnp.float32),
        pltpu.VMEM_SHARED((NP, D), jnp.float32),
    ],
)
def _deg_kernel(dsts_hbm, ones_hbm, zeros_hbm, out_hbm, dst_v, ones_v, dacc):
    c = lax.axis_index("c")
    s = lax.axis_index("s")
    wid = c * NS + s
    pltpu.sync_copy(zeros_hbm.at[pl.ds(s * RPZ, RPZ)], dacc.at[pl.ds(s * RPZ, RPZ)])
    pltpu.sync_copy(dsts_hbm.at[wid], dst_v)
    pltpu.sync_copy(ones_hbm, ones_v)
    plsc.subcore_barrier()

    def body(j, carry):
        pltpu.sync_copy(ones_v, dacc.at[dst_v.at[j]], add=True)
        return carry

    lax.fori_loop(0, CH, body, 0)
    plsc.subcore_barrier()
    pltpu.sync_copy(dacc.at[pl.ds(s * RPZ, RPZ)], out_hbm.at[c, pl.ds(s * RPZ, RPZ)])


@functools.partial(
    pl.kernel,
    out_type=jax.ShapeDtypeStruct((NC, NP, D), jnp.float32),
    mesh=_MESH,
    scratch_types=[
        pltpu.VMEM((SCH, K), jnp.int32),
        pltpu.VMEM((SCH, K), jnp.int32),
        pltpu.VMEM((K, D), jnp.float32),
        pltpu.VMEM((K, D), jnp.float32),
        pltpu.VMEM_SHARED((NP, D), jnp.float32),
        pltpu.SemaphoreType.DMA,
        pltpu.SemaphoreType.DMA,
    ],
)
def _agg_kernel(hp_hbm, srcs_hbm, dsts_hbm, zeros_hbm, out_hbm,
                src_v, dst_v, rows0, rows1, acc, sem0, sem1):
    c = lax.axis_index("c")
    s = lax.axis_index("s")
    wid = c * NS + s

    zv = jnp.zeros((16,), jnp.float32)

    def zrow(r, carry):
        for g in range(8):
            rows0[r, pl.ds(g * 16, 16)] = zv
        return carry

    lax.fori_loop(0, K, zrow, 0)
    base = s * RPZ
    for t in range(4):
        pltpu.sync_copy(rows0, acc.at[pl.ds(base + t * K, K)])
    pltpu.sync_copy(rows0.at[pl.ds(0, RPZ - 4 * K)],
                    acc.at[pl.ds(base + 4 * K, RPZ - 4 * K)])

    for h in range(CH // SCH):
        pltpu.sync_copy(srcs_hbm.at[wid, pl.ds(h * SCH, SCH)], src_v)
        pltpu.sync_copy(dsts_hbm.at[wid, pl.ds(h * SCH, SCH)], dst_v)
        if h == 0:
            plsc.subcore_barrier()
        pltpu.async_copy(hp_hbm.at[src_v.at[0]], rows0, sem0)

        def body(i, carry):
            j0 = 2 * i
            j1 = j0 + 1
            pltpu.async_copy(hp_hbm.at[src_v.at[j1]], rows1, sem1)
            pltpu.make_async_copy(hp_hbm.at[src_v.at[j0]], rows0, sem0).wait()
            pltpu.sync_copy(rows0, acc.at[dst_v.at[j0]], add=True)

            @pl.when(j0 + 2 < SCH)
            def _():
                pltpu.async_copy(hp_hbm.at[src_v.at[j0 + 2]], rows0, sem0)

            pltpu.make_async_copy(hp_hbm.at[src_v.at[j1]], rows1, sem1).wait()
            pltpu.sync_copy(rows1, acc.at[dst_v.at[j1]], add=True)
            return carry

        lax.fori_loop(0, SCH // 2, body, 0)
    plsc.subcore_barrier()
    pltpu.sync_copy(acc.at[pl.ds(s * RPZ, RPZ)], out_hbm.at[c, pl.ds(s * RPZ, RPZ)])



_RB = 2000
_GRID = N // _RB

_row = pl.BlockSpec((_RB, D), lambda i: (i, 0))
_rowcol = pl.BlockSpec((_RB, 1), lambda i: (i, 0))
_wspec = pl.BlockSpec((D, D), lambda i: (0, 0))
_bspec = pl.BlockSpec((1, D), lambda i: (0, 0))
_degspec = pl.BlockSpec((NC, _RB, DW), lambda i: (0, i, 0))
_p0spec = pl.BlockSpec((1, _RB, D), lambda i: (0, i, 0))
_p1spec = pl.BlockSpec((1, _RB, D), lambda i: (1, i, 0))


def _tc_mm_body(x_ref, w_ref, out_ref):
    out_ref[...] = jnp.dot(x_ref[...], w_ref[...],
                           preferred_element_type=jnp.float32)


_tc_mm = pl.pallas_call(
    _tc_mm_body,
    grid=(_GRID,),
    in_specs=[_row, _wspec],
    out_specs=_row,
    out_shape=jax.ShapeDtypeStruct((N, D), jnp.float32),
)


def _tc_scale_body(degp_ref, g_ref, hp_ref, dinv_ref):
    deg = degp_ref[0, :, :1] + degp_ref[1, :, :1] + 1.0
    dinv = lax.rsqrt(deg)
    dinv_ref[...] = dinv
    hp_ref[...] = g_ref[...] * dinv


_tc_scale = pl.pallas_call(
    _tc_scale_body,
    grid=(_GRID,),
    in_specs=[_degspec, _row],
    out_specs=(_row, _rowcol),
    out_shape=(jax.ShapeDtypeStruct((N, D), jnp.float32),
               jax.ShapeDtypeStruct((N, 1), jnp.float32)),
)


def _tc_mid_body(hp_ref, a0_ref, a1_ref, dinv_ref, b_ref, w_ref, out_ref):
    dinv = dinv_ref[...]
    z = dinv * (hp_ref[...] + a0_ref[0] + a1_ref[0]) + b_ref[...]
    h = jnp.maximum(z, 0.0)
    out_ref[...] = jnp.dot(h, w_ref[...],
                           preferred_element_type=jnp.float32) * dinv


_tc_mid = pl.pallas_call(
    _tc_mid_body,
    grid=(_GRID,),
    in_specs=[_row, _p0spec, _p1spec, _rowcol, _bspec, _wspec],
    out_specs=_row,
    out_shape=jax.ShapeDtypeStruct((N, D), jnp.float32),
)


def _tc_final_body(hp_ref, a0_ref, a1_ref, dinv_ref, b_ref, out_ref):
    out_ref[...] = (dinv_ref[...] * (hp_ref[...] + a0_ref[0] + a1_ref[0])
                    + b_ref[...])


_tc_final = pl.pallas_call(
    _tc_final_body,
    grid=(_GRID,),
    in_specs=[_row, _p0spec, _p1spec, _rowcol, _bspec],
    out_specs=_row,
    out_shape=jax.ShapeDtypeStruct((N, D), jnp.float32),
)



def kernel(x, edge_index, W1, b1, W2, b2, W3, b3):
    ei = edge_index.astype(jnp.int32)
    epn = E // NW
    padw = CH * K - epn
    sub = (jnp.arange(NW, dtype=jnp.int32) % NS)[:, None]
    trash = N + sub * 7 + (jnp.arange(padw, dtype=jnp.int32)[None, :] % 7)
    padsrc = jnp.broadcast_to(
        (jnp.arange(padw, dtype=jnp.int32) * 41) % N, (NW, padw))
    src = jnp.concatenate(
        [ei[0].reshape(NW, epn), padsrc], axis=1).reshape(NW, CH, K)
    dst = jnp.concatenate(
        [ei[1].reshape(NW, epn), trash], axis=1).reshape(NW, CH, K)

    onesD = jnp.ones((K, D), jnp.float32)
    zerosD = jnp.zeros((NP, D), jnp.float32)

    g1 = _tc_mm(x, W1)
    degp = _deg_kernel(dst, onesD, zerosD)
    h1p, dinv = _tc_scale(degp, g1)

    b1r = b1.reshape(1, D)
    b2r = b2.reshape(1, D)
    b3r = b3.reshape(1, D)

    a1 = _agg_kernel(h1p, src, dst, zerosD)
    h2p = _tc_mid(h1p, a1, a1, dinv, b1r, W2)
    a2 = _agg_kernel(h2p, src, dst, zerosD)
    h3p = _tc_mid(h2p, a2, a2, dinv, b2r, W3)
    a3 = _agg_kernel(h3p, src, dst, zerosD)
    out = _tc_final(h3p, a3, a3, dinv, b3r)
    return out

# --- scband reference (transcript-rebuilt; emitter-appended) ---
"""Pipeline reference for scband-gcn-75230647157565 (READ-ONLY COPY).

The authoritative reference and input builder live on the scoring server;
editing this copy changes nothing except your own understanding.
"""

import jax, jax.numpy as jnp
import numpy as np

N = 10000
E = 320000
D_IN = 128
D_HID = 128
D_OUT = 128


def setup_inputs(seed: int = 0) -> dict:
    key = jax.random.key(seed)
    ks = jax.random.split(key, 9)
    x = jax.random.normal(ks[0], (N, D_IN), dtype=jnp.float32)
    edge_index = jax.random.randint(ks[1], (2, E), 0, N, dtype=jnp.int64)
    W1 = jax.random.normal(ks[2], (D_IN, D_HID), dtype=jnp.float32) * 0.05
    b1 = jnp.zeros((D_HID,), dtype=jnp.float32)
    W2 = jax.random.normal(ks[3], (D_HID, D_HID), dtype=jnp.float32) * 0.05
    b2 = jnp.zeros((D_HID,), dtype=jnp.float32)
    W3 = jax.random.normal(ks[4], (D_HID, D_OUT), dtype=jnp.float32) * 0.05
    b3 = jnp.zeros((D_OUT,), dtype=jnp.float32)
    return {"x": x, "edge_index": edge_index, "W1": W1, "b1": b1, "W2": W2, "b2": b2, "W3": W3, "b3": b3}


def _gcn_conv(x, src, dst, norm, W, b):
    # PyG GCNConv: linear transform first, then normalized scatter-add aggregation
    h = x @ W
    msg = h[src] * norm[:, None]          # gather + scale
    out = jnp.zeros((x.shape[0], h.shape[1]), h.dtype).at[dst].add(msg)  # scatter-add
    return out + b


def reference(x, edge_index, W1, b1, W2, b2, W3, b3):
    n = x.shape[0]
    # gcn_norm with add_self_loops=True (normalize=not use_gdc -> True)
    loops = jnp.arange(n, dtype=edge_index.dtype)
    src = jnp.concatenate([edge_index[0], loops])
    dst = jnp.concatenate([edge_index[1], loops])
    ones = jnp.ones(src.shape[0], dtype=x.dtype)
    deg = jnp.zeros(n, dtype=x.dtype).at[dst].add(ones)
    dinv = jnp.where(deg > 0, 1.0 / jnp.sqrt(deg), 0.0)
    norm = dinv[src] * dinv[dst]
    # layer 1 (in -> hidden) + relu; dropout is identity in eval mode
    h = jax.nn.relu(_gcn_conv(x, src, dst, norm, W1, b1))
    # layer 2 (hidden -> hidden) + relu
    h = jax.nn.relu(_gcn_conv(h, src, dst, norm, W2, b2))
    # out_conv (hidden -> out), no relu
    out = _gcn_conv(h, src, dst, norm, W3, b3)
    return out

if __name__ == "__main__":
    import jax
    _d = setup_inputs()
    print(jax.jit(kernel)(*tuple(_d.values())))

</pallas_src>

<mosaic_0001>
#map = affine_map<(d0, d1) -> (0, 0)>
#map1 = affine_map<(d0, d1) -> (0, 0, 0)>
module attributes {stable_mosaic.version = 14 : i64} {
  func.func @_agg_kernel(%arg0: i32, %arg1: i32, %arg2: memref<10000x128xf32, #tpu.memory_space<hbm>>, %arg3: memref<32x80x128xi32, #tpu.memory_space<hbm>>, %arg4: memref<32x80x128xi32, #tpu.memory_space<hbm>>, %arg5: memref<10112x128xf32, #tpu.memory_space<hbm>>, %arg6: memref<2x10112x128xf32, #tpu.memory_space<hbm>>, %arg7: memref<40x128xi32, #tpu.memory_space<vmem>>, %arg8: memref<40x128xi32, #tpu.memory_space<vmem>>, %arg9: memref<128x128xf32, #tpu.memory_space<vmem>>, %arg10: memref<128x128xf32, #tpu.memory_space<vmem>>, %arg11: memref<10112x128xf32, #tpu.memory_space<vmem_shared>>, %arg12: memref<!tpu.dma_semaphore, #tpu.memory_space<semaphore_mem>>, %arg13: memref<!tpu.dma_semaphore, #tpu.memory_space<semaphore_mem>>) attributes {dimension_semantics = [#tpu.dimension_semantics<core_parallel>, #tpu.dimension_semantics<subcore_parallel>], iteration_bounds = array<i64: 2, 16>, scalar_prefetch = 0 : i64, scratch_operands = 7 : i64, tpu.core_type = #tpu.core_type<sc_vector_subcore>, window_params = [{transform_indices = #map}, {transform_indices = #map1}, {transform_indices = #map1}, {transform_indices = #map}, {transform_indices = #map1}]} {
    %mul3A = arith.constant 16 : i32
    %mul3A_0 = arith.muli %arg0, %mul3A : i32
    %add3A = arith.addi %mul3A_0, %arg1 : i32
    %broadcast_in_dim3A = arith.constant 0.000000e+00 : f32
    %broadcast_in_dim3A_1 = vector.broadcast %broadcast_in_dim3A : f32 to vector<16xf32>
    %scan3A = arith.constant 0 : i32
    %scan3A_2 = arith.constant 0 : i32
    %scan3A_3 = arith.constant 128 : i32
    %scan3A_4 = arith.addi %scan3A_2, %scan3A_3 : i32
    %scan3A_5 = arith.constant 1 : i32
    scf.for %scan3A_49 = %scan3A_2 to %scan3A_4 step %scan3A_5  : i32 {
      %swap3A = arith.index_cast %scan3A_49 : i32 to index
      %swap3A_50 = arith.constant 0 : index
      %swap3A_51 = tpu.vector_load %arg9[%swap3A, %swap3A_50] {strides = array<i32>} : memref<128x128xf32, #tpu.memory_space<vmem>>, vector<1x16xf32>,
      %swap3A_52 = vector.shape_cast %swap3A_51 : vector<1x16xf32> to vector<16xf32>
      %swap3A_53 = vector.shape_cast %broadcast_in_dim3A_1 : vector<16xf32> to vector<1x16xf32>
      tpu.vector_store %arg9[%swap3A, %swap3A_50], %swap3A_53 {strides = array<i32>} : memref<128x128xf32, #tpu.memory_space<vmem>>, vector<1x16xf32>,
      %swap3A_54 = arith.index_cast %scan3A_49 : i32 to index
      %swap3A_55 = arith.constant 16 : index
      %swap3A_56 = tpu.vector_load %arg9[%swap3A_54, %swap3A_55] {strides = array<i32>} : memref<128x128xf32, #tpu.memory_space<vmem>>, vector<1x16xf32>,
      %swap3A_57 = vector.shape_cast %swap3A_56 : vector<1x16xf32> to vector<16xf32>
      %swap3A_58 = vector.shape_cast %broadcast_in_dim3A_1 : vector<16xf32> to vector<1x16xf32>
      tpu.vector_store %arg9[%swap3A_54, %swap3A_55], %swap3A_58 {strides = array<i32>} : memref<128x128xf32, #tpu.memory_space<vmem>>, vector<1x16xf32>,
      %swap3A_59 = arith.index_cast %scan3A_49 : i32 to index
      %swap3A_60 = arith.constant 32 : index
      %swap3A_61 = tpu.vector_load %arg9[%swap3A_59, %swap3A_60] {strides = array<i32>} : memref<128x128xf32, #tpu.memory_space<vmem>>, vector<1x16xf32>,
      %swap3A_62 = vector.shape_cast %swap3A_61 : vector<1x16xf32> to vector<16xf32>
      %swap3A_63 = vector.shape_cast %broadcast_in_dim3A_1 : vector<16xf32> to vector<1x16xf32>
      tpu.vector_store %arg9[%swap3A_59, %swap3A_60], %swap3A_63 {strides = array<i32>} : memref<128x128xf32, #tpu.memory_space<vmem>>, vector<1x16xf32>,
      %swap3A_64 = arith.index_cast %scan3A_49 : i32 to index
      %swap3A_65 = arith.constant 48 : index
      %swap3A_66 = tpu.vector_load %arg9[%swap3A_64, %swap3A_65] {strides = array<i32>} : memref<128x128xf32, #tpu.memory_space<vmem>>, vector<1x16xf32>,
      %swap3A_67 = vector.shape_cast %swap3A_66 : vector<1x16xf32> to vector<16xf32>
      %swap3A_68 = vector.shape_cast %broadcast_in_dim3A_1 : vector<16xf32> to vector<1x16xf32>
      tpu.vector_store %arg9[%swap3A_64, %swap3A_65], %swap3A_68 {strides = array<i32>} : memref<128x128xf32, #tpu.memory_space<vmem>>, vector<1x16xf32>,
      %swap3A_69 = arith.index_cast %scan3A_49 : i32 to index
      %swap3A_70 = arith.constant 64 : index
      %swap3A_71 = tpu.vector_load %arg9[%swap3A_69, %swap3A_70] {strides = array<i32>} : memref<128x128xf32, #tpu.memory_space<vmem>>, vector<1x16xf32>,
      %swap3A_72 = vector.shape_cast %swap3A_71 : vector<1x16xf32> to vector<16xf32>
      %swap3A_73 = vector.shape_cast %broadcast_in_dim3A_1 : vector<16xf32> to vector<1x16xf32>
      tpu.vector_store %arg9[%swap3A_69, %swap3A_70], %swap3A_73 {strides = array<i32>} : memref<128x128xf32, #tpu.memory_space<vmem>>, vector<1x16xf32>,
      %swap3A_74 = arith.index_cast %scan3A_49 : i32 to index
      %swap3A_75 = arith.constant 80 : index
      %swap3A_76 = tpu.vector_load %arg9[%swap3A_74, %swap3A_75] {strides = array<i32>} : memref<128x128xf32, #tpu.memory_space<vmem>>, vector<1x16xf32>,
      %swap3A_77 = vector.shape_cast %swap3A_76 : vector<1x16xf32> to vector<16xf32>
      %swap3A_78 = vector.shape_cast %broadcast_in_dim3A_1 : vector<16xf32> to vector<1x16xf32>
      tpu.vector_store %arg9[%swap3A_74, %swap3A_75], %swap3A_78 {strides = array<i32>} : memref<128x128xf32, #tpu.memory_space<vmem>>, vector<1x16xf32>,
      %swap3A_79 = arith.index_cast %scan3A_49 : i32 to index
      %swap3A_80 = arith.constant 96 : index
      %swap3A_81 = tpu.vector_load %arg9[%swap3A_79, %swap3A_80] {strides = array<i32>} : memref<128x128xf32, #tpu.memory_space<vmem>>, vector<1x16xf32>,
      %swap3A_82 = vector.shape_cast %swap3A_81 : vector<1x16xf32> to vector<16xf32>
      %swap3A_83 = vector.shape_cast %broadcast_in_dim3A_1 : vector<16xf32> to vector<1x16xf32>
      tpu.vector_store %arg9[%swap3A_79, %swap3A_80], %swap3A_83 {strides = array<i32>} : memref<128x128xf32, #tpu.memory_space<vmem>>, vector<1x16xf32>,
      %swap3A_84 = arith.index_cast %scan3A_49 : i32 to index
      %swap3A_85 = arith.constant 112 : index
      %swap3A_86 = tpu.vector_load %arg9[%swap3A_84, %swap3A_85] {strides = array<i32>} : memref<128x128xf32, #tpu.memory_space<vmem>>, vector<1x16xf32>,
      %swap3A_87 = vector.shape_cast %swap3A_86 : vector<1x16xf32> to vector<16xf32>
      %swap3A_88 = vector.shape_cast %broadcast_in_dim3A_1 : vector<16xf32> to vector<1x16xf32>
      tpu.vector_store %arg9[%swap3A_84, %swap3A_85], %swap3A_88 {strides = array<i32>} : memref<128x128xf32, #tpu.memory_space<vmem>>, vector<1x16xf32>,
    }
    %scan3A_6 = arith.constant 128 : i32
    %mul3A_7 = arith.constant 632 : i32
    %mul3A_8 = arith.muli %arg1, %mul3A_7 : i32
    %add3A_9 = arith.constant 0 : i32
    %add3A_10 = arith.addi %mul3A_8, %add3A_9 : i32
    "tpu.region"() ({
      %run_scoped3A = tpu.sem_alloc : memref<!tpu.dma_semaphore, #tpu.memory_space<semaphore_mem>>
      %dma_start3A_49 = arith.constant 0 : i32
      %dma_start3A_50 = tpu.memref_slice %arg11[%add3A_10, %dma_start3A_49] : memref<10112x128xf32, #tpu.memory_space<vmem_shared>> -> memref<128x128xf32, #tpu.memory_space<vmem_shared>>
      %dma_start3A_51 = arith.constant 0 : i32
      %dma_start3A_52 = tpu.memref_slice %arg11[%add3A_10, %dma_start3A_51] : memref<10112x128xf32, #tpu.memory_space<vmem_shared>> -> memref<128x128xf32, #tpu.memory_space<vmem_shared>>
      tpu.enqueue_dma source(%arg9 : memref<128x128xf32, #tpu.memory_space<vmem>>) target(%dma_start3A_52 : memref<128x128xf32, #tpu.memory_space<vmem_shared>>) target_semaphore(%run_scoped3A : memref<!tpu.dma_semaphore, #tpu.memory_space<semaphore_mem>>)
      %dma_wait3A = arith.constant 0 : i32
      %dma_wait3A_53 = tpu.memref_slice %arg11[%add3A_10, %dma_wait3A] : memref<10112x128xf32, #tpu.memory_space<vmem_shared>> -> memref<128x128xf32, #tpu.memory_space<vmem_shared>>
      %dma_wait3A_54 = arith.constant 0 : i32
      %dma_wait3A_55 = tpu.memref_slice %arg11[%add3A_10, %dma_wait3A_54] : memref<10112x128xf32, #tpu.memory_space<vmem_shared>> -> memref<128x128xf32, #tpu.memory_space<vmem_shared>>
      tpu.wait_dma2 semaphore(%run_scoped3A : memref<!tpu.dma_semaphore, #tpu.memory_space<semaphore_mem>>) src(%arg9 : memref<128x128xf32, #tpu.memory_space<vmem>>) dst(%dma_wait3A_55 : memref<128x128xf32, #tpu.memory_space<vmem_shared>>)
      tpu.yield
    }) : () -> ()
    %add3A_11 = arith.constant 128 : i32
    %add3A_12 = arith.addi %mul3A_8, %add3A_11 : i32
    "tpu.region"() ({
      %run_scoped3A = tpu.sem_alloc : memref<!tpu.dma_semaphore, #tpu.memory_space<semaphore_mem>>
      %dma_start3A_49 = arith.constant 0 : i32
      %dma_start3A_50 = tpu.memref_slice %arg11[%add3A_12, %dma_start3A_49] : memref<10112x128xf32, #tpu.memory_space<vmem_shared>> -> memref<128x128xf32, #tpu.memory_space<vmem_shared>>
      %dma_start3A_51 = arith.constant 0 : i32
      %dma_start3A_52 = tpu.memref_slice %arg11[%add3A_12, %dma_start3A_51] : memref<10112x128xf32, #tpu.memory_space<vmem_shared>> -> memref<128x128xf32, #tpu.memory_space<vmem_shared>>
      tpu.enqueue_dma source(%arg9 : memref<128x128xf32, #tpu.memory_space<vmem>>) target(%dma_start3A_52 : memref<128x128xf32, #tpu.memory_space<vmem_shared>>) target_semaphore(%run_scoped3A : memref<!tpu.dma_semaphore, #tpu.memory_space<semaphore_mem>>)
      %dma_wait3A = arith.constant 0 : i32
      %dma_wait3A_53 = tpu.memref_slice %arg11[%add3A_12, %dma_wait3A] : memref<10112x128xf32, #tpu.memory_space<vmem_shared>> -> memref<128x128xf32, #tpu.memory_space<vmem_shared>>
      %dma_wait3A_54 = arith.constant 0 : i32
      %dma_wait3A_55 = tpu.memref_slice %arg11[%add3A_12, %dma_wait3A_54] : memref<10112x128xf32, #tpu.memory_space<vmem_shared>> -> memref<128x128xf32, #tpu.memory_space<vmem_shared>>
      tpu.wait_dma2 semaphore(%run_scoped3A : memref<!tpu.dma_semaphore, #tpu.memory_space<semaphore_mem>>) src(%arg9 : memref<128x128xf32, #tpu.memory_space<vmem>>) dst(%dma_wait3A_55 : memref<128x128xf32, #tpu.memory_space<vmem_shared>>)
      tpu.yield
    }) : () -> ()
    %add3A_13 = arith.constant 256 : i32
    %add3A_14 = arith.addi %mul3A_8, %add3A_13 : i32
    "tpu.region"() ({
      %run_scoped3A = tpu.sem_alloc : memref<!tpu.dma_semaphore, #tpu.memory_space<semaphore_mem>>
      %dma_start3A_49 = arith.constant 0 : i32
      %dma_start3A_50 = tpu.memref_slice %arg11[%add3A_14, %dma_start3A_49] : memref<10112x128xf32, #tpu.memory_space<vmem_shared>> -> memref<128x128xf32, #tpu.memory_space<vmem_shared>>
      %dma_start3A_51 = arith.constant 0 : i32
      %dma_start3A_52 = tpu.memref_slice %arg11[%add3A_14, %dma_start3A_51] : memref<10112x128xf32, #tpu.memory_space<vmem_shared>> -> memref<128x128xf32, #tpu.memory_space<vmem_shared>>
      tpu.enqueue_dma source(%arg9 : memref<128x128xf32, #tpu.memory_space<vmem>>) target(%dma_start3A_52 : memref<128x128xf32, #tpu.memory_space<vmem_shared>>) target_semaphore(%run_scoped3A : memref<!tpu.dma_semaphore, #tpu.memory_space<semaphore_mem>>)
      %dma_wait3A = arith.constant 0 : i32
      %dma_wait3A_53 = tpu.memref_slice %arg11[%add3A_14, %dma_wait3A] : memref<10112x128xf32, #tpu.memory_space<vmem_shared>> -> memref<128x128xf32, #tpu.memory_space<vmem_shared>>
      %dma_wait3A_54 = arith.constant 0 : i32
      %dma_wait3A_55 = tpu.memref_slice %arg11[%add3A_14, %dma_wait3A_54] : memref<10112x128xf32, #tpu.memory_space<vmem_shared>> -> memref<128x128xf32, #tpu.memory_space<vmem_shared>>
      tpu.wait_dma2 semaphore(%run_scoped3A : memref<!tpu.dma_semaphore, #tpu.memory_space<semaphore_mem>>) src(%arg9 : memref<128x128xf32, #tpu.memory_space<vmem>>) dst(%dma_wait3A_55 : memref<128x128xf32, #tpu.memory_space<vmem_shared>>)
      tpu.yield
    }) : () -> ()
    %add3A_15 = arith.constant 384 : i32
    %add3A_16 = arith.addi %mul3A_8, %add3A_15 : i32
    "tpu.region"() ({
      %run_scoped3A = tpu.sem_alloc : memref<!tpu.dma_semaphore, #tpu.memory_space<semaphore_mem>>
      %dma_start3A_49 = arith.constant 0 : i32
      %dma_start3A_50 = tpu.memref_slice %arg11[%add3A_16, %dma_start3A_49] : memref<10112x128xf32, #tpu.memory_space<vmem_shared>> -> memref<128x128xf32, #tpu.memory_space<vmem_shared>>
      %dma_start3A_51 = arith.constant 0 : i32
      %dma_start3A_52 = tpu.memref_slice %arg11[%add3A_16, %dma_start3A_51] : memref<10112x128xf32, #tpu.memory_space<vmem_shared>> -> memref<128x128xf32, #tpu.memory_space<vmem_shared>>
      tpu.enqueue_dma source(%arg9 : memref<128x128xf32, #tpu.memory_space<vmem>>) target(%dma_start3A_52 : memref<128x128xf32, #tpu.memory_space<vmem_shared>>) target_semaphore(%run_scoped3A : memref<!tpu.dma_semaphore, #tpu.memory_space<semaphore_mem>>)
      %dma_wait3A = arith.constant 0 : i32
      %dma_wait3A_53 = tpu.memref_slice %arg11[%add3A_16, %dma_wait3A] : memref<10112x128xf32, #tpu.memory_space<vmem_shared>> -> memref<128x128xf32, #tpu.memory_space<vmem_shared>>
      %dma_wait3A_54 = arith.constant 0 : i32
      %dma_wait3A_55 = tpu.memref_slice %arg11[%add3A_16, %dma_wait3A_54] : memref<10112x128xf32, #tpu.memory_space<vmem_shared>> -> memref<128x128xf32, #tpu.memory_space<vmem_shared>>
      tpu.wait_dma2 semaphore(%run_scoped3A : memref<!tpu.dma_semaphore, #tpu.memory_space<semaphore_mem>>) src(%arg9 : memref<128x128xf32, #tpu.memory_space<vmem>>) dst(%dma_wait3A_55 : memref<128x128xf32, #tpu.memory_space<vmem_shared>>)
      tpu.yield
    }) : () -> ()
    %add3A_17 = arith.constant 512 : i32
    %add3A_18 = arith.addi %mul3A_8, %add3A_17 : i32
    "tpu.region"() ({
      %run_scoped3A = tpu.sem_alloc : memref<!tpu.dma_semaphore, #tpu.memory_space<semaphore_mem>>
      %dma_start3A_49 = arith.constant 0 : i32
      %dma_start3A_50 = arith.constant 0 : i32
      %dma_start3A_51 = tpu.memref_slice %arg9[%dma_start3A_49, %dma_start3A_50] : memref<128x128xf32, #tpu.memory_space<vmem>> -> memref<120x128xf32, #tpu.memory_space<vmem>>
      %dma_start3A_52 = arith.constant 0 : i32
      %dma_start3A_53 = tpu.memref_slice %arg11[%add3A_18, %dma_start3A_52] : memref<10112x128xf32, #tpu.memory_space<vmem_shared>> -> memref<120x128xf32, #tpu.memory_space<vmem_shared>>
      %dma_start3A_54 = arith.constant 0 : i32
      %dma_start3A_55 = tpu.memref_slice %arg11[%add3A_18, %dma_start3A_54] : memref<10112x128xf32, #tpu.memory_space<vmem_shared>> -> memref<120x128xf32, #tpu.memory_space<vmem_shared>>
      %dma_start3A_56 = arith.constant 0 : i32
      %dma_start3A_57 = arith.constant 0 : i32
      %dma_start3A_58 = tpu.memref_slice %arg9[%dma_start3A_56, %dma_start3A_57] : memref<128x128xf32, #tpu.memory_space<vmem>> -> memref<120x128xf32, #tpu.memory_space<vmem>>
      tpu.enqueue_dma source(%dma_start3A_58 : memref<120x128xf32, #tpu.memory_space<vmem>>) target(%dma_start3A_55 : memref<120x128xf32, #tpu.memory_space<vmem_shared>>) target_semaphore(%run_scoped3A : memref<!tpu.dma_semaphore, #tpu.memory_space<semaphore_mem>>)
      %dma_wait3A = arith.constant 0 : i32
      %dma_wait3A_59 = arith.constant 0 : i32
      %dma_wait3A_60 = tpu.memref_slice %arg9[%dma_wait3A, %dma_wait3A_59] : memref<128x128xf32, #tpu.memory_space<vmem>> -> memref<120x128xf32, #tpu.memory_space<vmem>>
      %dma_wait3A_61 = arith.constant 0 : i32
      %dma_wait3A_62 = tpu.memref_slice %arg11[%add3A_18, %dma_wait3A_61] : memref<10112x128xf32, #tpu.memory_space<vmem_shared>> -> memref<120x128xf32, #tpu.memory_space<vmem_shared>>
      %dma_wait3A_63 = arith.constant 0 : i32
      %dma_wait3A_64 = tpu.memref_slice %arg11[%add3A_18, %dma_wait3A_63] : memref<10112x128xf32, #tpu.memory_space<vmem_shared>> -> memref<120x128xf32, #tpu.memory_space<vmem_shared>>
      %dma_wait3A_65 = arith.constant 0 : i32
      %dma_wait3A_66 = arith.constant 0 : i32
      %dma_wait3A_67 = tpu.memref_slice %arg9[%dma_wait3A_65, %dma_wait3A_66] : memref<128x128xf32, #tpu.memory_space<vmem>> -> memref<120x128xf32, #tpu.memory_space<vmem>>
      tpu.wait_dma2 semaphore(%run_scoped3A : memref<!tpu.dma_semaphore, #tpu.memory_space<semaphore_mem>>) src(%dma_wait3A_67 : memref<120x128xf32, #tpu.memory_space<vmem>>) dst(%dma_wait3A_64 : memref<120x128xf32, #tpu.memory_space<vmem_shared>>)
      tpu.yield
    }) : () -> ()
    "tpu.region"() ({
      %run_scoped3A = tpu.sem_alloc : memref<!tpu.dma_semaphore, #tpu.memory_space<semaphore_mem>>
      %dma_start3A_49 = arith.constant 0 : i32
      %dma_start3A_50 = arith.constant 0 : i32
      %dma_start3A_51 = tpu.memref_slice %arg3[%add3A, %dma_start3A_49, %dma_start3A_50] : memref<32x80x128xi32, #tpu.memory_space<hbm>> -> memref<1x40x128xi32, #tpu.memory_space<hbm>>
      %dma_start3A_52 = tpu.memref_squeeze %dma_start3A_51 : memref<1x40x128xi32, #tpu.memory_space<hbm>> -> memref<40x128xi32, #tpu.memory_space<hbm>>
      %dma_start3A_53 = arith.constant 0 : i32
      %dma_start3A_54 = arith.constant 0 : i32
      %dma_start3A_55 = tpu.memref_slice %arg3[%add3A, %dma_start3A_53, %dma_start3A_54] : memref<32x80x128xi32, #tpu.memory_space<hbm>> -> memref<1x40x128xi32, #tpu.memory_space<hbm>>
      %dma_start3A_56 = tpu.memref_squeeze %dma_start3A_55 : memref<1x40x128xi32, #tpu.memory_space<hbm>> -> memref<40x128xi32, #tpu.memory_space<hbm>>
      tpu.enqueue_dma source(%dma_start3A_56 : memref<40x128xi32, #tpu.memory_space<hbm>>) target(%arg7 : memref<40x128xi32, #tpu.memory_space<vmem>>) target_semaphore(%run_scoped3A : memref<!tpu.dma_semaphore, #tpu.memory_space<semaphore_mem>>)
      %dma_wait3A = arith.constant 0 : i32
      %dma_wait3A_57 = arith.constant 0 : i32
      %dma_wait3A_58 = tpu.memref_slice %arg3[%add3A, %dma_wait3A, %dma_wait3A_57] : memref<32x80x128xi32, #tpu.memory_space<hbm>> -> memref<1x40x128xi32, #tpu.memory_space<hbm>>
      %dma_wait3A_59 = tpu.memref_squeeze %dma_wait3A_58 : memref<1x40x128xi32, #tpu.memory_space<hbm>> -> memref<40x128xi32, #tpu.memory_space<hbm>>
      %dma_wait3A_60 = arith.constant 0 : i32
      %dma_wait3A_61 = arith.constant 0 : i32
      %dma_wait3A_62 = tpu.memref_slice %arg3[%add3A, %dma_wait3A_60, %dma_wait3A_61] : memref<32x80x128xi32, #tpu.memory_space<hbm>> -> memref<1x40x128xi32, #tpu.memory_space<hbm>>
      %dma_wait3A_63 = tpu.memref_squeeze %dma_wait3A_62 : memref<1x40x128xi32, #tpu.memory_space<hbm>> -> memref<40x128xi32, #tpu.memory_space<hbm>>
      tpu.wait_dma2 semaphore(%run_scoped3A : memref<!tpu.dma_semaphore, #tpu.memory_space<semaphore_mem>>) src(%dma_wait3A_63 : memref<40x128xi32, #tpu.memory_space<hbm>>) dst(%arg7 : memref<40x128xi32, #tpu.memory_space<vmem>>)
      tpu.yield
    }) : () -> ()
    "tpu.region"() ({
      %run_scoped3A = tpu.sem_alloc : memref<!tpu.dma_semaphore, #tpu.memory_space<semaphore_mem>>
      %dma_start3A_49 = arith.constant 0 : i32
      %dma_start3A_50 = arith.constant 0 : i32
      %dma_start3A_51 = tpu.memref_slice %arg4[%add3A, %dma_start3A_49, %dma_start3A_50] : memref<32x80x128xi32, #tpu.memory_space<hbm>> -> memref<1x40x128xi32, #tpu.memory_space<hbm>>
      %dma_start3A_52 = tpu.memref_squeeze %dma_start3A_51 : memref<1x40x128xi32, #tpu.memory_space<hbm>> -> memref<40x128xi32, #tpu.memory_space<hbm>>
      %dma_start3A_53 = arith.constant 0 : i32
      %dma_start3A_54 = arith.constant 0 : i32
      %dma_start3A_55 = tpu.memref_slice %arg4[%add3A, %dma_start3A_53, %dma_start3A_54] : memref<32x80x128xi32, #tpu.memory_space<hbm>> -> memref<1x40x128xi32, #tpu.memory_space<hbm>>
      %dma_start3A_56 = tpu.memref_squeeze %dma_start3A_55 : memref<1x40x128xi32, #tpu.memory_space<hbm>> -> memref<40x128xi32, #tpu.memory_space<hbm>>
      tpu.enqueue_dma source(%dma_start3A_56 : memref<40x128xi32, #tpu.memory_space<hbm>>) target(%arg8 : memref<40x128xi32, #tpu.memory_space<vmem>>) target_semaphore(%run_scoped3A : memref<!tpu.dma_semaphore, #tpu.memory_space<semaphore_mem>>)
      %dma_wait3A = arith.constant 0 : i32
      %dma_wait3A_57 = arith.constant 0 : i32
      %dma_wait3A_58 = tpu.memref_slice %arg4[%add3A, %dma_wait3A, %dma_wait3A_57] : memref<32x80x128xi32, #tpu.memory_space<hbm>> -> memref<1x40x128xi32, #tpu.memory_space<hbm>>
      %dma_wait3A_59 = tpu.memref_squeeze %dma_wait3A_58 : memref<1x40x128xi32, #tpu.memory_space<hbm>> -> memref<40x128xi32, #tpu.memory_space<hbm>>
      %dma_wait3A_60 = arith.constant 0 : i32
      %dma_wait3A_61 = arith.constant 0 : i32
      %dma_wait3A_62 = tpu.memref_slice %arg4[%add3A, %dma_wait3A_60, %dma_wait3A_61] : memref<32x80x128xi32, #tpu.memory_space<hbm>> -> memref<1x40x128xi32, #tpu.memory_space<hbm>>
      %dma_wait3A_63 = tpu.memref_squeeze %dma_wait3A_62 : memref<1x40x128xi32, #tpu.memory_space<hbm>> -> memref<40x128xi32, #tpu.memory_space<hbm>>
      tpu.wait_dma2 semaphore(%run_scoped3A : memref<!tpu.dma_semaphore, #tpu.memory_space<semaphore_mem>>) src(%dma_wait3A_63 : memref<40x128xi32, #tpu.memory_space<hbm>>) dst(%arg8 : memref<40x128xi32, #tpu.memory_space<vmem>>)
      tpu.yield
    }) : () -> ()
    %barrier3A = arith.constant 0 : index
    tpu.barrier barrier_id(%barrier3A)
    %dma_start3A = arith.constant 0 : i32
    %dma_start3A_19 = arith.constant 0 : i32
    %dma_start3A_20 = tpu.memref_slice %arg7[%dma_start3A, %dma_start3A_19] : memref<40x128xi32, #tpu.memory_space<vmem>> -> memref<1x128xi32, #tpu.memory_space<vmem>>
    %dma_start3A_21 = tpu.memref_squeeze %dma_start3A_20 : memref<1x128xi32, #tpu.memory_space<vmem>> -> memref<128xi32, #tpu.memory_space<vmem>>
    %dma_start3A_22 = arith.constant 0 : i32
    %dma_start3A_23 = arith.constant 0 : i32
    %dma_start3A_24 = tpu.memref_slice %arg2[%dma_start3A_22, %dma_start3A_23] : memref<10000x128xf32, #tpu.memory_space<hbm>> -> memref<10000x128xf32, #tpu.memory_space<hbm>>
    tpu.enqueue_indirect_dma source(%dma_start3A_24 : memref<10000x128xf32, #tpu.memory_space<hbm>>) target(%arg9 : memref<128x128xf32, #tpu.memory_space<vmem>>) offsets(%dma_start3A_21 : memref<128xi32, #tpu.memory_space<vmem>>) semaphore(%arg12 : memref<!tpu.dma_semaphore, #tpu.memory_space<semaphore_mem>>)
    %scan3A_25 = arith.constant 0 : i32
    %scan3A_26 = arith.constant 0 : i32
    %scan3A_27 = arith.constant 20 : i32
    %scan3A_28 = arith.addi %scan3A_26, %scan3A_27 : i32
    %scan3A_29 = arith.constant 1 : i32
    scf.for %scan3A_49 = %scan3A_26 to %scan3A_28 step %scan3A_29  : i32 {
      %mul3A_50 = arith.constant 2 : i32
      %mul3A_51 = arith.muli %mul3A_50, %scan3A_49 : i32
      %add3A_52 = arith.constant 1 : i32
      %add3A_53 = arith.addi %mul3A_51, %add3A_52 : i32
      %dma_start3A_54 = arith.constant 0 : i32
      %dma_start3A_55 = tpu.memref_slice %arg7[%add3A_53, %dma_start3A_54] : memref<40x128xi32, #tpu.memory_space<vmem>> -> memref<1x128xi32, #tpu.memory_space<vmem>>
      %dma_start3A_56 = tpu.memref_squeeze %dma_start3A_55 : memref<1x128xi32, #tpu.memory_space<vmem>> -> memref<128xi32, #tpu.memory_space<vmem>>
      %dma_start3A_57 = arith.constant 0 : i32
      %dma_start3A_58 = arith.constant 0 : i32
      %dma_start3A_59 = tpu.memref_slice %arg2[%dma_start3A_57, %dma_start3A_58] : memref<10000x128xf32, #tpu.memory_space<hbm>> -> memref<10000x128xf32, #tpu.memory_space<hbm>>
      tpu.enqueue_indirect_dma source(%dma_start3A_59 : memref<10000x128xf32, #tpu.memory_space<hbm>>) target(%arg10 : memref<128x128xf32, #tpu.memory_space<vmem>>) offsets(%dma_start3A_56 : memref<128xi32, #tpu.memory_space<vmem>>) semaphore(%arg13 : memref<!tpu.dma_semaphore, #tpu.memory_space<semaphore_mem>>)
      %dma_wait3A = arith.constant 0 : i32
      %dma_wait3A_60 = tpu.memref_slice %arg7[%mul3A_51, %dma_wait3A] : memref<40x128xi32, #tpu.memory_space<vmem>> -> memref<1x128xi32, #tpu.memory_space<vmem>>
      %dma_wait3A_61 = tpu.memref_squeeze %dma_wait3A_60 : memref<1x128xi32, #tpu.memory_space<vmem>> -> memref<128xi32, #tpu.memory_space<vmem>>
      %dma_wait3A_62 = arith.constant 0 : i32
      %dma_wait3A_63 = arith.constant 0 : i32
      %dma_wait3A_64 = tpu.memref_slice %arg2[%dma_wait3A_62, %dma_wait3A_63] : memref<10000x128xf32, #tpu.memory_space<hbm>> -> memref<10000x128xf32, #tpu.memory_space<hbm>>
      tpu.wait_indirect_dma semaphore(%arg12 : memref<!tpu.dma_semaphore, #tpu.memory_space<semaphore_mem>>) src(%dma_wait3A_64 : memref<10000x128xf32, #tpu.memory_space<hbm>>) dst(%arg9 : memref<128x128xf32, #tpu.memory_space<vmem>>)
      "tpu.region"() ({
        %run_scoped3A = tpu.sem_alloc : memref<!tpu.dma_semaphore, #tpu.memory_space<semaphore_mem>>
        %dma_start3A_75 = arith.constant 0 : i32
        %dma_start3A_76 = tpu.memref_slice %arg8[%mul3A_51, %dma_start3A_75] : memref<40x128xi32, #tpu.memory_space<vmem>> -> memref<1x128xi32, #tpu.memory_space<vmem>>
        %dma_start3A_77 = tpu.memref_squeeze %dma_start3A_76 : memref<1x128xi32, #tpu.memory_space<vmem>> -> memref<128xi32, #tpu.memory_space<vmem>>
        %dma_start3A_78 = arith.constant 0 : i32
        %dma_start3A_79 = arith.constant 0 : i32
        %dma_start3A_80 = tpu.memref_slice %arg11[%dma_start3A_78, %dma_start3A_79] : memref<10112x128xf32, #tpu.memory_space<vmem_shared>> -> memref<10112x128xf32, #tpu.memory_space<vmem_shared>>
        tpu.enqueue_indirect_dma source(%arg9 : memref<128x128xf32, #tpu.memory_space<vmem>>) target(%dma_start3A_80 : memref<10112x128xf32, #tpu.memory_space<vmem_shared>>) offsets(%dma_start3A_77 : memref<128xi32, #tpu.memory_space<vmem>>) semaphore(%run_scoped3A : memref<!tpu.dma_semaphore, #tpu.memory_space<semaphore_mem>>) {add = true}
        %dma_wait3A_81 = arith.constant 0 : i32
        %dma_wait3A_82 = tpu.memref_slice %arg8[%mul3A_51, %dma_wait3A_81] : memref<40x128xi32, #tpu.memory_space<vmem>> -> memref<1x128xi32, #tpu.memory_space<vmem>>
        %dma_wait3A_83 = tpu.memref_squeeze %dma_wait3A_82 : memref<1x128xi32, #tpu.memory_space<vmem>> -> memref<128xi32, #tpu.memory_space<vmem>>
        %dma_wait3A_84 = arith.constant 0 : i32
        %dma_wait3A_85 = arith.constant 0 : i32
        %dma_wait3A_86 = tpu.memref_slice %arg11[%dma_wait3A_84, %dma_wait3A_85] : memref<10112x128xf32, #tpu.memory_space<vmem_shared>> -> memref<10112x128xf32, #tpu.memory_space<vmem_shared>>
        tpu.wait_indirect_dma semaphore(%run_scoped3A : memref<!tpu.dma_semaphore, #tpu.memory_space<semaphore_mem>>) src(%arg9 : memref<128x128xf32, #tpu.memory_space<vmem>>) dst(%dma_wait3A_86 : memref<10112x128xf32, #tpu.memory_space<vmem_shared>>)
        tpu.yield
      }) : () -> ()
      %add3A_65 = arith.constant 2 : i32
      %add3A_66 = arith.addi %mul3A_51, %add3A_65 : i32
      %lt3A = arith.constant 40 : i32
      %lt3A_67 = arith.cmpi slt, %add3A_66, %lt3A : i32
      %convert_element_type3A = arith.extui %lt3A_67 : i1 to i32
      %cond3A = arith.constant 0 : i32
      %cond3A_68 = arith.cmpi ne, %convert_element_type3A, %cond3A : i32
      scf.if %cond3A_68 {
        %add3A_75 = arith.constant 2 : i32
        %add3A_76 = arith.addi %mul3A_51, %add3A_75 : i32
        %dma_start3A_77 = arith.constant 0 : i32
        %dma_start3A_78 = tpu.memref_slice %arg7[%add3A_76, %dma_start3A_77] : memref<40x128xi32, #tpu.memory_space<vmem>> -> memref<1x128xi32, #tpu.memory_space<vmem>>
        %dma_start3A_79 = tpu.memref_squeeze %dma_start3A_78 : memref<1x128xi32, #tpu.memory_space<vmem>> -> memref<128xi32, #tpu.memory_space<vmem>>
        %dma_start3A_80 = arith.constant 0 : i32
        %dma_start3A_81 = arith.constant 0 : i32
        %dma_start3A_82 = tpu.memref_slice %arg2[%dma_start3A_80, %dma_start3A_81] : memref<10000x128xf32, #tpu.memory_space<hbm>> -> memref<10000x128xf32, #tpu.memory_space<hbm>>
        tpu.enqueue_indirect_dma source(%dma_start3A_82 : memref<10000x128xf32, #tpu.memory_space<hbm>>) target(%arg9 : memref<128x128xf32, #tpu.memory_space<vmem>>) offsets(%dma_start3A_79 : memref<128xi32, #tpu.memory_space<vmem>>) semaphore(%arg12 : memref<!tpu.dma_semaphore, #tpu.memory_space<semaphore_mem>>)
      } else {
      }
      %dma_wait3A_69 = arith.constant 0 : i32
      %dma_wait3A_70 = tpu.memref_slice %arg7[%add3A_53, %dma_wait3A_69] : memref<40x128xi32, #tpu.memory_space<vmem>> -> memref<1x128xi32, #tpu.memory_space<vmem>>
      %dma_wait3A_71 = tpu.memref_squeeze %dma_wait3A_70 : memref<1x128xi32, #tpu.memory_space<vmem>> -> memref<128xi32, #tpu.memory_space<vmem>>
      %dma_wait3A_72 = arith.constant 0 : i32
      %dma_wait3A_73 = arith.constant 0 : i32
      %dma_wait3A_74 = tpu.memref_slice %arg2[%dma_wait3A_72, %dma_wait3A_73] : memref<10000x128xf32, #tpu.memory_space<hbm>> -> memref<10000x128xf32, #tpu.memory_space<hbm>>
      tpu.wait_indirect_dma semaphore(%arg13 : memref<!tpu.dma_semaphore, #tpu.memory_space<semaphore_mem>>) src(%dma_wait3A_74 : memref<10000x128xf32, #tpu.memory_space<hbm>>) dst(%arg10 : memref<128x128xf32, #tpu.memory_space<vmem>>)
      "tpu.region"() ({
        %run_scoped3A = tpu.sem_alloc : memref<!tpu.dma_semaphore, #tpu.memory_space<semaphore_mem>>
        %dma_start3A_75 = arith.constant 0 : i32
        %dma_start3A_76 = tpu.memref_slice %arg8[%add3A_53, %dma_start3A_75] : memref<40x128xi32, #tpu.memory_space<vmem>> -> memref<1x128xi32, #tpu.memory_space<vmem>>
        %dma_start3A_77 = tpu.memref_squeeze %dma_start3A_76 : memref<1x128xi32, #tpu.memory_space<vmem>> -> memref<128xi32, #tpu.memory_space<vmem>>
        %dma_start3A_78 = arith.constant 0 : i32
        %dma_start3A_79 = arith.constant 0 : i32
        %dma_start3A_80 = tpu.memref_slice %arg11[%dma_start3A_78, %dma_start3A_79] : memref<10112x128xf32, #tpu.memory_space<vmem_shared>> -> memref<10112x128xf32, #tpu.memory_space<vmem_shared>>
        tpu.enqueue_indirect_dma source(%arg10 : memref<128x128xf32, #tpu.memory_space<vmem>>) target(%dma_start3A_80 : memref<10112x128xf32, #tpu.memory_space<vmem_shared>>) offsets(%dma_start3A_77 : memref<128xi32, #tpu.memory_space<vmem>>) semaphore(%run_scoped3A : memref<!tpu.dma_semaphore, #tpu.memory_space<semaphore_mem>>) {add = true}
        %dma_wait3A_81 = arith.constant 0 : i32
        %dma_wait3A_82 = tpu.memref_slice %arg8[%add3A_53, %dma_wait3A_81] : memref<40x128xi32, #tpu.memory_space<vmem>> -> memref<1x128xi32, #tpu.memory_space<vmem>>
        %dma_wait3A_83 = tpu.memref_squeeze %dma_wait3A_82 : memref<1x128xi32, #tpu.memory_space<vmem>> -> memref<128xi32, #tpu.memory_space<vmem>>
        %dma_wait3A_84 = arith.constant 0 : i32
        %dma_wait3A_85 = arith.constant 0 : i32
        %dma_wait3A_86 = tpu.memref_slice %arg11[%dma_wait3A_84, %dma_wait3A_85] : memref<10112x128xf32, #tpu.memory_space<vmem_shared>> -> memref<10112x128xf32, #tpu.memory_space<vmem_shared>>
        tpu.wait_indirect_dma semaphore(%run_scoped3A : memref<!tpu.dma_semaphore, #tpu.memory_space<semaphore_mem>>) src(%arg10 : memref<128x128xf32, #tpu.memory_space<vmem>>) dst(%dma_wait3A_86 : memref<10112x128xf32, #tpu.memory_space<vmem_shared>>)
        tpu.yield
      }) : () -> ()
    }
    %scan3A_30 = arith.constant 20 : i32
    "tpu.region"() ({
      %run_scoped3A = tpu.sem_alloc : memref<!tpu.dma_semaphore, #tpu.memory_space<semaphore_mem>>
      %dma_start3A_49 = arith.constant 40 : i32
      %dma_start3A_50 = arith.constant 0 : i32
      %dma_start3A_51 = tpu.memref_slice %arg3[%add3A, %dma_start3A_49, %dma_start3A_50] : memref<32x80x128xi32, #tpu.memory_space<hbm>> -> memref<1x40x128xi32, #tpu.memory_space<hbm>>
      %dma_start3A_52 = tpu.memref_squeeze %dma_start3A_51 : memref<1x40x128xi32, #tpu.memory_space<hbm>> -> memref<40x128xi32, #tpu.memory_space<hbm>>
      %dma_start3A_53 = arith.constant 40 : i32
      %dma_start3A_54 = arith.constant 0 : i32
      %dma_start3A_55 = tpu.memref_slice %arg3[%add3A, %dma_start3A_53, %dma_start3A_54] : memref<32x80x128xi32, #tpu.memory_space<hbm>> -> memref<1x40x128xi32, #tpu.memory_space<hbm>>
      %dma_start3A_56 = tpu.memref_squeeze %dma_start3A_55 : memref<1x40x128xi32, #tpu.memory_space<hbm>> -> memref<40x128xi32, #tpu.memory_space<hbm>>
      tpu.enqueue_dma source(%dma_start3A_56 : memref<40x128xi32, #tpu.memory_space<hbm>>) target(%arg7 : memref<40x128xi32, #tpu.memory_space<vmem>>) target_semaphore(%run_scoped3A : memref<!tpu.dma_semaphore, #tpu.memory_space<semaphore_mem>>)
      %dma_wait3A = arith.constant 40 : i32
      %dma_wait3A_57 = arith.constant 0 : i32
      %dma_wait3A_58 = tpu.memref_slice %arg3[%add3A, %dma_wait3A, %dma_wait3A_57] : memref<32x80x128xi32, #tpu.memory_space<hbm>> -> memref<1x40x128xi32, #tpu.memory_space<hbm>>
      %dma_wait3A_59 = tpu.memref_squeeze %dma_wait3A_58 : memref<1x40x128xi32, #tpu.memory_space<hbm>> -> memref<40x128xi32, #tpu.memory_space<hbm>>
      %dma_wait3A_60 = arith.constant 40 : i32
      %dma_wait3A_61 = arith.constant 0 : i32
      %dma_wait3A_62 = tpu.memref_slice %arg3[%add3A, %dma_wait3A_60, %dma_wait3A_61] : memref<32x80x128xi32, #tpu.memory_space<hbm>> -> memref<1x40x128xi32, #tpu.memory_space<hbm>>
      %dma_wait3A_63 = tpu.memref_squeeze %dma_wait3A_62 : memref<1x40x128xi32, #tpu.memory_space<hbm>> -> memref<40x128xi32, #tpu.memory_space<hbm>>
      tpu.wait_dma2 semaphore(%run_scoped3A : memref<!tpu.dma_semaphore, #tpu.memory_space<semaphore_mem>>) src(%dma_wait3A_63 : memref<40x128xi32, #tpu.memory_space<hbm>>) dst(%arg7 : memref<40x128xi32, #tpu.memory_space<vmem>>)
      tpu.yield
    }) : () -> ()
    "tpu.region"() ({
      %run_scoped3A = tpu.sem_alloc : memref<!tpu.dma_semaphore, #tpu.memory_space<semaphore_mem>>
      %dma_start3A_49 = arith.constant 40 : i32
      %dma_start3A_50 = arith.constant 0 : i32
      %dma_start3A_51 = tpu.memref_slice %arg4[%add3A, %dma_start3A_49, %dma_start3A_50] : memref<32x80x128xi32, #tpu.memory_space<hbm>> -> memref<1x40x128xi32, #tpu.memory_space<hbm>>
      %dma_start3A_52 = tpu.memref_squeeze %dma_start3A_51 : memref<1x40x128xi32, #tpu.memory_space<hbm>> -> memref<40x128xi32, #tpu.memory_space<hbm>>
      %dma_start3A_53 = arith.constant 40 : i32
      %dma_start3A_54 = arith.constant 0 : i32
      %dma_start3A_55 = tpu.memref_slice %arg4[%add3A, %dma_start3A_53, %dma_start3A_54] : memref<32x80x128xi32, #tpu.memory_space<hbm>> -> memref<1x40x128xi32, #tpu.memory_space<hbm>>
      %dma_start3A_56 = tpu.memref_squeeze %dma_start3A_55 : memref<1x40x128xi32, #tpu.memory_space<hbm>> -> memref<40x128xi32, #tpu.memory_space<hbm>>
      tpu.enqueue_dma source(%dma_start3A_56 : memref<40x128xi32, #tpu.memory_space<hbm>>) target(%arg8 : memref<40x128xi32, #tpu.memory_space<vmem>>) target_semaphore(%run_scoped3A : memref<!tpu.dma_semaphore, #tpu.memory_space<semaphore_mem>>)
      %dma_wait3A = arith.constant 40 : i32
      %dma_wait3A_57 = arith.constant 0 : i32
      %dma_wait3A_58 = tpu.memref_slice %arg4[%add3A, %dma_wait3A, %dma_wait3A_57] : memref<32x80x128xi32, #tpu.memory_space<hbm>> -> memref<1x40x128xi32, #tpu.memory_space<hbm>>
      %dma_wait3A_59 = tpu.memref_squeeze %dma_wait3A_58 : memref<1x40x128xi32, #tpu.memory_space<hbm>> -> memref<40x128xi32, #tpu.memory_space<hbm>>
      %dma_wait3A_60 = arith.constant 40 : i32
      %dma_wait3A_61 = arith.constant 0 : i32
      %dma_wait3A_62 = tpu.memref_slice %arg4[%add3A, %dma_wait3A_60, %dma_wait3A_61] : memref<32x80x128xi32, #tpu.memory_space<hbm>> -> memref<1x40x128xi32, #tpu.memory_space<hbm>>
      %dma_wait3A_63 = tpu.memref_squeeze %dma_wait3A_62 : memref<1x40x128xi32, #tpu.memory_space<hbm>> -> memref<40x128xi32, #tpu.memory_space<hbm>>
      tpu.wait_dma2 semaphore(%run_scoped3A : memref<!tpu.dma_semaphore, #tpu.memory_space<semaphore_mem>>) src(%dma_wait3A_63 : memref<40x128xi32, #tpu.memory_space<hbm>>) dst(%arg8 : memref<40x128xi32, #tpu.memory_space<vmem>>)
      tpu.yield
    }) : () -> ()
    %dma_start3A_31 = arith.constant 0 : i32
    %dma_start3A_32 = arith.constant 0 : i32
    %dma_start3A_33 = tpu.memref_slice %arg7[%dma_start3A_31, %dma_start3A_32] : memref<40x128xi32, #tpu.memory_space<vmem>> -> memref<1x128xi32, #tpu.memory_space<vmem>>
    %dma_start3A_34 = tpu.memref_squeeze %dma_start3A_33 : memref<1x128xi32, #tpu.memory_space<vmem>> -> memref<128xi32, #tpu.memory_space<vmem>>
    %dma_start3A_35 = arith.constant 0 : i32
    %dma_start3A_36 = arith.constant 0 : i32
    %dma_start3A_37 = tpu.memref_slice %arg2[%dma_start3A_35, %dma_start3A_36] : memref<10000x128xf32, #tpu.memory_space<hbm>> -> memref<10000x128xf32, #tpu.memory_space<hbm>>
    tpu.enqueue_indirect_dma source(%dma_start3A_37 : memref<10000x128xf32, #tpu.memory_space<hbm>>) target(%arg9 : memref<128x128xf32, #tpu.memory_space<vmem>>) offsets(%dma_start3A_34 : memref<128xi32, #tpu.memory_space<vmem>>) semaphore(%arg12 : memref<!tpu.dma_semaphore, #tpu.memory_space<semaphore_mem>>)
    %scan3A_38 = arith.constant 0 : i32
    %scan3A_39 = arith.constant 0 : i32
    %scan3A_40 = arith.constant 20 : i32
    %scan3A_41 = arith.addi %scan3A_39, %scan3A_40 : i32
    %scan3A_42 = arith.constant 1 : i32
    scf.for %scan3A_49 = %scan3A_39 to %scan3A_41 step %scan3A_42  : i32 {
      %mul3A_50 = arith.constant 2 : i32
      %mul3A_51 = arith.muli %mul3A_50, %scan3A_49 : i32
      %add3A_52 = arith.constant 1 : i32
      %add3A_53 = arith.addi %mul3A_51, %add3A_52 : i32
      %dma_start3A_54 = arith.constant 0 : i32
      %dma_start3A_55 = tpu.memref_slice %arg7[%add3A_53, %dma_start3A_54] : memref<40x128xi32, #tpu.memory_space<vmem>> -> memref<1x128xi32, #tpu.memory_space<vmem>>
      %dma_start3A_56 = tpu.memref_squeeze %dma_start3A_55 : memref<1x128xi32, #tpu.memory_space<vmem>> -> memref<128xi32, #tpu.memory_space<vmem>>
      %dma_start3A_57 = arith.constant 0 : i32
      %dma_start3A_58 = arith.constant 0 : i32
      %dma_start3A_59 = tpu.memref_slice %arg2[%dma_start3A_57, %dma_start3A_58] : memref<10000x128xf32, #tpu.memory_space<hbm>> -> memref<10000x128xf32, #tpu.memory_space<hbm>>
      tpu.enqueue_indirect_dma source(%dma_start3A_59 : memref<10000x128xf32, #tpu.memory_space<hbm>>) target(%arg10 : memref<128x128xf32, #tpu.memory_space<vmem>>) offsets(%dma_start3A_56 : memref<128xi32, #tpu.memory_space<vmem>>) semaphore(%arg13 : memref<!tpu.dma_semaphore, #tpu.memory_space<semaphore_mem>>)
      %dma_wait3A = arith.constant 0 : i32
      %dma_wait3A_60 = tpu.memref_slice %arg7[%mul3A_51, %dma_wait3A] : memref<40x128xi32, #tpu.memory_space<vmem>> -> memref<1x128xi32, #tpu.memory_space<vmem>>
      %dma_wait3A_61 = tpu.memref_squeeze %dma_wait3A_60 : memref<1x128xi32, #tpu.memory_space<vmem>> -> memref<128xi32, #tpu.memory_space<vmem>>
      %dma_wait3A_62 = arith.constant 0 : i32
      %dma_wait3A_63 = arith.constant 0 : i32
      %dma_wait3A_64 = tpu.memref_slice %arg2[%dma_wait3A_62, %dma_wait3A_63] : memref<10000x128xf32, #tpu.memory_space<hbm>> -> memref<10000x128xf32, #tpu.memory_space<hbm>>
      tpu.wait_indirect_dma semaphore(%arg12 : memref<!tpu.dma_semaphore, #tpu.memory_space<semaphore_mem>>) src(%dma_wait3A_64 : memref<10000x128xf32, #tpu.memory_space<hbm>>) dst(%arg9 : memref<128x128xf32, #tpu.memory_space<vmem>>)
      "tpu.region"() ({
        %run_scoped3A = tpu.sem_alloc : memref<!tpu.dma_semaphore, #tpu.memory_space<semaphore_mem>>
        %dma_start3A_75 = arith.constant 0 : i32
        %dma_start3A_76 = tpu.memref_slice %arg8[%mul3A_51, %dma_start3A_75] : memref<40x128xi32, #tpu.memory_space<vmem>> -> memref<1x128xi32, #tpu.memory_space<vmem>>
        %dma_start3A_77 = tpu.memref_squeeze %dma_start3A_76 : memref<1x128xi32, #tpu.memory_space<vmem>> -> memref<128xi32, #tpu.memory_space<vmem>>
        %dma_start3A_78 = arith.constant 0 : i32
        %dma_start3A_79 = arith.constant 0 : i32
        %dma_start3A_80 = tpu.memref_slice %arg11[%dma_start3A_78, %dma_start3A_79] : memref<10112x128xf32, #tpu.memory_space<vmem_shared>> -> memref<10112x128xf32, #tpu.memory_space<vmem_shared>>
        tpu.enqueue_indirect_dma source(%arg9 : memref<128x128xf32, #tpu.memory_space<vmem>>) target(%dma_start3A_80 : memref<10112x128xf32, #tpu.memory_space<vmem_shared>>) offsets(%dma_start3A_77 : memref<128xi32, #tpu.memory_space<vmem>>) semaphore(%run_scoped3A : memref<!tpu.dma_semaphore, #tpu.memory_space<semaphore_mem>>) {add = true}
        %dma_wait3A_81 = arith.constant 0 : i32
        %dma_wait3A_82 = tpu.memref_slice %arg8[%mul3A_51, %dma_wait3A_81] : memref<40x128xi32, #tpu.memory_space<vmem>> -> memref<1x128xi32, #tpu.memory_space<vmem>>
        %dma_wait3A_83 = tpu.memref_squeeze %dma_wait3A_82 : memref<1x128xi32, #tpu.memory_space<vmem>> -> memref<128xi32, #tpu.memory_space<vmem>>
        %dma_wait3A_84 = arith.constant 0 : i32
        %dma_wait3A_85 = arith.constant 0 : i32
        %dma_wait3A_86 = tpu.memref_slice %arg11[%dma_wait3A_84, %dma_wait3A_85] : memref<10112x128xf32, #tpu.memory_space<vmem_shared>> -> memref<10112x128xf32, #tpu.memory_space<vmem_shared>>
        tpu.wait_indirect_dma semaphore(%run_scoped3A : memref<!tpu.dma_semaphore, #tpu.memory_space<semaphore_mem>>) src(%arg9 : memref<128x128xf32, #tpu.memory_space<vmem>>) dst(%dma_wait3A_86 : memref<10112x128xf32, #tpu.memory_space<vmem_shared>>)
        tpu.yield
      }) : () -> ()
      %add3A_65 = arith.constant 2 : i32
      %add3A_66 = arith.addi %mul3A_51, %add3A_65 : i32
      %lt3A = arith.constant 40 : i32
      %lt3A_67 = arith.cmpi slt, %add3A_66, %lt3A : i32
      %convert_element_type3A = arith.extui %lt3A_67 : i1 to i32
      %cond3A = arith.constant 0 : i32
      %cond3A_68 = arith.cmpi ne, %convert_element_type3A, %cond3A : i32
      scf.if %cond3A_68 {
        %add3A_75 = arith.constant 2 : i32
        %add3A_76 = arith.addi %mul3A_51, %add3A_75 : i32
        %dma_start3A_77 = arith.constant 0 : i32
        %dma_start3A_78 = tpu.memref_slice %arg7[%add3A_76, %dma_start3A_77] : memref<40x128xi32, #tpu.memory_space<vmem>> -> memref<1x128xi32, #tpu.memory_space<vmem>>
        %dma_start3A_79 = tpu.memref_squeeze %dma_start3A_78 : memref<1x128xi32, #tpu.memory_space<vmem>> -> memref<128xi32, #tpu.memory_space<vmem>>
        %dma_start3A_80 = arith.constant 0 : i32
        %dma_start3A_81 = arith.constant 0 : i32
        %dma_start3A_82 = tpu.memref_slice %arg2[%dma_start3A_80, %dma_start3A_81] : memref<10000x128xf32, #tpu.memory_space<hbm>> -> memref<10000x128xf32, #tpu.memory_space<hbm>>
        tpu.enqueue_indirect_dma source(%dma_start3A_82 : memref<10000x128xf32, #tpu.memory_space<hbm>>) target(%arg9 : memref<128x128xf32, #tpu.memory_space<vmem>>) offsets(%dma_start3A_79 : memref<128xi32, #tpu.memory_space<vmem>>) semaphore(%arg12 : memref<!tpu.dma_semaphore, #tpu.memory_space<semaphore_mem>>)
      } else {
      }
      %dma_wait3A_69 = arith.constant 0 : i32
      %dma_wait3A_70 = tpu.memref_slice %arg7[%add3A_53, %dma_wait3A_69] : memref<40x128xi32, #tpu.memory_space<vmem>> -> memref<1x128xi32, #tpu.memory_space<vmem>>
      %dma_wait3A_71 = tpu.memref_squeeze %dma_wait3A_70 : memref<1x128xi32, #tpu.memory_space<vmem>> -> memref<128xi32, #tpu.memory_space<vmem>>
      %dma_wait3A_72 = arith.constant 0 : i32
      %dma_wait3A_73 = arith.constant 0 : i32
      %dma_wait3A_74 = tpu.memref_slice %arg2[%dma_wait3A_72, %dma_wait3A_73] : memref<10000x128xf32, #tpu.memory_space<hbm>> -> memref<10000x128xf32, #tpu.memory_space<hbm>>
      tpu.wait_indirect_dma semaphore(%arg13 : memref<!tpu.dma_semaphore, #tpu.memory_space<semaphore_mem>>) src(%dma_wait3A_74 : memref<10000x128xf32, #tpu.memory_space<hbm>>) dst(%arg10 : memref<128x128xf32, #tpu.memory_space<vmem>>)
      "tpu.region"() ({
        %run_scoped3A = tpu.sem_alloc : memref<!tpu.dma_semaphore, #tpu.memory_space<semaphore_mem>>
        %dma_start3A_75 = arith.constant 0 : i32
        %dma_start3A_76 = tpu.memref_slice %arg8[%add3A_53, %dma_start3A_75] : memref<40x128xi32, #tpu.memory_space<vmem>> -> memref<1x128xi32, #tpu.memory_space<vmem>>
        %dma_start3A_77 = tpu.memref_squeeze %dma_start3A_76 : memref<1x128xi32, #tpu.memory_space<vmem>> -> memref<128xi32, #tpu.memory_space<vmem>>
        %dma_start3A_78 = arith.constant 0 : i32
        %dma_start3A_79 = arith.constant 0 : i32
        %dma_start3A_80 = tpu.memref_slice %arg11[%dma_start3A_78, %dma_start3A_79] : memref<10112x128xf32, #tpu.memory_space<vmem_shared>> -> memref<10112x128xf32, #tpu.memory_space<vmem_shared>>
        tpu.enqueue_indirect_dma source(%arg10 : memref<128x128xf32, #tpu.memory_space<vmem>>) target(%dma_start3A_80 : memref<10112x128xf32, #tpu.memory_space<vmem_shared>>) offsets(%dma_start3A_77 : memref<128xi32, #tpu.memory_space<vmem>>) semaphore(%run_scoped3A : memref<!tpu.dma_semaphore, #tpu.memory_space<semaphore_mem>>) {add = true}
        %dma_wait3A_81 = arith.constant 0 : i32
        %dma_wait3A_82 = tpu.memref_slice %arg8[%add3A_53, %dma_wait3A_81] : memref<40x128xi32, #tpu.memory_space<vmem>> -> memref<1x128xi32, #tpu.memory_space<vmem>>
        %dma_wait3A_83 = tpu.memref_squeeze %dma_wait3A_82 : memref<1x128xi32, #tpu.memory_space<vmem>> -> memref<128xi32, #tpu.memory_space<vmem>>
        %dma_wait3A_84 = arith.constant 0 : i32
        %dma_wait3A_85 = arith.constant 0 : i32
        %dma_wait3A_86 = tpu.memref_slice %arg11[%dma_wait3A_84, %dma_wait3A_85] : memref<10112x128xf32, #tpu.memory_space<vmem_shared>> -> memref<10112x128xf32, #tpu.memory_space<vmem_shared>>
        tpu.wait_indirect_dma semaphore(%run_scoped3A : memref<!tpu.dma_semaphore, #tpu.memory_space<semaphore_mem>>) src(%arg10 : memref<128x128xf32, #tpu.memory_space<vmem>>) dst(%dma_wait3A_86 : memref<10112x128xf32, #tpu.memory_space<vmem_shared>>)
        tpu.yield
      }) : () -> ()
    }
    %scan3A_43 = arith.constant 20 : i32
    %barrier3A_44 = arith.constant 0 : index
    tpu.barrier barrier_id(%barrier3A_44)
    %mul3A_45 = arith.constant 632 : i32
    %mul3A_46 = arith.muli %arg1, %mul3A_45 : i32
    %mul3A_47 = arith.constant 632 : i32
    %mul3A_48 = arith.muli %arg1, %mul3A_47 : i32
    "tpu.region"() ({
      %run_scoped3A = tpu.sem_alloc : memref<!tpu.dma_semaphore, #tpu.memory_space<semaphore_mem>>
      %dma_start3A_49 = arith.constant 0 : i32
      %dma_start3A_50 = tpu.memref_slice %arg6[%arg0, %mul3A_48, %dma_start3A_49] : memref<2x10112x128xf32, #tpu.memory_space<hbm>> -> memref<1x632x128xf32, #tpu.memory_space<hbm>>
      %dma_start3A_51 = tpu.memref_squeeze %dma_start3A_50 : memref<1x632x128xf32, #tpu.memory_space<hbm>> -> memref<632x128xf32, #tpu.memory_space<hbm>>
      %dma_start3A_52 = arith.constant 0 : i32
      %dma_start3A_53 = tpu.memref_slice %arg11[%mul3A_46, %dma_start3A_52] : memref<10112x128xf32, #tpu.memory_space<vmem_shared>> -> memref<632x128xf32, #tpu.memory_space<vmem_shared>>
      tpu.enqueue_dma source(%dma_start3A_53 : memref<632x128xf32, #tpu.memory_space<vmem_shared>>) target(%dma_start3A_51 : memref<632x128xf32, #tpu.memory_space<hbm>>) target_semaphore(%run_scoped3A : memref<!tpu.dma_semaphore, #tpu.memory_space<semaphore_mem>>)
      %dma_wait3A = arith.constant 0 : i32
      %dma_wait3A_54 = tpu.memref_slice %arg6[%arg0, %mul3A_48, %dma_wait3A] : memref<2x10112x128xf32, #tpu.memory_space<hbm>> -> memref<1x632x128xf32, #tpu.memory_space<hbm>>
      %dma_wait3A_55 = tpu.memref_squeeze %dma_wait3A_54 : memref<1x632x128xf32, #tpu.memory_space<hbm>> -> memref<632x128xf32, #tpu.memory_space<hbm>>
      %dma_wait3A_56 = arith.constant 0 : i32
      %dma_wait3A_57 = tpu.memref_slice %arg11[%mul3A_46, %dma_wait3A_56] : memref<10112x128xf32, #tpu.memory_space<vmem_shared>> -> memref<632x128xf32, #tpu.memory_space<vmem_shared>>
      tpu.wait_dma2 semaphore(%run_scoped3A : memref<!tpu.dma_semaphore, #tpu.memory_space<semaphore_mem>>) src(%dma_wait3A_57 : memref<632x128xf32, #tpu.memory_space<vmem_shared>>) dst(%dma_wait3A_55 : memref<632x128xf32, #tpu.memory_space<hbm>>)
      tpu.yield
    }) : () -> ()
    return
  }
}

#map = affine_map<(d0, d1) -> (0, 0, 0)>
#map1 = affine_map<(d0, d1) -> (0, 0)>
module attributes {stable_mosaic.version = 14 : i64} {
  func.func @_deg_kernel(%arg0: i32, %arg1: i32, %arg2: memref<32x80x128xi32, #tpu.memory_space<hbm>>, %arg3: memref<128x128xf32, #tpu.memory_space<hbm>>, %arg4: memref<10112x128xf32, #tpu.memory_space<hbm>>, %arg5: memref<2x10112x128xf32, #tpu.memory_space<hbm>>, %arg6: memref<80x128xi32, #tpu.memory_space<vmem>>, %arg7: memref<128x128xf32, #tpu.memory_space<vmem>>, %arg8: memref<10112x128xf32, #tpu.memory_space<vmem_shared>>) attributes {dimension_semantics = [#tpu.dimension_semantics<core_parallel>, #tpu.dimension_semantics<subcore_parallel>], iteration_bounds = array<i64: 2, 16>, scalar_prefetch = 0 : i64, scratch_operands = 3 : i64, tpu.core_type = #tpu.core_type<sc_vector_subcore>, window_params = [{transform_indices = #map}, {transform_indices = #map1}, {transform_indices = #map1}, {transform_indices = #map}]} {
    %mul3A = arith.constant 16 : i32
    %mul3A_0 = arith.muli %arg0, %mul3A : i32
    %add3A = arith.addi %mul3A_0, %arg1 : i32
    %mul3A_1 = arith.constant 632 : i32
    %mul3A_2 = arith.muli %arg1, %mul3A_1 : i32
    %mul3A_3 = arith.constant 632 : i32
    %mul3A_4 = arith.muli %arg1, %mul3A_3 : i32
    "tpu.region"() ({
      %run_scoped3A = tpu.sem_alloc : memref<!tpu.dma_semaphore, #tpu.memory_space<semaphore_mem>>
      %dma_start3A = arith.constant 0 : i32
      %dma_start3A_15 = tpu.memref_slice %arg8[%mul3A_4, %dma_start3A] : memref<10112x128xf32, #tpu.memory_space<vmem_shared>> -> memref<632x128xf32, #tpu.memory_space<vmem_shared>>
      %dma_start3A_16 = arith.constant 0 : i32
      %dma_start3A_17 = tpu.memref_slice %arg4[%mul3A_2, %dma_start3A_16] : memref<10112x128xf32, #tpu.memory_space<hbm>> -> memref<632x128xf32, #tpu.memory_space<hbm>>
      tpu.enqueue_dma source(%dma_start3A_17 : memref<632x128xf32, #tpu.memory_space<hbm>>) target(%dma_start3A_15 : memref<632x128xf32, #tpu.memory_space<vmem_shared>>) target_semaphore(%run_scoped3A : memref<!tpu.dma_semaphore, #tpu.memory_space<semaphore_mem>>)
      %dma_wait3A = arith.constant 0 : i32
      %dma_wait3A_18 = tpu.memref_slice %arg8[%mul3A_4, %dma_wait3A] : memref<10112x128xf32, #tpu.memory_space<vmem_shared>> -> memref<632x128xf32, #tpu.memory_space<vmem_shared>>
      %dma_wait3A_19 = arith.constant 0 : i32
      %dma_wait3A_20 = tpu.memref_slice %arg4[%mul3A_2, %dma_wait3A_19] : memref<10112x128xf32, #tpu.memory_space<hbm>> -> memref<632x128xf32, #tpu.memory_space<hbm>>
      tpu.wait_dma2 semaphore(%run_scoped3A : memref<!tpu.dma_semaphore, #tpu.memory_space<semaphore_mem>>) src(%dma_wait3A_20 : memref<632x128xf32, #tpu.memory_space<hbm>>) dst(%dma_wait3A_18 : memref<632x128xf32, #tpu.memory_space<vmem_shared>>)
      tpu.yield
    }) : () -> ()
    "tpu.region"() ({
      %run_scoped3A = tpu.sem_alloc : memref<!tpu.dma_semaphore, #tpu.memory_space<semaphore_mem>>
      %dma_start3A = arith.constant 0 : i32
      %dma_start3A_15 = arith.constant 0 : i32
      %dma_start3A_16 = tpu.memref_slice %arg2[%add3A, %dma_start3A, %dma_start3A_15] : memref<32x80x128xi32, #tpu.memory_space<hbm>> -> memref<1x80x128xi32, #tpu.memory_space<hbm>>
      %dma_start3A_17 = tpu.memref_squeeze %dma_start3A_16 : memref<1x80x128xi32, #tpu.memory_space<hbm>> -> memref<80x128xi32, #tpu.memory_space<hbm>>
      %dma_start3A_18 = arith.constant 0 : i32
      %dma_start3A_19 = arith.constant 0 : i32
      %dma_start3A_20 = tpu.memref_slice %arg2[%add3A, %dma_start3A_18, %dma_start3A_19] : memref<32x80x128xi32, #tpu.memory_space<hbm>> -> memref<1x80x128xi32, #tpu.memory_space<hbm>>
      %dma_start3A_21 = tpu.memref_squeeze %dma_start3A_20 : memref<1x80x128xi32, #tpu.memory_space<hbm>> -> memref<80x128xi32, #tpu.memory_space<hbm>>
      tpu.enqueue_dma source(%dma_start3A_21 : memref<80x128xi32, #tpu.memory_space<hbm>>) target(%arg6 : memref<80x128xi32, #tpu.memory_space<vmem>>) target_semaphore(%run_scoped3A : memref<!tpu.dma_semaphore, #tpu.memory_space<semaphore_mem>>)
      %dma_wait3A = arith.constant 0 : i32
      %dma_wait3A_22 = arith.constant 0 : i32
      %dma_wait3A_23 = tpu.memref_slice %arg2[%add3A, %dma_wait3A, %dma_wait3A_22] : memref<32x80x128xi32, #tpu.memory_space<hbm>> -> memref<1x80x128xi32, #tpu.memory_space<hbm>>
      %dma_wait3A_24 = tpu.memref_squeeze %dma_wait3A_23 : memref<1x80x128xi32, #tpu.memory_space<hbm>> -> memref<80x128xi32, #tpu.memory_space<hbm>>
      %dma_wait3A_25 = arith.constant 0 : i32
      %dma_wait3A_26 = arith.constant 0 : i32
      %dma_wait3A_27 = tpu.memref_slice %arg2[%add3A, %dma_wait3A_25, %dma_wait3A_26] : memref<32x80x128xi32, #tpu.memory_space<hbm>> -> memref<1x80x128xi32, #tpu.memory_space<hbm>>
      %dma_wait3A_28 = tpu.memref_squeeze %dma_wait3A_27 : memref<1x80x128xi32, #tpu.memory_space<hbm>> -> memref<80x128xi32, #tpu.memory_space<hbm>>
      tpu.wait_dma2 semaphore(%run_scoped3A : memref<!tpu.dma_semaphore, #tpu.memory_space<semaphore_mem>>) src(%dma_wait3A_28 : memref<80x128xi32, #tpu.memory_space<hbm>>) dst(%arg6 : memref<80x128xi32, #tpu.memory_space<vmem>>)
      tpu.yield
    }) : () -> ()
    "tpu.region"() ({
      %run_scoped3A = tpu.sem_alloc : memref<!tpu.dma_semaphore, #tpu.memory_space<semaphore_mem>>
      tpu.enqueue_dma source(%arg3 : memref<128x128xf32, #tpu.memory_space<hbm>>) target(%arg7 : memref<128x128xf32, #tpu.memory_space<vmem>>) target_semaphore(%run_scoped3A : memref<!tpu.dma_semaphore, #tpu.memory_space<semaphore_mem>>)
      tpu.wait_dma2 semaphore(%run_scoped3A : memref<!tpu.dma_semaphore, #tpu.memory_space<semaphore_mem>>) src(%arg3 : memref<128x128xf32, #tpu.memory_space<hbm>>) dst(%arg7 : memref<128x128xf32, #tpu.memory_space<vmem>>)
      tpu.yield
    }) : () -> ()
    %barrier3A = arith.constant 0 : index
    tpu.barrier barrier_id(%barrier3A)
    %scan3A = arith.constant 0 : i32
    %scan3A_5 = arith.constant 0 : i32
    %scan3A_6 = arith.constant 80 : i32
    %scan3A_7 = arith.addi %scan3A_5, %scan3A_6 : i32
    %scan3A_8 = arith.constant 1 : i32
    scf.for %scan3A_15 = %scan3A_5 to %scan3A_7 step %scan3A_8  : i32 {
      "tpu.region"() ({
        %run_scoped3A = tpu.sem_alloc : memref<!tpu.dma_semaphore, #tpu.memory_space<semaphore_mem>>
        %dma_start3A = arith.constant 0 : i32
        %dma_start3A_16 = tpu.memref_slice %arg6[%scan3A_15, %dma_start3A] : memref<80x128xi32, #tpu.memory_space<vmem>> -> memref<1x128xi32, #tpu.memory_space<vmem>>
        %dma_start3A_17 = tpu.memref_squeeze %dma_start3A_16 : memref<1x128xi32, #tpu.memory_space<vmem>> -> memref<128xi32, #tpu.memory_space<vmem>>
        %dma_start3A_18 = arith.constant 0 : i32
        %dma_start3A_19 = arith.constant 0 : i32
        %dma_start3A_20 = tpu.memref_slice %arg8[%dma_start3A_18, %dma_start3A_19] : memref<10112x128xf32, #tpu.memory_space<vmem_shared>> -> memref<10112x128xf32, #tpu.memory_space<vmem_shared>>
        tpu.enqueue_indirect_dma source(%arg7 : memref<128x128xf32, #tpu.memory_space<vmem>>) target(%dma_start3A_20 : memref<10112x128xf32, #tpu.memory_space<vmem_shared>>) offsets(%dma_start3A_17 : memref<128xi32, #tpu.memory_space<vmem>>) semaphore(%run_scoped3A : memref<!tpu.dma_semaphore, #tpu.memory_space<semaphore_mem>>) {add = true}
        %dma_wait3A = arith.constant 0 : i32
        %dma_wait3A_21 = tpu.memref_slice %arg6[%scan3A_15, %dma_wait3A] : memref<80x128xi32, #tpu.memory_space<vmem>> -> memref<1x128xi32, #tpu.memory_space<vmem>>
        %dma_wait3A_22 = tpu.memref_squeeze %dma_wait3A_21 : memref<1x128xi32, #tpu.memory_space<vmem>> -> memref<128xi32, #tpu.memory_space<vmem>>
        %dma_wait3A_23 = arith.constant 0 : i32
        %dma_wait3A_24 = arith.constant 0 : i32
        %dma_wait3A_25 = tpu.memref_slice %arg8[%dma_wait3A_23, %dma_wait3A_24] : memref<10112x128xf32, #tpu.memory_space<vmem_shared>> -> memref<10112x128xf32, #tpu.memory_space<vmem_shared>>
        tpu.wait_indirect_dma semaphore(%run_scoped3A : memref<!tpu.dma_semaphore, #tpu.memory_space<semaphore_mem>>) src(%arg7 : memref<128x128xf32, #tpu.memory_space<vmem>>) dst(%dma_wait3A_25 : memref<10112x128xf32, #tpu.memory_space<vmem_shared>>)
        tpu.yield
      }) : () -> ()
    }
    %scan3A_9 = arith.constant 80 : i32
    %barrier3A_10 = arith.constant 0 : index
    tpu.barrier barrier_id(%barrier3A_10)
    %mul3A_11 = arith.constant 632 : i32
    %mul3A_12 = arith.muli %arg1, %mul3A_11 : i32
    %mul3A_13 = arith.constant 632 : i32
    %mul3A_14 = arith.muli %arg1, %mul3A_13 : i32
    "tpu.region"() ({
      %run_scoped3A = tpu.sem_alloc : memref<!tpu.dma_semaphore, #tpu.memory_space<semaphore_mem>>
      %dma_start3A = arith.constant 0 : i32
      %dma_start3A_15 = tpu.memref_slice %arg5[%arg0, %mul3A_14, %dma_start3A] : memref<2x10112x128xf32, #tpu.memory_space<hbm>> -> memref<1x632x128xf32, #tpu.memory_space<hbm>>
      %dma_start3A_16 = tpu.memref_squeeze %dma_start3A_15 : memref<1x632x128xf32, #tpu.memory_space<hbm>> -> memref<632x128xf32, #tpu.memory_space<hbm>>
      %dma_start3A_17 = arith.constant 0 : i32
      %dma_start3A_18 = tpu.memref_slice %arg8[%mul3A_12, %dma_start3A_17] : memref<10112x128xf32, #tpu.memory_space<vmem_shared>> -> memref<632x128xf32, #tpu.memory_space<vmem_shared>>
      tpu.enqueue_dma source(%dma_start3A_18 : memref<632x128xf32, #tpu.memory_space<vmem_shared>>) target(%dma_start3A_16 : memref<632x128xf32, #tpu.memory_space<hbm>>) target_semaphore(%run_scoped3A : memref<!tpu.dma_semaphore, #tpu.memory_space<semaphore_mem>>)
      %dma_wait3A = arith.constant 0 : i32
      %dma_wait3A_19 = tpu.memref_slice %arg5[%arg0, %mul3A_14, %dma_wait3A] : memref<2x10112x128xf32, #tpu.memory_space<hbm>> -> memref<1x632x128xf32, #tpu.memory_space<hbm>>
      %dma_wait3A_20 = tpu.memref_squeeze %dma_wait3A_19 : memref<1x632x128xf32, #tpu.memory_space<hbm>> -> memref<632x128xf32, #tpu.memory_space<hbm>>
      %dma_wait3A_21 = arith.constant 0 : i32
      %dma_wait3A_22 = tpu.memref_slice %arg8[%mul3A_12, %dma_wait3A_21] : memref<10112x128xf32, #tpu.memory_space<vmem_shared>> -> memref<632x128xf32, #tpu.memory_space<vmem_shared>>
      tpu.wait_dma2 semaphore(%run_scoped3A : memref<!tpu.dma_semaphore, #tpu.memory_space<semaphore_mem>>) src(%dma_wait3A_22 : memref<632x128xf32, #tpu.memory_space<vmem_shared>>) dst(%dma_wait3A_20 : memref<632x128xf32, #tpu.memory_space<hbm>>)
      tpu.yield
    }) : () -> ()
    return
  }
}

#map = affine_map<(d0, d1) -> (0, 0)>
#map1 = affine_map<(d0, d1) -> (0, 0, 0)>
module attributes {stable_mosaic.version = 14 : i64} {
  func.func @_agg_kernel(%arg0: i32, %arg1: i32, %arg2: memref<10000x128xf32, #tpu.memory_space<hbm>>, %arg3: memref<32x80x128xi32, #tpu.memory_space<hbm>>, %arg4: memref<32x80x128xi32, #tpu.memory_space<hbm>>, %arg5: memref<10112x128xf32, #tpu.memory_space<hbm>>, %arg6: memref<2x10112x128xf32, #tpu.memory_space<hbm>>, %arg7: memref<40x128xi32, #tpu.memory_space<vmem>>, %arg8: memref<40x128xi32, #tpu.memory_space<vmem>>, %arg9: memref<128x128xf32, #tpu.memory_space<vmem>>, %arg10: memref<128x128xf32, #tpu.memory_space<vmem>>, %arg11: memref<10112x128xf32, #tpu.memory_space<vmem_shared>>, %arg12: memref<!tpu.dma_semaphore, #tpu.memory_space<semaphore_mem>>, %arg13: memref<!tpu.dma_semaphore, #tpu.memory_space<semaphore_mem>>) attributes {dimension_semantics = [#tpu.dimension_semantics<core_parallel>, #tpu.dimension_semantics<subcore_parallel>], iteration_bounds = array<i64: 2, 16>, scalar_prefetch = 0 : i64, scratch_operands = 7 : i64, tpu.core_type = #tpu.core_type<sc_vector_subcore>, window_params = [{transform_indices = #map}, {transform_indices = #map1}, {transform_indices = #map1}, {transform_indices = #map}, {transform_indices = #map1}]} {
    %mul3A = arith.constant 16 : i32
    %mul3A_0 = arith.muli %arg0, %mul3A : i32
    %add3A = arith.addi %mul3A_0, %arg1 : i32
    %broadcast_in_dim3A = arith.constant 0.000000e+00 : f32
    %broadcast_in_dim3A_1 = vector.broadcast %broadcast_in_dim3A : f32 to vector<16xf32>
    %scan3A = arith.constant 0 : i32
    %scan3A_2 = arith.constant 0 : i32
    %scan3A_3 = arith.constant 128 : i32
    %scan3A_4 = arith.addi %scan3A_2, %scan3A_3 : i32
    %scan3A_5 = arith.constant 1 : i32
    scf.for %scan3A_49 = %scan3A_2 to %scan3A_4 step %scan3A_5  : i32 {
      %swap3A = arith.index_cast %scan3A_49 : i32 to index
      %swap3A_50 = arith.constant 0 : index
      %swap3A_51 = tpu.vector_load %arg9[%swap3A, %swap3A_50] {strides = array<i32>} : memref<128x128xf32, #tpu.memory_space<vmem>>, vector<1x16xf32>,
      %swap3A_52 = vector.shape_cast %swap3A_51 : vector<1x16xf32> to vector<16xf32>
      %swap3A_53 = vector.shape_cast %broadcast_in_dim3A_1 : vector<16xf32> to vector<1x16xf32>
      tpu.vector_store %arg9[%swap3A, %swap3A_50], %swap3A_53 {strides = array<i32>} : memref<128x128xf32, #tpu.memory_space<vmem>>, vector<1x16xf32>,
      %swap3A_54 = arith.index_cast %scan3A_49 : i32 to index
      %swap3A_55 = arith.constant 16 : index
      %swap3A_56 = tpu.vector_load %arg9[%swap3A_54, %swap3A_55] {strides = array<i32>} : memref<128x128xf32, #tpu.memory_space<vmem>>, vector<1x16xf32>,
      %swap3A_57 = vector.shape_cast %swap3A_56 : vector<1x16xf32> to vector<16xf32>
      %swap3A_58 = vector.shape_cast %broadcast_in_dim3A_1 : vector<16xf32> to vector<1x16xf32>
      tpu.vector_store %arg9[%swap3A_54, %swap3A_55], %swap3A_58 {strides = array<i32>} : memref<128x128xf32, #tpu.memory_space<vmem>>, vector<1x16xf32>,
      %swap3A_59 = arith.index_cast %scan3A_49 : i32 to index
      %swap3A_60 = arith.constant 32 : index
      %swap3A_61 = tpu.vector_load %arg9[%swap3A_59, %swap3A_60] {strides = array<i32>} : memref<128x128xf32, #tpu.memory_space<vmem>>, vector<1x16xf32>,
      %swap3A_62 = vector.shape_cast %swap3A_61 : vector<1x16xf32> to vector<16xf32>
      %swap3A_63 = vector.shape_cast %broadcast_in_dim3A_1 : vector<16xf32> to vector<1x16xf32>
      tpu.vector_store %arg9[%swap3A_59, %swap3A_60], %swap3A_63 {strides = array<i32>} : memref<128x128xf32, #tpu.memory_space<vmem>>, vector<1x16xf32>,
      %swap3A_64 = arith.index_cast %scan3A_49 : i32 to index
      %swap3A_65 = arith.constant 48 : index
      %swap3A_66 = tpu.vector_load %arg9[%swap3A_64, %swap3A_65] {strides = array<i32>} : memref<128x128xf32, #tpu.memory_space<vmem>>, vector<1x16xf32>,
      %swap3A_67 = vector.shape_cast %swap3A_66 : vector<1x16xf32> to vector<16xf32>
      %swap3A_68 = vector.shape_cast %broadcast_in_dim3A_1 : vector<16xf32> to vector<1x16xf32>
      tpu.vector_store %arg9[%swap3A_64, %swap3A_65], %swap3A_68 {strides = array<i32>} : memref<128x128xf32, #tpu.memory_space<vmem>>, vector<1x16xf32>,
      %swap3A_69 = arith.index_cast %scan3A_49 : i32 to index
      %swap3A_70 = arith.constant 64 : index
      %swap3A_71 = tpu.vector_load %arg9[%swap3A_69, %swap3A_70] {strides = array<i32>} : memref<128x128xf32, #tpu.memory_space<vmem>>, vector<1x16xf32>,
      %swap3A_72 = vector.shape_cast %swap3A_71 : vector<1x16xf32> to vector<16xf32>
      %swap3A_73 = vector.shape_cast %broadcast_in_dim3A_1 : vector<16xf32> to vector<1x16xf32>
      tpu.vector_store %arg9[%swap3A_69, %swap3A_70], %swap3A_73 {strides = array<i32>} : memref<128x128xf32, #tpu.memory_space<vmem>>, vector<1x16xf32>,
      %swap3A_74 = arith.index_cast %scan3A_49 : i32 to index
      %swap3A_75 = arith.constant 80 : index
      %swap3A_76 = tpu.vector_load %arg9[%swap3A_74, %swap3A_75] {strides = array<i32>} : memref<128x128xf32, #tpu.memory_space<vmem>>, vector<1x16xf32>,
      %swap3A_77 = vector.shape_cast %swap3A_76 : vector<1x16xf32> to vector<16xf32>
      %swap3A_78 = vector.shape_cast %broadcast_in_dim3A_1 : vector<16xf32> to vector<1x16xf32>
      tpu.vector_store %arg9[%swap3A_74, %swap3A_75], %swap3A_78 {strides = array<i32>} : memref<128x128xf32, #tpu.memory_space<vmem>>, vector<1x16xf32>,
      %swap3A_79 = arith.index_cast %scan3A_49 : i32 to index
      %swap3A_80 = arith.constant 96 : index
      %swap3A_81 = tpu.vector_load %arg9[%swap3A_79, %swap3A_80] {strides = array<i32>} : memref<128x128xf32, #tpu.memory_space<vmem>>, vector<1x16xf32>,
      %swap3A_82 = vector.shape_cast %swap3A_81 : vector<1x16xf32> to vector<16xf32>
      %swap3A_83 = vector.shape_cast %broadcast_in_dim3A_1 : vector<16xf32> to vector<1x16xf32>
      tpu.vector_store %arg9[%swap3A_79, %swap3A_80], %swap3A_83 {strides = array<i32>} : memref<128x128xf32, #tpu.memory_space<vmem>>, vector<1x16xf32>,
      %swap3A_84 = arith.index_cast %scan3A_49 : i32 to index
      %swap3A_85 = arith.constant 112 : index
      %swap3A_86 = tpu.vector_load %arg9[%swap3A_84, %swap3A_85] {strides = array<i32>} : memref<128x128xf32, #tpu.memory_space<vmem>>, vector<1x16xf32>,
      %swap3A_87 = vector.shape_cast %swap3A_86 : vector<1x16xf32> to vector<16xf32>
      %swap3A_88 = vector.shape_cast %broadcast_in_dim3A_1 : vector<16xf32> to vector<1x16xf32>
      tpu.vector_store %arg9[%swap3A_84, %swap3A_85], %swap3A_88 {strides = array<i32>} : memref<128x128xf32, #tpu.memory_space<vmem>>, vector<1x16xf32>,
    }
    %scan3A_6 = arith.constant 128 : i32
    %mul3A_7 = arith.constant 632 : i32
    %mul3A_8 = arith.muli %arg1, %mul3A_7 : i32
    %add3A_9 = arith.constant 0 : i32
    %add3A_10 = arith.addi %mul3A_8, %add3A_9 : i32
    "tpu.region"() ({
      %run_scoped3A = tpu.sem_alloc : memref<!tpu.dma_semaphore, #tpu.memory_space<semaphore_mem>>
      %dma_start3A_49 = arith.constant 0 : i32
      %dma_start3A_50 = tpu.memref_slice %arg11[%add3A_10, %dma_start3A_49] : memref<10112x128xf32, #tpu.memory_space<vmem_shared>> -> memref<128x128xf32, #tpu.memory_space<vmem_shared>>
      %dma_start3A_51 = arith.constant 0 : i32
      %dma_start3A_52 = tpu.memref_slice %arg11[%add3A_10, %dma_start3A_51] : memref<10112x128xf32, #tpu.memory_space<vmem_shared>> -> memref<128x128xf32, #tpu.memory_space<vmem_shared>>
      tpu.enqueue_dma source(%arg9 : memref<128x128xf32, #tpu.memory_space<vmem>>) target(%dma_start3A_52 : memref<128x128xf32, #tpu.memory_space<vmem_shared>>) target_semaphore(%run_scoped3A : memref<!tpu.dma_semaphore, #tpu.memory_space<semaphore_mem>>)
      %dma_wait3A = arith.constant 0 : i32
      %dma_wait3A_53 = tpu.memref_slice %arg11[%add3A_10, %dma_wait3A] : memref<10112x128xf32, #tpu.memory_space<vmem_shared>> -> memref<128x128xf32, #tpu.memory_space<vmem_shared>>
      %dma_wait3A_54 = arith.constant 0 : i32
      %dma_wait3A_55 = tpu.memref_slice %arg11[%add3A_10, %dma_wait3A_54] : memref<10112x128xf32, #tpu.memory_space<vmem_shared>> -> memref<128x128xf32, #tpu.memory_space<vmem_shared>>
      tpu.wait_dma2 semaphore(%run_scoped3A : memref<!tpu.dma_semaphore, #tpu.memory_space<semaphore_mem>>) src(%arg9 : memref<128x128xf32, #tpu.memory_space<vmem>>) dst(%dma_wait3A_55 : memref<128x128xf32, #tpu.memory_space<vmem_shared>>)
      tpu.yield
    }) : () -> ()
    %add3A_11 = arith.constant 128 : i32
    %add3A_12 = arith.addi %mul3A_8, %add3A_11 : i32
    "tpu.region"() ({
      %run_scoped3A = tpu.sem_alloc : memref<!tpu.dma_semaphore, #tpu.memory_space<semaphore_mem>>
      %dma_start3A_49 = arith.constant 0 : i32
      %dma_start3A_50 = tpu.memref_slice %arg11[%add3A_12, %dma_start3A_49] : memref<10112x128xf32, #tpu.memory_space<vmem_shared>> -> memref<128x128xf32, #tpu.memory_space<vmem_shared>>
      %dma_start3A_51 = arith.constant 0 : i32
      %dma_start3A_52 = tpu.memref_slice %arg11[%add3A_12, %dma_start3A_51] : memref<10112x128xf32, #tpu.memory_space<vmem_shared>> -> memref<128x128xf32, #tpu.memory_space<vmem_shared>>
      tpu.enqueue_dma source(%arg9 : memref<128x128xf32, #tpu.memory_space<vmem>>) target(%dma_start3A_52 : memref<128x128xf32, #tpu.memory_space<vmem_shared>>) target_semaphore(%run_scoped3A : memref<!tpu.dma_semaphore, #tpu.memory_space<semaphore_mem>>)
      %dma_wait3A = arith.constant 0 : i32
      %dma_wait3A_53 = tpu.memref_slice %arg11[%add3A_12, %dma_wait3A] : memref<10112x128xf32, #tpu.memory_space<vmem_shared>> -> memref<128x128xf32, #tpu.memory_space<vmem_shared>>
      %dma_wait3A_54 = arith.constant 0 : i32
      %dma_wait3A_55 = tpu.memref_slice %arg11[%add3A_12, %dma_wait3A_54] : memref<10112x128xf32, #tpu.memory_space<vmem_shared>> -> memref<128x128xf32, #tpu.memory_space<vmem_shared>>
      tpu.wait_dma2 semaphore(%run_scoped3A : memref<!tpu.dma_semaphore, #tpu.memory_space<semaphore_mem>>) src(%arg9 : memref<128x128xf32, #tpu.memory_space<vmem>>) dst(%dma_wait3A_55 : memref<128x128xf32, #tpu.memory_space<vmem_shared>>)
      tpu.yield
    }) : () -> ()
    %add3A_13 = arith.constant 256 : i32
    %add3A_14 = arith.addi %mul3A_8, %add3A_13 : i32
    "tpu.region"() ({
      %run_scoped3A = tpu.sem_alloc : memref<!tpu.dma_semaphore, #tpu.memory_space<semaphore_mem>>
      %dma_start3A_49 = arith.constant 0 : i32
      %dma_start3A_50 = tpu.memref_slice %arg11[%add3A_14, %dma_start3A_49] : memref<10112x128xf32, #tpu.memory_space<vmem_shared>> -> memref<128x128xf32, #tpu.memory_space<vmem_shared>>
      %dma_start3A_51 = arith.constant 0 : i32
      %dma_start3A_52 = tpu.memref_slice %arg11[%add3A_14, %dma_start3A_51] : memref<10112x128xf32, #tpu.memory_space<vmem_shared>> -> memref<128x128xf32, #tpu.memory_space<vmem_shared>>
      tpu.enqueue_dma source(%arg9 : memref<128x128xf32, #tpu.memory_space<vmem>>) target(%dma_start3A_52 : memref<128x128xf32, #tpu.memory_space<vmem_shared>>) target_semaphore(%run_scoped3A : memref<!tpu.dma_semaphore, #tpu.memory_space<semaphore_mem>>)
      %dma_wait3A = arith.constant 0 : i32
      %dma_wait3A_53 = tpu.memref_slice %arg11[%add3A_14, %dma_wait3A] : memref<10112x128xf32, #tpu.memory_space<vmem_shared>> -> memref<128x128xf32, #tpu.memory_space<vmem_shared>>
      %dma_wait3A_54 = arith.constant 0 : i32
      %dma_wait3A_55 = tpu.memref_slice %arg11[%add3A_14, %dma_wait3A_54] : memref<10112x128xf32, #tpu.memory_space<vmem_shared>> -> memref<128x128xf32, #tpu.memory_space<vmem_shared>>
      tpu.wait_dma2 semaphore(%run_scoped3A : memref<!tpu.dma_semaphore, #tpu.memory_space<semaphore_mem>>) src(%arg9 : memref<128x128xf32, #tpu.memory_space<vmem>>) dst(%dma_wait3A_55 : memref<128x128xf32, #tpu.memory_space<vmem_shared>>)
      tpu.yield
    }) : () -> ()
    %add3A_15 = arith.constant 384 : i32
    %add3A_16 = arith.addi %mul3A_8, %add3A_15 : i32
    "tpu.region"() ({
      %run_scoped3A = tpu.sem_alloc : memref<!tpu.dma_semaphore, #tpu.memory_space<semaphore_mem>>
      %dma_start3A_49 = arith.constant 0 : i32
      %dma_start3A_50 = tpu.memref_slice %arg11[%add3A_16, %dma_start3A_49] : memref<10112x128xf32, #tpu.memory_space<vmem_shared>> -> memref<128x128xf32, #tpu.memory_space<vmem_shared>>
      %dma_start3A_51 = arith.constant 0 : i32
      %dma_start3A_52 = tpu.memref_slice %arg11[%add3A_16, %dma_start3A_51] : memref<10112x128xf32, #tpu.memory_space<vmem_shared>> -> memref<128x128xf32, #tpu.memory_space<vmem_shared>>
      tpu.enqueue_dma source(%arg9 : memref<128x128xf32, #tpu.memory_space<vmem>>) target(%dma_start3A_52 : memref<128x128xf32, #tpu.memory_space<vmem_shared>>) target_semaphore(%run_scoped3A : memref<!tpu.dma_semaphore, #tpu.memory_space<semaphore_mem>>)
      %dma_wait3A = arith.constant 0 : i32
      %dma_wait3A_53 = tpu.memref_slice %arg11[%add3A_16, %dma_wait3A] : memref<10112x128xf32, #tpu.memory_space<vmem_shared>> -> memref<128x128xf32, #tpu.memory_space<vmem_shared>>
      %dma_wait3A_54 = arith.constant 0 : i32
      %dma_wait3A_55 = tpu.memref_slice %arg11[%add3A_16, %dma_wait3A_54] : memref<10112x128xf32, #tpu.memory_space<vmem_shared>> -> memref<128x128xf32, #tpu.memory_space<vmem_shared>>
      tpu.wait_dma2 semaphore(%run_scoped3A : memref<!tpu.dma_semaphore, #tpu.memory_space<semaphore_mem>>) src(%arg9 : memref<128x128xf32, #tpu.memory_space<vmem>>) dst(%dma_wait3A_55 : memref<128x128xf32, #tpu.memory_space<vmem_shared>>)
      tpu.yield
    }) : () -> ()
    %add3A_17 = arith.constant 512 : i32
    %add3A_18 = arith.addi %mul3A_8, %add3A_17 : i32
    "tpu.region"() ({
      %run_scoped3A = tpu.sem_alloc : memref<!tpu.dma_semaphore, #tpu.memory_space<semaphore_mem>>
      %dma_start3A_49 = arith.constant 0 : i32
      %dma_start3A_50 = arith.constant 0 : i32
      %dma_start3A_51 = tpu.memref_slice %arg9[%dma_start3A_49, %dma_start3A_50] : memref<128x128xf32, #tpu.memory_space<vmem>> -> memref<120x128xf32, #tpu.memory_space<vmem>>
      %dma_start3A_52 = arith.constant 0 : i32
      %dma_start3A_53 = tpu.memref_slice %arg11[%add3A_18, %dma_start3A_52] : memref<10112x128xf32, #tpu.memory_space<vmem_shared>> -> memref<120x128xf32, #tpu.memory_space<vmem_shared>>
      %dma_start3A_54 = arith.constant 0 : i32
      %dma_start3A_55 = tpu.memref_slice %arg11[%add3A_18, %dma_start3A_54] : memref<10112x128xf32, #tpu.memory_space<vmem_shared>> -> memref<120x128xf32, #tpu.memory_space<vmem_shared>>
      %dma_start3A_56 = arith.constant 0 : i32
      %dma_start3A_57 = arith.constant 0 : i32
      %dma_start3A_58 = tpu.memref_slice %arg9[%dma_start3A_56, %dma_start3A_57] : memref<128x128xf32, #tpu.memory_space<vmem>> -> memref<120x128xf32, #tpu.memory_space<vmem>>
      tpu.enqueue_dma source(%dma_start3A_58 : memref<120x128xf32, #tpu.memory_space<vmem>>) target(%dma_start3A_55 : memref<120x128xf32, #tpu.memory_space<vmem_shared>>) target_semaphore(%run_scoped3A : memref<!tpu.dma_semaphore, #tpu.memory_space<semaphore_mem>>)
      %dma_wait3A = arith.constant 0 : i32
      %dma_wait3A_59 = arith.constant 0 : i32
      %dma_wait3A_60 = tpu.memref_slice %arg9[%dma_wait3A, %dma_wait3A_59] : memref<128x128xf32, #tpu.memory_space<vmem>> -> memref<120x128xf32, #tpu.memory_space<vmem>>
      %dma_wait3A_61 = arith.constant 0 : i32
      %dma_wait3A_62 = tpu.memref_slice %arg11[%add3A_18, %dma_wait3A_61] : memref<10112x128xf32, #tpu.memory_space<vmem_shared>> -> memref<120x128xf32, #tpu.memory_space<vmem_shared>>
      %dma_wait3A_63 = arith.constant 0 : i32
      %dma_wait3A_64 = tpu.memref_slice %arg11[%add3A_18, %dma_wait3A_63] : memref<10112x128xf32, #tpu.memory_space<vmem_shared>> -> memref<120x128xf32, #tpu.memory_space<vmem_shared>>
      %dma_wait3A_65 = arith.constant 0 : i32
      %dma_wait3A_66 = arith.constant 0 : i32
      %dma_wait3A_67 = tpu.memref_slice %arg9[%dma_wait3A_65, %dma_wait3A_66] : memref<128x128xf32, #tpu.memory_space<vmem>> -> memref<120x128xf32, #tpu.memory_space<vmem>>
      tpu.wait_dma2 semaphore(%run_scoped3A : memref<!tpu.dma_semaphore, #tpu.memory_space<semaphore_mem>>) src(%dma_wait3A_67 : memref<120x128xf32, #tpu.memory_space<vmem>>) dst(%dma_wait3A_64 : memref<120x128xf32, #tpu.memory_space<vmem_shared>>)
      tpu.yield
    }) : () -> ()
    "tpu.region"() ({
      %run_scoped3A = tpu.sem_alloc : memref<!tpu.dma_semaphore, #tpu.memory_space<semaphore_mem>>
      %dma_start3A_49 = arith.constant 0 : i32
      %dma_start3A_50 = arith.constant 0 : i32
      %dma_start3A_51 = tpu.memref_slice %arg3[%add3A, %dma_start3A_49, %dma_start3A_50] : memref<32x80x128xi32, #tpu.memory_space<hbm>> -> memref<1x40x128xi32, #tpu.memory_space<hbm>>
      %dma_start3A_52 = tpu.memref_squeeze %dma_start3A_51 : memref<1x40x128xi32, #tpu.memory_space<hbm>> -> memref<40x128xi32, #tpu.memory_space<hbm>>
      %dma_start3A_53 = arith.constant 0 : i32
      %dma_start3A_54 = arith.constant 0 : i32
      %dma_start3A_55 = tpu.memref_slice %arg3[%add3A, %dma_start3A_53, %dma_start3A_54] : memref<32x80x128xi32, #tpu.memory_space<hbm>> -> memref<1x40x128xi32, #tpu.memory_space<hbm>>
      %dma_start3A_56 = tpu.memref_squeeze %dma_start3A_55 : memref<1x40x128xi32, #tpu.memory_space<hbm>> -> memref<40x128xi32, #tpu.memory_space<hbm>>
      tpu.enqueue_dma source(%dma_start3A_56 : memref<40x128xi32, #tpu.memory_space<hbm>>) target(%arg7 : memref<40x128xi32, #tpu.memory_space<vmem>>) target_semaphore(%run_scoped3A : memref<!tpu.dma_semaphore, #tpu.memory_space<semaphore_mem>>)
      %dma_wait3A = arith.constant 0 : i32
      %dma_wait3A_57 = arith.constant 0 : i32
      %dma_wait3A_58 = tpu.memref_slice %arg3[%add3A, %dma_wait3A, %dma_wait3A_57] : memref<32x80x128xi32, #tpu.memory_space<hbm>> -> memref<1x40x128xi32, #tpu.memory_space<hbm>>
      %dma_wait3A_59 = tpu.memref_squeeze %dma_wait3A_58 : memref<1x40x128xi32, #tpu.memory_space<hbm>> -> memref<40x128xi32, #tpu.memory_space<hbm>>
      %dma_wait3A_60 = arith.constant 0 : i32
      %dma_wait3A_61 = arith.constant 0 : i32
      %dma_wait3A_62 = tpu.memref_slice %arg3[%add3A, %dma_wait3A_60, %dma_wait3A_61] : memref<32x80x128xi32, #tpu.memory_space<hbm>> -> memref<1x40x128xi32, #tpu.memory_space<hbm>>
      %dma_wait3A_63 = tpu.memref_squeeze %dma_wait3A_62 : memref<1x40x128xi32, #tpu.memory_space<hbm>> -> memref<40x128xi32, #tpu.memory_space<hbm>>
      tpu.wait_dma2 semaphore(%run_scoped3A : memref<!tpu.dma_semaphore, #tpu.memory_space<semaphore_mem>>) src(%dma_wait3A_63 : memref<40x128xi32, #tpu.memory_space<hbm>>) dst(%arg7 : memref<40x128xi32, #tpu.memory_space<vmem>>)
      tpu.yield
    }) : () -> ()
    "tpu.region"() ({
      %run_scoped3A = tpu.sem_alloc : memref<!tpu.dma_semaphore, #tpu.memory_space<semaphore_mem>>
      %dma_start3A_49 = arith.constant 0 : i32
      %dma_start3A_50 = arith.constant 0 : i32
      %dma_start3A_51 = tpu.memref_slice %arg4[%add3A, %dma_start3A_49, %dma_start3A_50] : memref<32x80x128xi32, #tpu.memory_space<hbm>> -> memref<1x40x128xi32, #tpu.memory_space<hbm>>
      %dma_start3A_52 = tpu.memref_squeeze %dma_start3A_51 : memref<1x40x128xi32, #tpu.memory_space<hbm>> -> memref<40x128xi32, #tpu.memory_space<hbm>>
      %dma_start3A_53 = arith.constant 0 : i32
      %dma_start3A_54 = arith.constant 0 : i32
      %dma_start3A_55 = tpu.memref_slice %arg4[%add3A, %dma_start3A_53, %dma_start3A_54] : memref<32x80x128xi32, #tpu.memory_space<hbm>> -> memref<1x40x128xi32, #tpu.memory_space<hbm>>
      %dma_start3A_56 = tpu.memref_squeeze %dma_start3A_55 : memref<1x40x128xi32, #tpu.memory_space<hbm>> -> memref<40x128xi32, #tpu.memory_space<hbm>>
      tpu.enqueue_dma source(%dma_start3A_56 : memref<40x128xi32, #tpu.memory_space<hbm>>) target(%arg8 : memref<40x128xi32, #tpu.memory_space<vmem>>) target_semaphore(%run_scoped3A : memref<!tpu.dma_semaphore, #tpu.memory_space<semaphore_mem>>)
      %dma_wait3A = arith.constant 0 : i32
      %dma_wait3A_57 = arith.constant 0 : i32
      %dma_wait3A_58 = tpu.memref_slice %arg4[%add3A, %dma_wait3A, %dma_wait3A_57] : memref<32x80x128xi32, #tpu.memory_space<hbm>> -> memref<1x40x128xi32, #tpu.memory_space<hbm>>
      %dma_wait3A_59 = tpu.memref_squeeze %dma_wait3A_58 : memref<1x40x128xi32, #tpu.memory_space<hbm>> -> memref<40x128xi32, #tpu.memory_space<hbm>>
      %dma_wait3A_60 = arith.constant 0 : i32
      %dma_wait3A_61 = arith.constant 0 : i32
      %dma_wait3A_62 = tpu.memref_slice %arg4[%add3A, %dma_wait3A_60, %dma_wait3A_61] : memref<32x80x128xi32, #tpu.memory_space<hbm>> -> memref<1x40x128xi32, #tpu.memory_space<hbm>>
      %dma_wait3A_63 = tpu.memref_squeeze %dma_wait3A_62 : memref<1x40x128xi32, #tpu.memory_space<hbm>> -> memref<40x128xi32, #tpu.memory_space<hbm>>
      tpu.wait_dma2 semaphore(%run_scoped3A : memref<!tpu.dma_semaphore, #tpu.memory_space<semaphore_mem>>) src(%dma_wait3A_63 : memref<40x128xi32, #tpu.memory_space<hbm>>) dst(%arg8 : memref<40x128xi32, #tpu.memory_space<vmem>>)
      tpu.yield
    }) : () -> ()
    %barrier3A = arith.constant 0 : index
    tpu.barrier barrier_id(%barrier3A)
    %dma_start3A = arith.constant 0 : i32
    %dma_start3A_19 = arith.constant 0 : i32
    %dma_start3A_20 = tpu.memref_slice %arg7[%dma_start3A, %dma_start3A_19] : memref<40x128xi32, #tpu.memory_space<vmem>> -> memref<1x128xi32, #tpu.memory_space<vmem>>
    %dma_start3A_21 = tpu.memref_squeeze %dma_start3A_20 : memref<1x128xi32, #tpu.memory_space<vmem>> -> memref<128xi32, #tpu.memory_space<vmem>>
    %dma_start3A_22 = arith.constant 0 : i32
    %dma_start3A_23 = arith.constant 0 : i32
    %dma_start3A_24 = tpu.memref_slice %arg2[%dma_start3A_22, %dma_start3A_23] : memref<10000x128xf32, #tpu.memory_space<hbm>> -> memref<10000x128xf32, #tpu.memory_space<hbm>>
    tpu.enqueue_indirect_dma source(%dma_start3A_24 : memref<10000x128xf32, #tpu.memory_space<hbm>>) target(%arg9 : memref<128x128xf32, #tpu.memory_space<vmem>>) offsets(%dma_start3A_21 : memref<128xi32, #tpu.memory_space<vmem>>) semaphore(%arg12 : memref<!tpu.dma_semaphore, #tpu.memory_space<semaphore_mem>>)
    %scan3A_25 = arith.constant 0 : i32
    %scan3A_26 = arith.constant 0 : i32
    %scan3A_27 = arith.constant 20 : i32
    %scan3A_28 = arith.addi %scan3A_26, %scan3A_27 : i32
    %scan3A_29 = arith.constant 1 : i32
    scf.for %scan3A_49 = %scan3A_26 to %scan3A_28 step %scan3A_29  : i32 {
      %mul3A_50 = arith.constant 2 : i32
      %mul3A_51 = arith.muli %mul3A_50, %scan3A_49 : i32
      %add3A_52 = arith.constant 1 : i32
      %add3A_53 = arith.addi %mul3A_51, %add3A_52 : i32
      %dma_start3A_54 = arith.constant 0 : i32
      %dma_start3A_55 = tpu.memref_slice %arg7[%add3A_53, %dma_start3A_54] : memref<40x128xi32, #tpu.memory_space<vmem>> -> memref<1x128xi32, #tpu.memory_space<vmem>>
      %dma_start3A_56 = tpu.memref_squeeze %dma_start3A_55 : memref<1x128xi32, #tpu.memory_space<vmem>> -> memref<128xi32, #tpu.memory_space<vmem>>
      %dma_start3A_57 = arith.constant 0 : i32
      %dma_start3A_58 = arith.constant 0 : i32
      %dma_start3A_59 = tpu.memref_slice %arg2[%dma_start3A_57, %dma_start3A_58] : memref<10000x128xf32, #tpu.memory_space<hbm>> -> memref<10000x128xf32, #tpu.memory_space<hbm>>
      tpu.enqueue_indirect_dma source(%dma_start3A_59 : memref<10000x128xf32, #tpu.memory_space<hbm>>) target(%arg10 : memref<128x128xf32, #tpu.memory_space<vmem>>) offsets(%dma_start3A_56 : memref<128xi32, #tpu.memory_space<vmem>>) semaphore(%arg13 : memref<!tpu.dma_semaphore, #tpu.memory_space<semaphore_mem>>)
      %dma_wait3A = arith.constant 0 : i32
      %dma_wait3A_60 = tpu.memref_slice %arg7[%mul3A_51, %dma_wait3A] : memref<40x128xi32, #tpu.memory_space<vmem>> -> memref<1x128xi32, #tpu.memory_space<vmem>>
      %dma_wait3A_61 = tpu.memref_squeeze %dma_wait3A_60 : memref<1x128xi32, #tpu.memory_space<vmem>> -> memref<128xi32, #tpu.memory_space<vmem>>
      %dma_wait3A_62 = arith.constant 0 : i32
      %dma_wait3A_63 = arith.constant 0 : i32
      %dma_wait3A_64 = tpu.memref_slice %arg2[%dma_wait3A_62, %dma_wait3A_63] : memref<10000x128xf32, #tpu.memory_space<hbm>> -> memref<10000x128xf32, #tpu.memory_space<hbm>>
      tpu.wait_indirect_dma semaphore(%arg12 : memref<!tpu.dma_semaphore, #tpu.memory_space<semaphore_mem>>) src(%dma_wait3A_64 : memref<10000x128xf32, #tpu.memory_space<hbm>>) dst(%arg9 : memref<128x128xf32, #tpu.memory_space<vmem>>)
      "tpu.region"() ({
        %run_scoped3A = tpu.sem_alloc : memref<!tpu.dma_semaphore, #tpu.memory_space<semaphore_mem>>
        %dma_start3A_75 = arith.constant 0 : i32
        %dma_start3A_76 = tpu.memref_slice %arg8[%mul3A_51, %dma_start3A_75] : memref<40x128xi32, #tpu.memory_space<vmem>> -> memref<1x128xi32, #tpu.memory_space<vmem>>
        %dma_start3A_77 = tpu.memref_squeeze %dma_start3A_76 : memref<1x128xi32, #tpu.memory_space<vmem>> -> memref<128xi32, #tpu.memory_space<vmem>>
        %dma_start3A_78 = arith.constant 0 : i32
        %dma_start3A_79 = arith.constant 0 : i32
        %dma_start3A_80 = tpu.memref_slice %arg11[%dma_start3A_78, %dma_start3A_79] : memref<10112x128xf32, #tpu.memory_space<vmem_shared>> -> memref<10112x128xf32, #tpu.memory_space<vmem_shared>>
        tpu.enqueue_indirect_dma source(%arg9 : memref<128x128xf32, #tpu.memory_space<vmem>>) target(%dma_start3A_80 : memref<10112x128xf32, #tpu.memory_space<vmem_shared>>) offsets(%dma_start3A_77 : memref<128xi32, #tpu.memory_space<vmem>>) semaphore(%run_scoped3A : memref<!tpu.dma_semaphore, #tpu.memory_space<semaphore_mem>>) {add = true}
        %dma_wait3A_81 = arith.constant 0 : i32
        %dma_wait3A_82 = tpu.memref_slice %arg8[%mul3A_51, %dma_wait3A_81] : memref<40x128xi32, #tpu.memory_space<vmem>> -> memref<1x128xi32, #tpu.memory_space<vmem>>
        %dma_wait3A_83 = tpu.memref_squeeze %dma_wait3A_82 : memref<1x128xi32, #tpu.memory_space<vmem>> -> memref<128xi32, #tpu.memory_space<vmem>>
        %dma_wait3A_84 = arith.constant 0 : i32
        %dma_wait3A_85 = arith.constant 0 : i32
        %dma_wait3A_86 = tpu.memref_slice %arg11[%dma_wait3A_84, %dma_wait3A_85] : memref<10112x128xf32, #tpu.memory_space<vmem_shared>> -> memref<10112x128xf32, #tpu.memory_space<vmem_shared>>
        tpu.wait_indirect_dma semaphore(%run_scoped3A : memref<!tpu.dma_semaphore, #tpu.memory_space<semaphore_mem>>) src(%arg9 : memref<128x128xf32, #tpu.memory_space<vmem>>) dst(%dma_wait3A_86 : memref<10112x128xf32, #tpu.memory_space<vmem_shared>>)
        tpu.yield
      }) : () -> ()
      %add3A_65 = arith.constant 2 : i32
      %add3A_66 = arith.addi %mul3A_51, %add3A_65 : i32
      %lt3A = arith.constant 40 : i32
      %lt3A_67 = arith.cmpi slt, %add3A_66, %lt3A : i32
      %convert_element_type3A = arith.extui %lt3A_67 : i1 to i32
      %cond3A = arith.constant 0 : i32
      %cond3A_68 = arith.cmpi ne, %convert_element_type3A, %cond3A : i32
      scf.if %cond3A_68 {
        %add3A_75 = arith.constant 2 : i32
        %add3A_76 = arith.addi %mul3A_51, %add3A_75 : i32
        %dma_start3A_77 = arith.constant 0 : i32
        %dma_start3A_78 = tpu.memref_slice %arg7[%add3A_76, %dma_start3A_77] : memref<40x128xi32, #tpu.memory_space<vmem>> -> memref<1x128xi32, #tpu.memory_space<vmem>>
        %dma_start3A_79 = tpu.memref_squeeze %dma_start3A_78 : memref<1x128xi32, #tpu.memory_space<vmem>> -> memref<128xi32, #tpu.memory_space<vmem>>
        %dma_start3A_80 = arith.constant 0 : i32
        %dma_start3A_81 = arith.constant 0 : i32
        %dma_start3A_82 = tpu.memref_slice %arg2[%dma_start3A_80, %dma_start3A_81] : memref<10000x128xf32, #tpu.memory_space<hbm>> -> memref<10000x128xf32, #tpu.memory_space<hbm>>
        tpu.enqueue_indirect_dma source(%dma_start3A_82 : memref<10000x128xf32, #tpu.memory_space<hbm>>) target(%arg9 : memref<128x128xf32, #tpu.memory_space<vmem>>) offsets(%dma_start3A_79 : memref<128xi32, #tpu.memory_space<vmem>>) semaphore(%arg12 : memref<!tpu.dma_semaphore, #tpu.memory_space<semaphore_mem>>)
      } else {
      }
      %dma_wait3A_69 = arith.constant 0 : i32
      %dma_wait3A_70 = tpu.memref_slice %arg7[%add3A_53, %dma_wait3A_69] : memref<40x128xi32, #tpu.memory_space<vmem>> -> memref<1x128xi32, #tpu.memory_space<vmem>>
      %dma_wait3A_71 = tpu.memref_squeeze %dma_wait3A_70 : memref<1x128xi32, #tpu.memory_space<vmem>> -> memref<128xi32, #tpu.memory_space<vmem>>
      %dma_wait3A_72 = arith.constant 0 : i32
      %dma_wait3A_73 = arith.constant 0 : i32
      %dma_wait3A_74 = tpu.memref_slice %arg2[%dma_wait3A_72, %dma_wait3A_73] : memref<10000x128xf32, #tpu.memory_space<hbm>> -> memref<10000x128xf32, #tpu.memory_space<hbm>>
      tpu.wait_indirect_dma semaphore(%arg13 : memref<!tpu.dma_semaphore, #tpu.memory_space<semaphore_mem>>) src(%dma_wait3A_74 : memref<10000x128xf32, #tpu.memory_space<hbm>>) dst(%arg10 : memref<128x128xf32, #tpu.memory_space<vmem>>)
      "tpu.region"() ({
        %run_scoped3A = tpu.sem_alloc : memref<!tpu.dma_semaphore, #tpu.memory_space<semaphore_mem>>
        %dma_start3A_75 = arith.constant 0 : i32
        %dma_start3A_76 = tpu.memref_slice %arg8[%add3A_53, %dma_start3A_75] : memref<40x128xi32, #tpu.memory_space<vmem>> -> memref<1x128xi32, #tpu.memory_space<vmem>>
        %dma_start3A_77 = tpu.memref_squeeze %dma_start3A_76 : memref<1x128xi32, #tpu.memory_space<vmem>> -> memref<128xi32, #tpu.memory_space<vmem>>
        %dma_start3A_78 = arith.constant 0 : i32
        %dma_start3A_79 = arith.constant 0 : i32
        %dma_start3A_80 = tpu.memref_slice %arg11[%dma_start3A_78, %dma_start3A_79] : memref<10112x128xf32, #tpu.memory_space<vmem_shared>> -> memref<10112x128xf32, #tpu.memory_space<vmem_shared>>
        tpu.enqueue_indirect_dma source(%arg10 : memref<128x128xf32, #tpu.memory_space<vmem>>) target(%dma_start3A_80 : memref<10112x128xf32, #tpu.memory_space<vmem_shared>>) offsets(%dma_start3A_77 : memref<128xi32, #tpu.memory_space<vmem>>) semaphore(%run_scoped3A : memref<!tpu.dma_semaphore, #tpu.memory_space<semaphore_mem>>) {add = true}
        %dma_wait3A_81 = arith.constant 0 : i32
        %dma_wait3A_82 = tpu.memref_slice %arg8[%add3A_53, %dma_wait3A_81] : memref<40x128xi32, #tpu.memory_space<vmem>> -> memref<1x128xi32, #tpu.memory_space<vmem>>
        %dma_wait3A_83 = tpu.memref_squeeze %dma_wait3A_82 : memref<1x128xi32, #tpu.memory_space<vmem>> -> memref<128xi32, #tpu.memory_space<vmem>>
        %dma_wait3A_84 = arith.constant 0 : i32
        %dma_wait3A_85 = arith.constant 0 : i32
        %dma_wait3A_86 = tpu.memref_slice %arg11[%dma_wait3A_84, %dma_wait3A_85] : memref<10112x128xf32, #tpu.memory_space<vmem_shared>> -> memref<10112x128xf32, #tpu.memory_space<vmem_shared>>
        tpu.wait_indirect_dma semaphore(%run_scoped3A : memref<!tpu.dma_semaphore, #tpu.memory_space<semaphore_mem>>) src(%arg10 : memref<128x128xf32, #tpu.memory_space<vmem>>) dst(%dma_wait3A_86 : memref<10112x128xf32, #tpu.memory_space<vmem_shared>>)
        tpu.yield
      }) : () -> ()
    }
    %scan3A_30 = arith.constant 20 : i32
    "tpu.region"() ({
      %run_scoped3A = tpu.sem_alloc : memref<!tpu.dma_semaphore, #tpu.memory_space<semaphore_mem>>
      %dma_start3A_49 = arith.constant 40 : i32
      %dma_start3A_50 = arith.constant 0 : i32
      %dma_start3A_51 = tpu.memref_slice %arg3[%add3A, %dma_start3A_49, %dma_start3A_50] : memref<32x80x128xi32, #tpu.memory_space<hbm>> -> memref<1x40x128xi32, #tpu.memory_space<hbm>>
      %dma_start3A_52 = tpu.memref_squeeze %dma_start3A_51 : memref<1x40x128xi32, #tpu.memory_space<hbm>> -> memref<40x128xi32, #tpu.memory_space<hbm>>
      %dma_start3A_53 = arith.constant 40 : i32
      %dma_start3A_54 = arith.constant 0 : i32
      %dma_start3A_55 = tpu.memref_slice %arg3[%add3A, %dma_start3A_53, %dma_start3A_54] : memref<32x80x128xi32, #tpu.memory_space<hbm>> -> memref<1x40x128xi32, #tpu.memory_space<hbm>>
      %dma_start3A_56 = tpu.memref_squeeze %dma_start3A_55 : memref<1x40x128xi32, #tpu.memory_space<hbm>> -> memref<40x128xi32, #tpu.memory_space<hbm>>
      tpu.enqueue_dma source(%dma_start3A_56 : memref<40x128xi32, #tpu.memory_space<hbm>>) target(%arg7 : memref<40x128xi32, #tpu.memory_space<vmem>>) target_semaphore(%run_scoped3A : memref<!tpu.dma_semaphore, #tpu.memory_space<semaphore_mem>>)
      %dma_wait3A = arith.constant 40 : i32
      %dma_wait3A_57 = arith.constant 0 : i32
      %dma_wait3A_58 = tpu.memref_slice %arg3[%add3A, %dma_wait3A, %dma_wait3A_57] : memref<32x80x128xi32, #tpu.memory_space<hbm>> -> memref<1x40x128xi32, #tpu.memory_space<hbm>>
      %dma_wait3A_59 = tpu.memref_squeeze %dma_wait3A_58 : memref<1x40x128xi32, #tpu.memory_space<hbm>> -> memref<40x128xi32, #tpu.memory_space<hbm>>
      %dma_wait3A_60 = arith.constant 40 : i32
      %dma_wait3A_61 = arith.constant 0 : i32
      %dma_wait3A_62 = tpu.memref_slice %arg3[%add3A, %dma_wait3A_60, %dma_wait3A_61] : memref<32x80x128xi32, #tpu.memory_space<hbm>> -> memref<1x40x128xi32, #tpu.memory_space<hbm>>
      %dma_wait3A_63 = tpu.memref_squeeze %dma_wait3A_62 : memref<1x40x128xi32, #tpu.memory_space<hbm>> -> memref<40x128xi32, #tpu.memory_space<hbm>>
      tpu.wait_dma2 semaphore(%run_scoped3A : memref<!tpu.dma_semaphore, #tpu.memory_space<semaphore_mem>>) src(%dma_wait3A_63 : memref<40x128xi32, #tpu.memory_space<hbm>>) dst(%arg7 : memref<40x128xi32, #tpu.memory_space<vmem>>)
      tpu.yield
    }) : () -> ()
    "tpu.region"() ({
      %run_scoped3A = tpu.sem_alloc : memref<!tpu.dma_semaphore, #tpu.memory_space<semaphore_mem>>
      %dma_start3A_49 = arith.constant 40 : i32
      %dma_start3A_50 = arith.constant 0 : i32
      %dma_start3A_51 = tpu.memref_slice %arg4[%add3A, %dma_start3A_49, %dma_start3A_50] : memref<32x80x128xi32, #tpu.memory_space<hbm>> -> memref<1x40x128xi32, #tpu.memory_space<hbm>>
      %dma_start3A_52 = tpu.memref_squeeze %dma_start3A_51 : memref<1x40x128xi32, #tpu.memory_space<hbm>> -> memref<40x128xi32, #tpu.memory_space<hbm>>
      %dma_start3A_53 = arith.constant 40 : i32
      %dma_start3A_54 = arith.constant 0 : i32
      %dma_start3A_55 = tpu.memref_slice %arg4[%add3A, %dma_start3A_53, %dma_start3A_54] : memref<32x80x128xi32, #tpu.memory_space<hbm>> -> memref<1x40x128xi32, #tpu.memory_space<hbm>>
      %dma_start3A_56 = tpu.memref_squeeze %dma_start3A_55 : memref<1x40x128xi32, #tpu.memory_space<hbm>> -> memref<40x128xi32, #tpu.memory_space<hbm>>
      tpu.enqueue_dma source(%dma_start3A_56 : memref<40x128xi32, #tpu.memory_space<hbm>>) target(%arg8 : memref<40x128xi32, #tpu.memory_space<vmem>>) target_semaphore(%run_scoped3A : memref<!tpu.dma_semaphore, #tpu.memory_space<semaphore_mem>>)
      %dma_wait3A = arith.constant 40 : i32
      %dma_wait3A_57 = arith.constant 0 : i32
      %dma_wait3A_58 = tpu.memref_slice %arg4[%add3A, %dma_wait3A, %dma_wait3A_57] : memref<32x80x128xi32, #tpu.memory_space<hbm>> -> memref<1x40x128xi32, #tpu.memory_space<hbm>>
      %dma_wait3A_59 = tpu.memref_squeeze %dma_wait3A_58 : memref<1x40x128xi32, #tpu.memory_space<hbm>> -> memref<40x128xi32, #tpu.memory_space<hbm>>
      %dma_wait3A_60 = arith.constant 40 : i32
      %dma_wait3A_61 = arith.constant 0 : i32
      %dma_wait3A_62 = tpu.memref_slice %arg4[%add3A, %dma_wait3A_60, %dma_wait3A_61] : memref<32x80x128xi32, #tpu.memory_space<hbm>> -> memref<1x40x128xi32, #tpu.memory_space<hbm>>
      %dma_wait3A_63 = tpu.memref_squeeze %dma_wait3A_62 : memref<1x40x128xi32, #tpu.memory_space<hbm>> -> memref<40x128xi32, #tpu.memory_space<hbm>>
      tpu.wait_dma2 semaphore(%run_scoped3A : memref<!tpu.dma_semaphore, #tpu.memory_space<semaphore_mem>>) src(%dma_wait3A_63 : memref<40x128xi32, #tpu.memory_space<hbm>>) dst(%arg8 : memref<40x128xi32, #tpu.memory_space<vmem>>)
      tpu.yield
    }) : () -> ()
    %dma_start3A_31 = arith.constant 0 : i32
    %dma_start3A_32 = arith.constant 0 : i32
    %dma_start3A_33 = tpu.memref_slice %arg7[%dma_start3A_31, %dma_start3A_32] : memref<40x128xi32, #tpu.memory_space<vmem>> -> memref<1x128xi32, #tpu.memory_space<vmem>>
    %dma_start3A_34 = tpu.memref_squeeze %dma_start3A_33 : memref<1x128xi32, #tpu.memory_space<vmem>> -> memref<128xi32, #tpu.memory_space<vmem>>
    %dma_start3A_35 = arith.constant 0 : i32
    %dma_start3A_36 = arith.constant 0 : i32
    %dma_start3A_37 = tpu.memref_slice %arg2[%dma_start3A_35, %dma_start3A_36] : memref<10000x128xf32, #tpu.memory_space<hbm>> -> memref<10000x128xf32, #tpu.memory_space<hbm>>
    tpu.enqueue_indirect_dma source(%dma_start3A_37 : memref<10000x128xf32, #tpu.memory_space<hbm>>) target(%arg9 : memref<128x128xf32, #tpu.memory_space<vmem>>) offsets(%dma_start3A_34 : memref<128xi32, #tpu.memory_space<vmem>>) semaphore(%arg12 : memref<!tpu.dma_semaphore, #tpu.memory_space<semaphore_mem>>)
    %scan3A_38 = arith.constant 0 : i32
    %scan3A_39 = arith.constant 0 : i32
    %scan3A_40 = arith.constant 20 : i32
    %scan3A_41 = arith.addi %scan3A_39, %scan3A_40 : i32
    %scan3A_42 = arith.constant 1 : i32
    scf.for %scan3A_49 = %scan3A_39 to %scan3A_41 step %scan3A_42  : i32 {
      %mul3A_50 = arith.constant 2 : i32
      %mul3A_51 = arith.muli %mul3A_50, %scan3A_49 : i32
      %add3A_52 = arith.constant 1 : i32
      %add3A_53 = arith.addi %mul3A_51, %add3A_52 : i32
      %dma_start3A_54 = arith.constant 0 : i32
      %dma_start3A_55 = tpu.memref_slice %arg7[%add3A_53, %dma_start3A_54] : memref<40x128xi32, #tpu.memory_space<vmem>> -> memref<1x128xi32, #tpu.memory_space<vmem>>
      %dma_start3A_56 = tpu.memref_squeeze %dma_start3A_55 : memref<1x128xi32, #tpu.memory_space<vmem>> -> memref<128xi32, #tpu.memory_space<vmem>>
      %dma_start3A_57 = arith.constant 0 : i32
      %dma_start3A_58 = arith.constant 0 : i32
      %dma_start3A_59 = tpu.memref_slice %arg2[%dma_start3A_57, %dma_start3A_58] : memref<10000x128xf32, #tpu.memory_space<hbm>> -> memref<10000x128xf32, #tpu.memory_space<hbm>>
      tpu.enqueue_indirect_dma source(%dma_start3A_59 : memref<10000x128xf32, #tpu.memory_space<hbm>>) target(%arg10 : memref<128x128xf32, #tpu.memory_space<vmem>>) offsets(%dma_start3A_56 : memref<128xi32, #tpu.memory_space<vmem>>) semaphore(%arg13 : memref<!tpu.dma_semaphore, #tpu.memory_space<semaphore_mem>>)
      %dma_wait3A = arith.constant 0 : i32
      %dma_wait3A_60 = tpu.memref_slice %arg7[%mul3A_51, %dma_wait3A] : memref<40x128xi32, #tpu.memory_space<vmem>> -> memref<1x128xi32, #tpu.memory_space<vmem>>
      %dma_wait3A_61 = tpu.memref_squeeze %dma_wait3A_60 : memref<1x128xi32, #tpu.memory_space<vmem>> -> memref<128xi32, #tpu.memory_space<vmem>>
      %dma_wait3A_62 = arith.constant 0 : i32
      %dma_wait3A_63 = arith.constant 0 : i32
      %dma_wait3A_64 = tpu.memref_slice %arg2[%dma_wait3A_62, %dma_wait3A_63] : memref<10000x128xf32, #tpu.memory_space<hbm>> -> memref<10000x128xf32, #tpu.memory_space<hbm>>
      tpu.wait_indirect_dma semaphore(%arg12 : memref<!tpu.dma_semaphore, #tpu.memory_space<semaphore_mem>>) src(%dma_wait3A_64 : memref<10000x128xf32, #tpu.memory_space<hbm>>) dst(%arg9 : memref<128x128xf32, #tpu.memory_space<vmem>>)
      "tpu.region"() ({
        %run_scoped3A = tpu.sem_alloc : memref<!tpu.dma_semaphore, #tpu.memory_space<semaphore_mem>>
        %dma_start3A_75 = arith.constant 0 : i32
        %dma_start3A_76 = tpu.memref_slice %arg8[%mul3A_51, %dma_start3A_75] : memref<40x128xi32, #tpu.memory_space<vmem>> -> memref<1x128xi32, #tpu.memory_space<vmem>>
        %dma_start3A_77 = tpu.memref_squeeze %dma_start3A_76 : memref<1x128xi32, #tpu.memory_space<vmem>> -> memref<128xi32, #tpu.memory_space<vmem>>
        %dma_start3A_78 = arith.constant 0 : i32
        %dma_start3A_79 = arith.constant 0 : i32
        %dma_start3A_80 = tpu.memref_slice %arg11[%dma_start3A_78, %dma_start3A_79] : memref<10112x128xf32, #tpu.memory_space<vmem_shared>> -> memref<10112x128xf32, #tpu.memory_space<vmem_shared>>
        tpu.enqueue_indirect_dma source(%arg9 : memref<128x128xf32, #tpu.memory_space<vmem>>) target(%dma_start3A_80 : memref<10112x128xf32, #tpu.memory_space<vmem_shared>>) offsets(%dma_start3A_77 : memref<128xi32, #tpu.memory_space<vmem>>) semaphore(%run_scoped3A : memref<!tpu.dma_semaphore, #tpu.memory_space<semaphore_mem>>) {add = true}
        %dma_wait3A_81 = arith.constant 0 : i32
        %dma_wait3A_82 = tpu.memref_slice %arg8[%mul3A_51, %dma_wait3A_81] : memref<40x128xi32, #tpu.memory_space<vmem>> -> memref<1x128xi32, #tpu.memory_space<vmem>>
        %dma_wait3A_83 = tpu.memref_squeeze %dma_wait3A_82 : memref<1x128xi32, #tpu.memory_space<vmem>> -> memref<128xi32, #tpu.memory_space<vmem>>
        %dma_wait3A_84 = arith.constant 0 : i32
        %dma_wait3A_85 = arith.constant 0 : i32
        %dma_wait3A_86 = tpu.memref_slice %arg11[%dma_wait3A_84, %dma_wait3A_85] : memref<10112x128xf32, #tpu.memory_space<vmem_shared>> -> memref<10112x128xf32, #tpu.memory_space<vmem_shared>>
        tpu.wait_indirect_dma semaphore(%run_scoped3A : memref<!tpu.dma_semaphore, #tpu.memory_space<semaphore_mem>>) src(%arg9 : memref<128x128xf32, #tpu.memory_space<vmem>>) dst(%dma_wait3A_86 : memref<10112x128xf32, #tpu.memory_space<vmem_shared>>)
        tpu.yield
      }) : () -> ()
      %add3A_65 = arith.constant 2 : i32
      %add3A_66 = arith.addi %mul3A_51, %add3A_65 : i32
      %lt3A = arith.constant 40 : i32
      %lt3A_67 = arith.cmpi slt, %add3A_66, %lt3A : i32
      %convert_element_type3A = arith.extui %lt3A_67 : i1 to i32
      %cond3A = arith.constant 0 : i32
      %cond3A_68 = arith.cmpi ne, %convert_element_type3A, %cond3A : i32
      scf.if %cond3A_68 {
        %add3A_75 = arith.constant 2 : i32
        %add3A_76 = arith.addi %mul3A_51, %add3A_75 : i32
        %dma_start3A_77 = arith.constant 0 : i32
        %dma_start3A_78 = tpu.memref_slice %arg7[%add3A_76, %dma_start3A_77] : memref<40x128xi32, #tpu.memory_space<vmem>> -> memref<1x128xi32, #tpu.memory_space<vmem>>
        %dma_start3A_79 = tpu.memref_squeeze %dma_start3A_78 : memref<1x128xi32, #tpu.memory_space<vmem>> -> memref<128xi32, #tpu.memory_space<vmem>>
        %dma_start3A_80 = arith.constant 0 : i32
        %dma_start3A_81 = arith.constant 0 : i32
        %dma_start3A_82 = tpu.memref_slice %arg2[%dma_start3A_80, %dma_start3A_81] : memref<10000x128xf32, #tpu.memory_space<hbm>> -> memref<10000x128xf32, #tpu.memory_space<hbm>>
        tpu.enqueue_indirect_dma source(%dma_start3A_82 : memref<10000x128xf32, #tpu.memory_space<hbm>>) target(%arg9 : memref<128x128xf32, #tpu.memory_space<vmem>>) offsets(%dma_start3A_79 : memref<128xi32, #tpu.memory_space<vmem>>) semaphore(%arg12 : memref<!tpu.dma_semaphore, #tpu.memory_space<semaphore_mem>>)
      } else {
      }
      %dma_wait3A_69 = arith.constant 0 : i32
      %dma_wait3A_70 = tpu.memref_slice %arg7[%add3A_53, %dma_wait3A_69] : memref<40x128xi32, #tpu.memory_space<vmem>> -> memref<1x128xi32, #tpu.memory_space<vmem>>
      %dma_wait3A_71 = tpu.memref_squeeze %dma_wait3A_70 : memref<1x128xi32, #tpu.memory_space<vmem>> -> memref<128xi32, #tpu.memory_space<vmem>>
      %dma_wait3A_72 = arith.constant 0 : i32
      %dma_wait3A_73 = arith.constant 0 : i32
      %dma_wait3A_74 = tpu.memref_slice %arg2[%dma_wait3A_72, %dma_wait3A_73] : memref<10000x128xf32, #tpu.memory_space<hbm>> -> memref<10000x128xf32, #tpu.memory_space<hbm>>
      tpu.wait_indirect_dma semaphore(%arg13 : memref<!tpu.dma_semaphore, #tpu.memory_space<semaphore_mem>>) src(%dma_wait3A_74 : memref<10000x128xf32, #tpu.memory_space<hbm>>) dst(%arg10 : memref<128x128xf32, #tpu.memory_space<vmem>>)
      "tpu.region"() ({
        %run_scoped3A = tpu.sem_alloc : memref<!tpu.dma_semaphore, #tpu.memory_space<semaphore_mem>>
        %dma_start3A_75 = arith.constant 0 : i32
        %dma_start3A_76 = tpu.memref_slice %arg8[%add3A_53, %dma_start3A_75] : memref<40x128xi32, #tpu.memory_space<vmem>> -> memref<1x128xi32, #tpu.memory_space<vmem>>
        %dma_start3A_77 = tpu.memref_squeeze %dma_start3A_76 : memref<1x128xi32, #tpu.memory_space<vmem>> -> memref<128xi32, #tpu.memory_space<vmem>>
        %dma_start3A_78 = arith.constant 0 : i32
        %dma_start3A_79 = arith.constant 0 : i32
        %dma_start3A_80 = tpu.memref_slice %arg11[%dma_start3A_78, %dma_start3A_79] : memref<10112x128xf32, #tpu.memory_space<vmem_shared>> -> memref<10112x128xf32, #tpu.memory_space<vmem_shared>>
        tpu.enqueue_indirect_dma source(%arg10 : memref<128x128xf32, #tpu.memory_space<vmem>>) target(%dma_start3A_80 : memref<10112x128xf32, #tpu.memory_space<vmem_shared>>) offsets(%dma_start3A_77 : memref<128xi32, #tpu.memory_space<vmem>>) semaphore(%run_scoped3A : memref<!tpu.dma_semaphore, #tpu.memory_space<semaphore_mem>>) {add = true}
        %dma_wait3A_81 = arith.constant 0 : i32
        %dma_wait3A_82 = tpu.memref_slice %arg8[%add3A_53, %dma_wait3A_81] : memref<40x128xi32, #tpu.memory_space<vmem>> -> memref<1x128xi32, #tpu.memory_space<vmem>>
        %dma_wait3A_83 = tpu.memref_squeeze %dma_wait3A_82 : memref<1x128xi32, #tpu.memory_space<vmem>> -> memref<128xi32, #tpu.memory_space<vmem>>
        %dma_wait3A_84 = arith.constant 0 : i32
        %dma_wait3A_85 = arith.constant 0 : i32
        %dma_wait3A_86 = tpu.memref_slice %arg11[%dma_wait3A_84, %dma_wait3A_85] : memref<10112x128xf32, #tpu.memory_space<vmem_shared>> -> memref<10112x128xf32, #tpu.memory_space<vmem_shared>>
        tpu.wait_indirect_dma semaphore(%run_scoped3A : memref<!tpu.dma_semaphore, #tpu.memory_space<semaphore_mem>>) src(%arg10 : memref<128x128xf32, #tpu.memory_space<vmem>>) dst(%dma_wait3A_86 : memref<10112x128xf32, #tpu.memory_space<vmem_shared>>)
        tpu.yield
      }) : () -> ()
    }
    %scan3A_43 = arith.constant 20 : i32
    %barrier3A_44 = arith.constant 0 : index
    tpu.barrier barrier_id(%barrier3A_44)
    %mul3A_45 = arith.constant 632 : i32
    %mul3A_46 = arith.muli %arg1, %mul3A_45 : i32
    %mul3A_47 = arith.constant 632 : i32
    %mul3A_48 = arith.muli %arg1, %mul3A_47 : i32
    "tpu.region"() ({
      %run_scoped3A = tpu.sem_alloc : memref<!tpu.dma_semaphore, #tpu.memory_space<semaphore_mem>>
      %dma_start3A_49 = arith.constant 0 : i32
      %dma_start3A_50 = tpu.memref_slice %arg6[%arg0, %mul3A_48, %dma_start3A_49] : memref<2x10112x128xf32, #tpu.memory_space<hbm>> -> memref<1x632x128xf32, #tpu.memory_space<hbm>>
      %dma_start3A_51 = tpu.memref_squeeze %dma_start3A_50 : memref<1x632x128xf32, #tpu.memory_space<hbm>> -> memref<632x128xf32, #tpu.memory_space<hbm>>
      %dma_start3A_52 = arith.constant 0 : i32
      %dma_start3A_53 = tpu.memref_slice %arg11[%mul3A_46, %dma_start3A_52] : memref<10112x128xf32, #tpu.memory_space<vmem_shared>> -> memref<632x128xf32, #tpu.memory_space<vmem_shared>>
      tpu.enqueue_dma source(%dma_start3A_53 : memref<632x128xf32, #tpu.memory_space<vmem_shared>>) target(%dma_start3A_51 : memref<632x128xf32, #tpu.memory_space<hbm>>) target_semaphore(%run_scoped3A : memref<!tpu.dma_semaphore, #tpu.memory_space<semaphore_mem>>)
      %dma_wait3A = arith.constant 0 : i32
      %dma_wait3A_54 = tpu.memref_slice %arg6[%arg0, %mul3A_48, %dma_wait3A] : memref<2x10112x128xf32, #tpu.memory_space<hbm>> -> memref<1x632x128xf32, #tpu.memory_space<hbm>>
      %dma_wait3A_55 = tpu.memref_squeeze %dma_wait3A_54 : memref<1x632x128xf32, #tpu.memory_space<hbm>> -> memref<632x128xf32, #tpu.memory_space<hbm>>
      %dma_wait3A_56 = arith.constant 0 : i32
      %dma_wait3A_57 = tpu.memref_slice %arg11[%mul3A_46, %dma_wait3A_56] : memref<10112x128xf32, #tpu.memory_space<vmem_shared>> -> memref<632x128xf32, #tpu.memory_space<vmem_shared>>
      tpu.wait_dma2 semaphore(%run_scoped3A : memref<!tpu.dma_semaphore, #tpu.memory_space<semaphore_mem>>) src(%dma_wait3A_57 : memref<632x128xf32, #tpu.memory_space<vmem_shared>>) dst(%dma_wait3A_55 : memref<632x128xf32, #tpu.memory_space<hbm>>)
      tpu.yield
    }) : () -> ()
    return
  }
}

#map = affine_map<(d0, d1) -> (0, 0)>
#map1 = affine_map<(d0, d1) -> (0, 0, 0)>
module attributes {stable_mosaic.version = 14 : i64} {
  func.func @_agg_kernel(%arg0: i32, %arg1: i32, %arg2: memref<10000x128xf32, #tpu.memory_space<hbm>>, %arg3: memref<32x80x128xi32, #tpu.memory_space<hbm>>, %arg4: memref<32x80x128xi32, #tpu.memory_space<hbm>>, %arg5: memref<10112x128xf32, #tpu.memory_space<hbm>>, %arg6: memref<2x10112x128xf32, #tpu.memory_space<hbm>>, %arg7: memref<40x128xi32, #tpu.memory_space<vmem>>, %arg8: memref<40x128xi32, #tpu.memory_space<vmem>>, %arg9: memref<128x128xf32, #tpu.memory_space<vmem>>, %arg10: memref<128x128xf32, #tpu.memory_space<vmem>>, %arg11: memref<10112x128xf32, #tpu.memory_space<vmem_shared>>, %arg12: memref<!tpu.dma_semaphore, #tpu.memory_space<semaphore_mem>>, %arg13: memref<!tpu.dma_semaphore, #tpu.memory_space<semaphore_mem>>) attributes {dimension_semantics = [#tpu.dimension_semantics<core_parallel>, #tpu.dimension_semantics<subcore_parallel>], iteration_bounds = array<i64: 2, 16>, scalar_prefetch = 0 : i64, scratch_operands = 7 : i64, tpu.core_type = #tpu.core_type<sc_vector_subcore>, window_params = [{transform_indices = #map}, {transform_indices = #map1}, {transform_indices = #map1}, {transform_indices = #map}, {transform_indices = #map1}]} {
    %mul3A = arith.constant 16 : i32
    %mul3A_0 = arith.muli %arg0, %mul3A : i32
    %add3A = arith.addi %mul3A_0, %arg1 : i32
    %broadcast_in_dim3A = arith.constant 0.000000e+00 : f32
    %broadcast_in_dim3A_1 = vector.broadcast %broadcast_in_dim3A : f32 to vector<16xf32>
    %scan3A = arith.constant 0 : i32
    %scan3A_2 = arith.constant 0 : i32
    %scan3A_3 = arith.constant 128 : i32
    %scan3A_4 = arith.addi %scan3A_2, %scan3A_3 : i32
    %scan3A_5 = arith.constant 1 : i32
    scf.for %scan3A_49 = %scan3A_2 to %scan3A_4 step %scan3A_5  : i32 {
      %swap3A = arith.index_cast %scan3A_49 : i32 to index
      %swap3A_50 = arith.constant 0 : index
      %swap3A_51 = tpu.vector_load %arg9[%swap3A, %swap3A_50] {strides = array<i32>} : memref<128x128xf32, #tpu.memory_space<vmem>>, vector<1x16xf32>,
      %swap3A_52 = vector.shape_cast %swap3A_51 : vector<1x16xf32> to vector<16xf32>
      %swap3A_53 = vector.shape_cast %broadcast_in_dim3A_1 : vector<16xf32> to vector<1x16xf32>
      tpu.vector_store %arg9[%swap3A, %swap3A_50], %swap3A_53 {strides = array<i32>} : memref<128x128xf32, #tpu.memory_space<vmem>>, vector<1x16xf32>,
      %swap3A_54 = arith.index_cast %scan3A_49 : i32 to index
      %swap3A_55 = arith.constant 16 : index
      %swap3A_56 = tpu.vector_load %arg9[%swap3A_54, %swap3A_55] {strides = array<i32>} : memref<128x128xf32, #tpu.memory_space<vmem>>, vector<1x16xf32>,
      %swap3A_57 = vector.shape_cast %swap3A_56 : vector<1x16xf32> to vector<16xf32>
      %swap3A_58 = vector.shape_cast %broadcast_in_dim3A_1 : vector<16xf32> to vector<1x16xf32>
      tpu.vector_store %arg9[%swap3A_54, %swap3A_55], %swap3A_58 {strides = array<i32>} : memref<128x128xf32, #tpu.memory_space<vmem>>, vector<1x16xf32>,
      %swap3A_59 = arith.index_cast %scan3A_49 : i32 to index
      %swap3A_60 = arith.constant 32 : index
      %swap3A_61 = tpu.vector_load %arg9[%swap3A_59, %swap3A_60] {strides = array<i32>} : memref<128x128xf32, #tpu.memory_space<vmem>>, vector<1x16xf32>,
      %swap3A_62 = vector.shape_cast %swap3A_61 : vector<1x16xf32> to vector<16xf32>
      %swap3A_63 = vector.shape_cast %broadcast_in_dim3A_1 : vector<16xf32> to vector<1x16xf32>
      tpu.vector_store %arg9[%swap3A_59, %swap3A_60], %swap3A_63 {strides = array<i32>} : memref<128x128xf32, #tpu.memory_space<vmem>>, vector<1x16xf32>,
      %swap3A_64 = arith.index_cast %scan3A_49 : i32 to index
      %swap3A_65 = arith.constant 48 : index
      %swap3A_66 = tpu.vector_load %arg9[%swap3A_64, %swap3A_65] {strides = array<i32>} : memref<128x128xf32, #tpu.memory_space<vmem>>, vector<1x16xf32>,
      %swap3A_67 = vector.shape_cast %swap3A_66 : vector<1x16xf32> to vector<16xf32>
      %swap3A_68 = vector.shape_cast %broadcast_in_dim3A_1 : vector<16xf32> to vector<1x16xf32>
      tpu.vector_store %arg9[%swap3A_64, %swap3A_65], %swap3A_68 {strides = array<i32>} : memref<128x128xf32, #tpu.memory_space<vmem>>, vector<1x16xf32>,
      %swap3A_69 = arith.index_cast %scan3A_49 : i32 to index
      %swap3A_70 = arith.constant 64 : index
      %swap3A_71 = tpu.vector_load %arg9[%swap3A_69, %swap3A_70] {strides = array<i32>} : memref<128x128xf32, #tpu.memory_space<vmem>>, vector<1x16xf32>,
      %swap3A_72 = vector.shape_cast %swap3A_71 : vector<1x16xf32> to vector<16xf32>
      %swap3A_73 = vector.shape_cast %broadcast_in_dim3A_1 : vector<16xf32> to vector<1x16xf32>
      tpu.vector_store %arg9[%swap3A_69, %swap3A_70], %swap3A_73 {strides = array<i32>} : memref<128x128xf32, #tpu.memory_space<vmem>>, vector<1x16xf32>,
      %swap3A_74 = arith.index_cast %scan3A_49 : i32 to index
      %swap3A_75 = arith.constant 80 : index
      %swap3A_76 = tpu.vector_load %arg9[%swap3A_74, %swap3A_75] {strides = array<i32>} : memref<128x128xf32, #tpu.memory_space<vmem>>, vector<1x16xf32>,
      %swap3A_77 = vector.shape_cast %swap3A_76 : vector<1x16xf32> to vector<16xf32>
      %swap3A_78 = vector.shape_cast %broadcast_in_dim3A_1 : vector<16xf32> to vector<1x16xf32>
      tpu.vector_store %arg9[%swap3A_74, %swap3A_75], %swap3A_78 {strides = array<i32>} : memref<128x128xf32, #tpu.memory_space<vmem>>, vector<1x16xf32>,
      %swap3A_79 = arith.index_cast %scan3A_49 : i32 to index
      %swap3A_80 = arith.constant 96 : index
      %swap3A_81 = tpu.vector_load %arg9[%swap3A_79, %swap3A_80] {strides = array<i32>} : memref<128x128xf32, #tpu.memory_space<vmem>>, vector<1x16xf32>,
      %swap3A_82 = vector.shape_cast %swap3A_81 : vector<1x16xf32> to vector<16xf32>
      %swap3A_83 = vector.shape_cast %broadcast_in_dim3A_1 : vector<16xf32> to vector<1x16xf32>
      tpu.vector_store %arg9[%swap3A_79, %swap3A_80], %swap3A_83 {strides = array<i32>} : memref<128x128xf32, #tpu.memory_space<vmem>>, vector<1x16xf32>,
      %swap3A_84 = arith.index_cast %scan3A_49 : i32 to index
      %swap3A_85 = arith.constant 112 : index
      %swap3A_86 = tpu.vector_load %arg9[%swap3A_84, %swap3A_85] {strides = array<i32>} : memref<128x128xf32, #tpu.memory_space<vmem>>, vector<1x16xf32>,
      %swap3A_87 = vector.shape_cast %swap3A_86 : vector<1x16xf32> to vector<16xf32>
      %swap3A_88 = vector.shape_cast %broadcast_in_dim3A_1 : vector<16xf32> to vector<1x16xf32>
      tpu.vector_store %arg9[%swap3A_84, %swap3A_85], %swap3A_88 {strides = array<i32>} : memref<128x128xf32, #tpu.memory_space<vmem>>, vector<1x16xf32>,
    }
    %scan3A_6 = arith.constant 128 : i32
    %mul3A_7 = arith.constant 632 : i32
    %mul3A_8 = arith.muli %arg1, %mul3A_7 : i32
    %add3A_9 = arith.constant 0 : i32
    %add3A_10 = arith.addi %mul3A_8, %add3A_9 : i32
    "tpu.region"() ({
      %run_scoped3A = tpu.sem_alloc : memref<!tpu.dma_semaphore, #tpu.memory_space<semaphore_mem>>
      %dma_start3A_49 = arith.constant 0 : i32
      %dma_start3A_50 = tpu.memref_slice %arg11[%add3A_10, %dma_start3A_49] : memref<10112x128xf32, #tpu.memory_space<vmem_shared>> -> memref<128x128xf32, #tpu.memory_space<vmem_shared>>
      %dma_start3A_51 = arith.constant 0 : i32
      %dma_start3A_52 = tpu.memref_slice %arg11[%add3A_10, %dma_start3A_51] : memref<10112x128xf32, #tpu.memory_space<vmem_shared>> -> memref<128x128xf32, #tpu.memory_space<vmem_shared>>
      tpu.enqueue_dma source(%arg9 : memref<128x128xf32, #tpu.memory_space<vmem>>) target(%dma_start3A_52 : memref<128x128xf32, #tpu.memory_space<vmem_shared>>) target_semaphore(%run_scoped3A : memref<!tpu.dma_semaphore, #tpu.memory_space<semaphore_mem>>)
      %dma_wait3A = arith.constant 0 : i32
      %dma_wait3A_53 = tpu.memref_slice %arg11[%add3A_10, %dma_wait3A] : memref<10112x128xf32, #tpu.memory_space<vmem_shared>> -> memref<128x128xf32, #tpu.memory_space<vmem_shared>>
      %dma_wait3A_54 = arith.constant 0 : i32
      %dma_wait3A_55 = tpu.memref_slice %arg11[%add3A_10, %dma_wait3A_54] : memref<10112x128xf32, #tpu.memory_space<vmem_shared>> -> memref<128x128xf32, #tpu.memory_space<vmem_shared>>
      tpu.wait_dma2 semaphore(%run_scoped3A : memref<!tpu.dma_semaphore, #tpu.memory_space<semaphore_mem>>) src(%arg9 : memref<128x128xf32, #tpu.memory_space<vmem>>) dst(%dma_wait3A_55 : memref<128x128xf32, #tpu.memory_space<vmem_shared>>)
      tpu.yield
    }) : () -> ()
    %add3A_11 = arith.constant 128 : i32
    %add3A_12 = arith.addi %mul3A_8, %add3A_11 : i32
    "tpu.region"() ({
      %run_scoped3A = tpu.sem_alloc : memref<!tpu.dma_semaphore, #tpu.memory_space<semaphore_mem>>
      %dma_start3A_49 = arith.constant 0 : i32
      %dma_start3A_50 = tpu.memref_slice %arg11[%add3A_12, %dma_start3A_49] : memref<10112x128xf32, #tpu.memory_space<vmem_shared>> -> memref<128x128xf32, #tpu.memory_space<vmem_shared>>
      %dma_start3A_51 = arith.constant 0 : i32
      %dma_start3A_52 = tpu.memref_slice %arg11[%add3A_12, %dma_start3A_51] : memref<10112x128xf32, #tpu.memory_space<vmem_shared>> -> memref<128x128xf32, #tpu.memory_space<vmem_shared>>
      tpu.enqueue_dma source(%arg9 : memref<128x128xf32, #tpu.memory_space<vmem>>) target(%dma_start3A_52 : memref<128x128xf32, #tpu.memory_space<vmem_shared>>) target_semaphore(%run_scoped3A : memref<!tpu.dma_semaphore, #tpu.memory_space<semaphore_mem>>)
      %dma_wait3A = arith.constant 0 : i32
      %dma_wait3A_53 = tpu.memref_slice %arg11[%add3A_12, %dma_wait3A] : memref<10112x128xf32, #tpu.memory_space<vmem_shared>> -> memref<128x128xf32, #tpu.memory_space<vmem_shared>>
      %dma_wait3A_54 = arith.constant 0 : i32
      %dma_wait3A_55 = tpu.memref_slice %arg11[%add3A_12, %dma_wait3A_54] : memref<10112x128xf32, #tpu.memory_space<vmem_shared>> -> memref<128x128xf32, #tpu.memory_space<vmem_shared>>
      tpu.wait_dma2 semaphore(%run_scoped3A : memref<!tpu.dma_semaphore, #tpu.memory_space<semaphore_mem>>) src(%arg9 : memref<128x128xf32, #tpu.memory_space<vmem>>) dst(%dma_wait3A_55 : memref<128x128xf32, #tpu.memory_space<vmem_shared>>)
      tpu.yield
    }) : () -> ()
    %add3A_13 = arith.constant 256 : i32
    %add3A_14 = arith.addi %mul3A_8, %add3A_13 : i32
    "tpu.region"() ({
      %run_scoped3A = tpu.sem_alloc : memref<!tpu.dma_semaphore, #tpu.memory_space<semaphore_mem>>
      %dma_start3A_49 = arith.constant 0 : i32
      %dma_start3A_50 = tpu.memref_slice %arg11[%add3A_14, %dma_start3A_49] : memref<10112x128xf32, #tpu.memory_space<vmem_shared>> -> memref<128x128xf32, #tpu.memory_space<vmem_shared>>
      %dma_start3A_51 = arith.constant 0 : i32
      %dma_start3A_52 = tpu.memref_slice %arg11[%add3A_14, %dma_start3A_51] : memref<10112x128xf32, #tpu.memory_space<vmem_shared>> -> memref<128x128xf32, #tpu.memory_space<vmem_shared>>
      tpu.enqueue_dma source(%arg9 : memref<128x128xf32, #tpu.memory_space<vmem>>) target(%dma_start3A_52 : memref<128x128xf32, #tpu.memory_space<vmem_shared>>) target_semaphore(%run_scoped3A : memref<!tpu.dma_semaphore, #tpu.memory_space<semaphore_mem>>)
      %dma_wait3A = arith.constant 0 : i32
      %dma_wait3A_53 = tpu.memref_slice %arg11[%add3A_14, %dma_wait3A] : memref<10112x128xf32, #tpu.memory_space<vmem_shared>> -> memref<128x128xf32, #tpu.memory_space<vmem_shared>>
      %dma_wait3A_54 = arith.constant 0 : i32
      %dma_wait3A_55 = tpu.memref_slice %arg11[%add3A_14, %dma_wait3A_54] : memref<10112x128xf32, #tpu.memory_space<vmem_shared>> -> memref<128x128xf32, #tpu.memory_space<vmem_shared>>
      tpu.wait_dma2 semaphore(%run_scoped3A : memref<!tpu.dma_semaphore, #tpu.memory_space<semaphore_mem>>) src(%arg9 : memref<128x128xf32, #tpu.memory_space<vmem>>) dst(%dma_wait3A_55 : memref<128x128xf32, #tpu.memory_space<vmem_shared>>)
      tpu.yield
    }) : () -> ()
    %add3A_15 = arith.constant 384 : i32
    %add3A_16 = arith.addi %mul3A_8, %add3A_15 : i32
    "tpu.region"() ({
      %run_scoped3A = tpu.sem_alloc : memref<!tpu.dma_semaphore, #tpu.memory_space<semaphore_mem>>
      %dma_start3A_49 = arith.constant 0 : i32
      %dma_start3A_50 = tpu.memref_slice %arg11[%add3A_16, %dma_start3A_49] : memref<10112x128xf32, #tpu.memory_space<vmem_shared>> -> memref<128x128xf32, #tpu.memory_space<vmem_shared>>
      %dma_start3A_51 = arith.constant 0 : i32
      %dma_start3A_52 = tpu.memref_slice %arg11[%add3A_16, %dma_start3A_51] : memref<10112x128xf32, #tpu.memory_space<vmem_shared>> -> memref<128x128xf32, #tpu.memory_space<vmem_shared>>
      tpu.enqueue_dma source(%arg9 : memref<128x128xf32, #tpu.memory_space<vmem>>) target(%dma_start3A_52 : memref<128x128xf32, #tpu.memory_space<vmem_shared>>) target_semaphore(%run_scoped3A : memref<!tpu.dma_semaphore, #tpu.memory_space<semaphore_mem>>)
      %dma_wait3A = arith.constant 0 : i32
      %dma_wait3A_53 = tpu.memref_slice %arg11[%add3A_16, %dma_wait3A] : memref<10112x128xf32, #tpu.memory_space<vmem_shared>> -> memref<128x128xf32, #tpu.memory_space<vmem_shared>>
      %dma_wait3A_54 = arith.constant 0 : i32
      %dma_wait3A_55 = tpu.memref_slice %arg11[%add3A_16, %dma_wait3A_54] : memref<10112x128xf32, #tpu.memory_space<vmem_shared>> -> memref<128x128xf32, #tpu.memory_space<vmem_shared>>
      tpu.wait_dma2 semaphore(%run_scoped3A : memref<!tpu.dma_semaphore, #tpu.memory_space<semaphore_mem>>) src(%arg9 : memref<128x128xf32, #tpu.memory_space<vmem>>) dst(%dma_wait3A_55 : memref<128x128xf32, #tpu.memory_space<vmem_shared>>)
      tpu.yield
    }) : () -> ()
    %add3A_17 = arith.constant 512 : i32
    %add3A_18 = arith.addi %mul3A_8, %add3A_17 : i32
    "tpu.region"() ({
      %run_scoped3A = tpu.sem_alloc : memref<!tpu.dma_semaphore, #tpu.memory_space<semaphore_mem>>
      %dma_start3A_49 = arith.constant 0 : i32
      %dma_start3A_50 = arith.constant 0 : i32
      %dma_start3A_51 = tpu.memref_slice %arg9[%dma_start3A_49, %dma_start3A_50] : memref<128x128xf32, #tpu.memory_space<vmem>> -> memref<120x128xf32, #tpu.memory_space<vmem>>
      %dma_start3A_52 = arith.constant 0 : i32
      %dma_start3A_53 = tpu.memref_slice %arg11[%add3A_18, %dma_start3A_52] : memref<10112x128xf32, #tpu.memory_space<vmem_shared>> -> memref<120x128xf32, #tpu.memory_space<vmem_shared>>
      %dma_start3A_54 = arith.constant 0 : i32
      %dma_start3A_55 = tpu.memref_slice %arg11[%add3A_18, %dma_start3A_54] : memref<10112x128xf32, #tpu.memory_space<vmem_shared>> -> memref<120x128xf32, #tpu.memory_space<vmem_shared>>
      %dma_start3A_56 = arith.constant 0 : i32
      %dma_start3A_57 = arith.constant 0 : i32
      %dma_start3A_58 = tpu.memref_slice %arg9[%dma_start3A_56, %dma_start3A_57] : memref<128x128xf32, #tpu.memory_space<vmem>> -> memref<120x128xf32, #tpu.memory_space<vmem>>
      tpu.enqueue_dma source(%dma_start3A_58 : memref<120x128xf32, #tpu.memory_space<vmem>>) target(%dma_start3A_55 : memref<120x128xf32, #tpu.memory_space<vmem_shared>>) target_semaphore(%run_scoped3A : memref<!tpu.dma_semaphore, #tpu.memory_space<semaphore_mem>>)
      %dma_wait3A = arith.constant 0 : i32
      %dma_wait3A_59 = arith.constant 0 : i32
      %dma_wait3A_60 = tpu.memref_slice %arg9[%dma_wait3A, %dma_wait3A_59] : memref<128x128xf32, #tpu.memory_space<vmem>> -> memref<120x128xf32, #tpu.memory_space<vmem>>
      %dma_wait3A_61 = arith.constant 0 : i32
      %dma_wait3A_62 = tpu.memref_slice %arg11[%add3A_18, %dma_wait3A_61] : memref<10112x128xf32, #tpu.memory_space<vmem_shared>> -> memref<120x128xf32, #tpu.memory_space<vmem_shared>>
      %dma_wait3A_63 = arith.constant 0 : i32
      %dma_wait3A_64 = tpu.memref_slice %arg11[%add3A_18, %dma_wait3A_63] : memref<10112x128xf32, #tpu.memory_space<vmem_shared>> -> memref<120x128xf32, #tpu.memory_space<vmem_shared>>
      %dma_wait3A_65 = arith.constant 0 : i32
      %dma_wait3A_66 = arith.constant 0 : i32
      %dma_wait3A_67 = tpu.memref_slice %arg9[%dma_wait3A_65, %dma_wait3A_66] : memref<128x128xf32, #tpu.memory_space<vmem>> -> memref<120x128xf32, #tpu.memory_space<vmem>>
      tpu.wait_dma2 semaphore(%run_scoped3A : memref<!tpu.dma_semaphore, #tpu.memory_space<semaphore_mem>>) src(%dma_wait3A_67 : memref<120x128xf32, #tpu.memory_space<vmem>>) dst(%dma_wait3A_64 : memref<120x128xf32, #tpu.memory_space<vmem_shared>>)
      tpu.yield
    }) : () -> ()
    "tpu.region"() ({
      %run_scoped3A = tpu.sem_alloc : memref<!tpu.dma_semaphore, #tpu.memory_space<semaphore_mem>>
      %dma_start3A_49 = arith.constant 0 : i32
      %dma_start3A_50 = arith.constant 0 : i32
      %dma_start3A_51 = tpu.memref_slice %arg3[%add3A, %dma_start3A_49, %dma_start3A_50] : memref<32x80x128xi32, #tpu.memory_space<hbm>> -> memref<1x40x128xi32, #tpu.memory_space<hbm>>
      %dma_start3A_52 = tpu.memref_squeeze %dma_start3A_51 : memref<1x40x128xi32, #tpu.memory_space<hbm>> -> memref<40x128xi32, #tpu.memory_space<hbm>>
      %dma_start3A_53 = arith.constant 0 : i32
      %dma_start3A_54 = arith.constant 0 : i32
      %dma_start3A_55 = tpu.memref_slice %arg3[%add3A, %dma_start3A_53, %dma_start3A_54] : memref<32x80x128xi32, #tpu.memory_space<hbm>> -> memref<1x40x128xi32, #tpu.memory_space<hbm>>
      %dma_start3A_56 = tpu.memref_squeeze %dma_start3A_55 : memref<1x40x128xi32, #tpu.memory_space<hbm>> -> memref<40x128xi32, #tpu.memory_space<hbm>>
      tpu.enqueue_dma source(%dma_start3A_56 : memref<40x128xi32, #tpu.memory_space<hbm>>) target(%arg7 : memref<40x128xi32, #tpu.memory_space<vmem>>) target_semaphore(%run_scoped3A : memref<!tpu.dma_semaphore, #tpu.memory_space<semaphore_mem>>)
      %dma_wait3A = arith.constant 0 : i32
      %dma_wait3A_57 = arith.constant 0 : i32
      %dma_wait3A_58 = tpu.memref_slice %arg3[%add3A, %dma_wait3A, %dma_wait3A_57] : memref<32x80x128xi32, #tpu.memory_space<hbm>> -> memref<1x40x128xi32, #tpu.memory_space<hbm>>
      %dma_wait3A_59 = tpu.memref_squeeze %dma_wait3A_58 : memref<1x40x128xi32, #tpu.memory_space<hbm>> -> memref<40x128xi32, #tpu.memory_space<hbm>>
      %dma_wait3A_60 = arith.constant 0 : i32
      %dma_wait3A_61 = arith.constant 0 : i32
      %dma_wait3A_62 = tpu.memref_slice %arg3[%add3A, %dma_wait3A_60, %dma_wait3A_61] : memref<32x80x128xi32, #tpu.memory_space<hbm>> -> memref<1x40x128xi32, #tpu.memory_space<hbm>>
      %dma_wait3A_63 = tpu.memref_squeeze %dma_wait3A_62 : memref<1x40x128xi32, #tpu.memory_space<hbm>> -> memref<40x128xi32, #tpu.memory_space<hbm>>
      tpu.wait_dma2 semaphore(%run_scoped3A : memref<!tpu.dma_semaphore, #tpu.memory_space<semaphore_mem>>) src(%dma_wait3A_63 : memref<40x128xi32, #tpu.memory_space<hbm>>) dst(%arg7 : memref<40x128xi32, #tpu.memory_space<vmem>>)
      tpu.yield
    }) : () -> ()
    "tpu.region"() ({
      %run_scoped3A = tpu.sem_alloc : memref<!tpu.dma_semaphore, #tpu.memory_space<semaphore_mem>>
      %dma_start3A_49 = arith.constant 0 : i32
      %dma_start3A_50 = arith.constant 0 : i32
      %dma_start3A_51 = tpu.memref_slice %arg4[%add3A, %dma_start3A_49, %dma_start3A_50] : memref<32x80x128xi32, #tpu.memory_space<hbm>> -> memref<1x40x128xi32, #tpu.memory_space<hbm>>
      %dma_start3A_52 = tpu.memref_squeeze %dma_start3A_51 : memref<1x40x128xi32, #tpu.memory_space<hbm>> -> memref<40x128xi32, #tpu.memory_space<hbm>>
      %dma_start3A_53 = arith.constant 0 : i32
      %dma_start3A_54 = arith.constant 0 : i32
      %dma_start3A_55 = tpu.memref_slice %arg4[%add3A, %dma_start3A_53, %dma_start3A_54] : memref<32x80x128xi32, #tpu.memory_space<hbm>> -> memref<1x40x128xi32, #tpu.memory_space<hbm>>
      %dma_start3A_56 = tpu.memref_squeeze %dma_start3A_55 : memref<1x40x128xi32, #tpu.memory_space<hbm>> -> memref<40x128xi32, #tpu.memory_space<hbm>>
      tpu.enqueue_dma source(%dma_start3A_56 : memref<40x128xi32, #tpu.memory_space<hbm>>) target(%arg8 : memref<40x128xi32, #tpu.memory_space<vmem>>) target_semaphore(%run_scoped3A : memref<!tpu.dma_semaphore, #tpu.memory_space<semaphore_mem>>)
      %dma_wait3A = arith.constant 0 : i32
      %dma_wait3A_57 = arith.constant 0 : i32
      %dma_wait3A_58 = tpu.memref_slice %arg4[%add3A, %dma_wait3A, %dma_wait3A_57] : memref<32x80x128xi32, #tpu.memory_space<hbm>> -> memref<1x40x128xi32, #tpu.memory_space<hbm>>
      %dma_wait3A_59 = tpu.memref_squeeze %dma_wait3A_58 : memref<1x40x128xi32, #tpu.memory_space<hbm>> -> memref<40x128xi32, #tpu.memory_space<hbm>>
      %dma_wait3A_60 = arith.constant 0 : i32
      %dma_wait3A_61 = arith.constant 0 : i32
      %dma_wait3A_62 = tpu.memref_slice %arg4[%add3A, %dma_wait3A_60, %dma_wait3A_61] : memref<32x80x128xi32, #tpu.memory_space<hbm>> -> memref<1x40x128xi32, #tpu.memory_space<hbm>>
      %dma_wait3A_63 = tpu.memref_squeeze %dma_wait3A_62 : memref<1x40x128xi32, #tpu.memory_space<hbm>> -> memref<40x128xi32, #tpu.memory_space<hbm>>
      tpu.wait_dma2 semaphore(%run_scoped3A : memref<!tpu.dma_semaphore, #tpu.memory_space<semaphore_mem>>) src(%dma_wait3A_63 : memref<40x128xi32, #tpu.memory_space<hbm>>) dst(%arg8 : memref<40x128xi32, #tpu.memory_space<vmem>>)
      tpu.yield
    }) : () -> ()
    %barrier3A = arith.constant 0 : index
    tpu.barrier barrier_id(%barrier3A)
    %dma_start3A = arith.constant 0 : i32
    %dma_start3A_19 = arith.constant 0 : i32
    %dma_start3A_20 = tpu.memref_slice %arg7[%dma_start3A, %dma_start3A_19] : memref<40x128xi32, #tpu.memory_space<vmem>> -> memref<1x128xi32, #tpu.memory_space<vmem>>
    %dma_start3A_21 = tpu.memref_squeeze %dma_start3A_20 : memref<1x128xi32, #tpu.memory_space<vmem>> -> memref<128xi32, #tpu.memory_space<vmem>>
    %dma_start3A_22 = arith.constant 0 : i32
    %dma_start3A_23 = arith.constant 0 : i32
    %dma_start3A_24 = tpu.memref_slice %arg2[%dma_start3A_22, %dma_start3A_23] : memref<10000x128xf32, #tpu.memory_space<hbm>> -> memref<10000x128xf32, #tpu.memory_space<hbm>>
    tpu.enqueue_indirect_dma source(%dma_start3A_24 : memref<10000x128xf32, #tpu.memory_space<hbm>>) target(%arg9 : memref<128x128xf32, #tpu.memory_space<vmem>>) offsets(%dma_start3A_21 : memref<128xi32, #tpu.memory_space<vmem>>) semaphore(%arg12 : memref<!tpu.dma_semaphore, #tpu.memory_space<semaphore_mem>>)
    %scan3A_25 = arith.constant 0 : i32
    %scan3A_26 = arith.constant 0 : i32
    %scan3A_27 = arith.constant 20 : i32
    %scan3A_28 = arith.addi %scan3A_26, %scan3A_27 : i32
    %scan3A_29 = arith.constant 1 : i32
    scf.for %scan3A_49 = %scan3A_26 to %scan3A_28 step %scan3A_29  : i32 {
      %mul3A_50 = arith.constant 2 : i32
      %mul3A_51 = arith.muli %mul3A_50, %scan3A_49 : i32
      %add3A_52 = arith.constant 1 : i32
      %add3A_53 = arith.addi %mul3A_51, %add3A_52 : i32
      %dma_start3A_54 = arith.constant 0 : i32
      %dma_start3A_55 = tpu.memref_slice %arg7[%add3A_53, %dma_start3A_54] : memref<40x128xi32, #tpu.memory_space<vmem>> -> memref<1x128xi32, #tpu.memory_space<vmem>>
      %dma_start3A_56 = tpu.memref_squeeze %dma_start3A_55 : memref<1x128xi32, #tpu.memory_space<vmem>> -> memref<128xi32, #tpu.memory_space<vmem>>
      %dma_start3A_57 = arith.constant 0 : i32
      %dma_start3A_58 = arith.constant 0 : i32
      %dma_start3A_59 = tpu.memref_slice %arg2[%dma_start3A_57, %dma_start3A_58] : memref<10000x128xf32, #tpu.memory_space<hbm>> -> memref<10000x128xf32, #tpu.memory_space<hbm>>
      tpu.enqueue_indirect_dma source(%dma_start3A_59 : memref<10000x128xf32, #tpu.memory_space<hbm>>) target(%arg10 : memref<128x128xf32, #tpu.memory_space<vmem>>) offsets(%dma_start3A_56 : memref<128xi32, #tpu.memory_space<vmem>>) semaphore(%arg13 : memref<!tpu.dma_semaphore, #tpu.memory_space<semaphore_mem>>)
      %dma_wait3A = arith.constant 0 : i32
      %dma_wait3A_60 = tpu.memref_slice %arg7[%mul3A_51, %dma_wait3A] : memref<40x128xi32, #tpu.memory_space<vmem>> -> memref<1x128xi32, #tpu.memory_space<vmem>>
      %dma_wait3A_61 = tpu.memref_squeeze %dma_wait3A_60 : memref<1x128xi32, #tpu.memory_space<vmem>> -> memref<128xi32, #tpu.memory_space<vmem>>
      %dma_wait3A_62 = arith.constant 0 : i32
      %dma_wait3A_63 = arith.constant 0 : i32
      %dma_wait3A_64 = tpu.memref_slice %arg2[%dma_wait3A_62, %dma_wait3A_63] : memref<10000x128xf32, #tpu.memory_space<hbm>> -> memref<10000x128xf32, #tpu.memory_space<hbm>>
      tpu.wait_indirect_dma semaphore(%arg12 : memref<!tpu.dma_semaphore, #tpu.memory_space<semaphore_mem>>) src(%dma_wait3A_64 : memref<10000x128xf32, #tpu.memory_space<hbm>>) dst(%arg9 : memref<128x128xf32, #tpu.memory_space<vmem>>)
      "tpu.region"() ({
        %run_scoped3A = tpu.sem_alloc : memref<!tpu.dma_semaphore, #tpu.memory_space<semaphore_mem>>
        %dma_start3A_75 = arith.constant 0 : i32
        %dma_start3A_76 = tpu.memref_slice %arg8[%mul3A_51, %dma_start3A_75] : memref<40x128xi32, #tpu.memory_space<vmem>> -> memref<1x128xi32, #tpu.memory_space<vmem>>
        %dma_start3A_77 = tpu.memref_squeeze %dma_start3A_76 : memref<1x128xi32, #tpu.memory_space<vmem>> -> memref<128xi32, #tpu.memory_space<vmem>>
        %dma_start3A_78 = arith.constant 0 : i32
        %dma_start3A_79 = arith.constant 0 : i32
        %dma_start3A_80 = tpu.memref_slice %arg11[%dma_start3A_78, %dma_start3A_79] : memref<10112x128xf32, #tpu.memory_space<vmem_shared>> -> memref<10112x128xf32, #tpu.memory_space<vmem_shared>>
        tpu.enqueue_indirect_dma source(%arg9 : memref<128x128xf32, #tpu.memory_space<vmem>>) target(%dma_start3A_80 : memref<10112x128xf32, #tpu.memory_space<vmem_shared>>) offsets(%dma_start3A_77 : memref<128xi32, #tpu.memory_space<vmem>>) semaphore(%run_scoped3A : memref<!tpu.dma_semaphore, #tpu.memory_space<semaphore_mem>>) {add = true}
        %dma_wait3A_81 = arith.constant 0 : i32
        %dma_wait3A_82 = tpu.memref_slice %arg8[%mul3A_51, %dma_wait3A_81] : memref<40x128xi32, #tpu.memory_space<vmem>> -> memref<1x128xi32, #tpu.memory_space<vmem>>
        %dma_wait3A_83 = tpu.memref_squeeze %dma_wait3A_82 : memref<1x128xi32, #tpu.memory_space<vmem>> -> memref<128xi32, #tpu.memory_space<vmem>>
        %dma_wait3A_84 = arith.constant 0 : i32
        %dma_wait3A_85 = arith.constant 0 : i32
        %dma_wait3A_86 = tpu.memref_slice %arg11[%dma_wait3A_84, %dma_wait3A_85] : memref<10112x128xf32, #tpu.memory_space<vmem_shared>> -> memref<10112x128xf32, #tpu.memory_space<vmem_shared>>
        tpu.wait_indirect_dma semaphore(%run_scoped3A : memref<!tpu.dma_semaphore, #tpu.memory_space<semaphore_mem>>) src(%arg9 : memref<128x128xf32, #tpu.memory_space<vmem>>) dst(%dma_wait3A_86 : memref<10112x128xf32, #tpu.memory_space<vmem_shared>>)
        tpu.yield
      }) : () -> ()
      %add3A_65 = arith.constant 2 : i32
      %add3A_66 = arith.addi %mul3A_51, %add3A_65 : i32
      %lt3A = arith.constant 40 : i32
      %lt3A_67 = arith.cmpi slt, %add3A_66, %lt3A : i32
      %convert_element_type3A = arith.extui %lt3A_67 : i1 to i32
      %cond3A = arith.constant 0 : i32
      %cond3A_68 = arith.cmpi ne, %convert_element_type3A, %cond3A : i32
      scf.if %cond3A_68 {
        %add3A_75 = arith.constant 2 : i32
        %add3A_76 = arith.addi %mul3A_51, %add3A_75 : i32
        %dma_start3A_77 = arith.constant 0 : i32
        %dma_start3A_78 = tpu.memref_slice %arg7[%add3A_76, %dma_start3A_77] : memref<40x128xi32, #tpu.memory_space<vmem>> -> memref<1x128xi32, #tpu.memory_space<vmem>>
        %dma_start3A_79 = tpu.memref_squeeze %dma_start3A_78 : memref<1x128xi32, #tpu.memory_space<vmem>> -> memref<128xi32, #tpu.memory_space<vmem>>
        %dma_start3A_80 = arith.constant 0 : i32
        %dma_start3A_81 = arith.constant 0 : i32
        %dma_start3A_82 = tpu.memref_slice %arg2[%dma_start3A_80, %dma_start3A_81] : memref<10000x128xf32, #tpu.memory_space<hbm>> -> memref<10000x128xf32, #tpu.memory_space<hbm>>
        tpu.enqueue_indirect_dma source(%dma_start3A_82 : memref<10000x128xf32, #tpu.memory_space<hbm>>) target(%arg9 : memref<128x128xf32, #tpu.memory_space<vmem>>) offsets(%dma_start3A_79 : memref<128xi32, #tpu.memory_space<vmem>>) semaphore(%arg12 : memref<!tpu.dma_semaphore, #tpu.memory_space<semaphore_mem>>)
      } else {
      }
      %dma_wait3A_69 = arith.constant 0 : i32
      %dma_wait3A_70 = tpu.memref_slice %arg7[%add3A_53, %dma_wait3A_69] : memref<40x128xi32, #tpu.memory_space<vmem>> -> memref<1x128xi32, #tpu.memory_space<vmem>>
      %dma_wait3A_71 = tpu.memref_squeeze %dma_wait3A_70 : memref<1x128xi32, #tpu.memory_space<vmem>> -> memref<128xi32, #tpu.memory_space<vmem>>
      %dma_wait3A_72 = arith.constant 0 : i32
      %dma_wait3A_73 = arith.constant 0 : i32
      %dma_wait3A_74 = tpu.memref_slice %arg2[%dma_wait3A_72, %dma_wait3A_73] : memref<10000x128xf32, #tpu.memory_space<hbm>> -> memref<10000x128xf32, #tpu.memory_space<hbm>>
      tpu.wait_indirect_dma semaphore(%arg13 : memref<!tpu.dma_semaphore, #tpu.memory_space<semaphore_mem>>) src(%dma_wait3A_74 : memref<10000x128xf32, #tpu.memory_space<hbm>>) dst(%arg10 : memref<128x128xf32, #tpu.memory_space<vmem>>)
      "tpu.region"() ({
        %run_scoped3A = tpu.sem_alloc : memref<!tpu.dma_semaphore, #tpu.memory_space<semaphore_mem>>
        %dma_start3A_75 = arith.constant 0 : i32
        %dma_start3A_76 = tpu.memref_slice %arg8[%add3A_53, %dma_start3A_75] : memref<40x128xi32, #tpu.memory_space<vmem>> -> memref<1x128xi32, #tpu.memory_space<vmem>>
        %dma_start3A_77 = tpu.memref_squeeze %dma_start3A_76 : memref<1x128xi32, #tpu.memory_space<vmem>> -> memref<128xi32, #tpu.memory_space<vmem>>
        %dma_start3A_78 = arith.constant 0 : i32
        %dma_start3A_79 = arith.constant 0 : i32
        %dma_start3A_80 = tpu.memref_slice %arg11[%dma_start3A_78, %dma_start3A_79] : memref<10112x128xf32, #tpu.memory_space<vmem_shared>> -> memref<10112x128xf32, #tpu.memory_space<vmem_shared>>
        tpu.enqueue_indirect_dma source(%arg10 : memref<128x128xf32, #tpu.memory_space<vmem>>) target(%dma_start3A_80 : memref<10112x128xf32, #tpu.memory_space<vmem_shared>>) offsets(%dma_start3A_77 : memref<128xi32, #tpu.memory_space<vmem>>) semaphore(%run_scoped3A : memref<!tpu.dma_semaphore, #tpu.memory_space<semaphore_mem>>) {add = true}
        %dma_wait3A_81 = arith.constant 0 : i32
        %dma_wait3A_82 = tpu.memref_slice %arg8[%add3A_53, %dma_wait3A_81] : memref<40x128xi32, #tpu.memory_space<vmem>> -> memref<1x128xi32, #tpu.memory_space<vmem>>
        %dma_wait3A_83 = tpu.memref_squeeze %dma_wait3A_82 : memref<1x128xi32, #tpu.memory_space<vmem>> -> memref<128xi32, #tpu.memory_space<vmem>>
        %dma_wait3A_84 = arith.constant 0 : i32
        %dma_wait3A_85 = arith.constant 0 : i32
        %dma_wait3A_86 = tpu.memref_slice %arg11[%dma_wait3A_84, %dma_wait3A_85] : memref<10112x128xf32, #tpu.memory_space<vmem_shared>> -> memref<10112x128xf32, #tpu.memory_space<vmem_shared>>
        tpu.wait_indirect_dma semaphore(%run_scoped3A : memref<!tpu.dma_semaphore, #tpu.memory_space<semaphore_mem>>) src(%arg10 : memref<128x128xf32, #tpu.memory_space<vmem>>) dst(%dma_wait3A_86 : memref<10112x128xf32, #tpu.memory_space<vmem_shared>>)
        tpu.yield
      }) : () -> ()
    }
    %scan3A_30 = arith.constant 20 : i32
    "tpu.region"() ({
      %run_scoped3A = tpu.sem_alloc : memref<!tpu.dma_semaphore, #tpu.memory_space<semaphore_mem>>
      %dma_start3A_49 = arith.constant 40 : i32
      %dma_start3A_50 = arith.constant 0 : i32
      %dma_start3A_51 = tpu.memref_slice %arg3[%add3A, %dma_start3A_49, %dma_start3A_50] : memref<32x80x128xi32, #tpu.memory_space<hbm>> -> memref<1x40x128xi32, #tpu.memory_space<hbm>>
      %dma_start3A_52 = tpu.memref_squeeze %dma_start3A_51 : memref<1x40x128xi32, #tpu.memory_space<hbm>> -> memref<40x128xi32, #tpu.memory_space<hbm>>
      %dma_start3A_53 = arith.constant 40 : i32
      %dma_start3A_54 = arith.constant 0 : i32
      %dma_start3A_55 = tpu.memref_slice %arg3[%add3A, %dma_start3A_53, %dma_start3A_54] : memref<32x80x128xi32, #tpu.memory_space<hbm>> -> memref<1x40x128xi32, #tpu.memory_space<hbm>>
      %dma_start3A_56 = tpu.memref_squeeze %dma_start3A_55 : memref<1x40x128xi32, #tpu.memory_space<hbm>> -> memref<40x128xi32, #tpu.memory_space<hbm>>
      tpu.enqueue_dma source(%dma_start3A_56 : memref<40x128xi32, #tpu.memory_space<hbm>>) target(%arg7 : memref<40x128xi32, #tpu.memory_space<vmem>>) target_semaphore(%run_scoped3A : memref<!tpu.dma_semaphore, #tpu.memory_space<semaphore_mem>>)
      %dma_wait3A = arith.constant 40 : i32
      %dma_wait3A_57 = arith.constant 0 : i32
      %dma_wait3A_58 = tpu.memref_slice %arg3[%add3A, %dma_wait3A, %dma_wait3A_57] : memref<32x80x128xi32, #tpu.memory_space<hbm>> -> memref<1x40x128xi32, #tpu.memory_space<hbm>>
      %dma_wait3A_59 = tpu.memref_squeeze %dma_wait3A_58 : memref<1x40x128xi32, #tpu.memory_space<hbm>> -> memref<40x128xi32, #tpu.memory_space<hbm>>
      %dma_wait3A_60 = arith.constant 40 : i32
      %dma_wait3A_61 = arith.constant 0 : i32
      %dma_wait3A_62 = tpu.memref_slice %arg3[%add3A, %dma_wait3A_60, %dma_wait3A_61] : memref<32x80x128xi32, #tpu.memory_space<hbm>> -> memref<1x40x128xi32, #tpu.memory_space<hbm>>
      %dma_wait3A_63 = tpu.memref_squeeze %dma_wait3A_62 : memref<1x40x128xi32, #tpu.memory_space<hbm>> -> memref<40x128xi32, #tpu.memory_space<hbm>>
      tpu.wait_dma2 semaphore(%run_scoped3A : memref<!tpu.dma_semaphore, #tpu.memory_space<semaphore_mem>>) src(%dma_wait3A_63 : memref<40x128xi32, #tpu.memory_space<hbm>>) dst(%arg7 : memref<40x128xi32, #tpu.memory_space<vmem>>)
      tpu.yield
    }) : () -> ()
    "tpu.region"() ({
      %run_scoped3A = tpu.sem_alloc : memref<!tpu.dma_semaphore, #tpu.memory_space<semaphore_mem>>
      %dma_start3A_49 = arith.constant 40 : i32
      %dma_start3A_50 = arith.constant 0 : i32
      %dma_start3A_51 = tpu.memref_slice %arg4[%add3A, %dma_start3A_49, %dma_start3A_50] : memref<32x80x128xi32, #tpu.memory_space<hbm>> -> memref<1x40x128xi32, #tpu.memory_space<hbm>>
      %dma_start3A_52 = tpu.memref_squeeze %dma_start3A_51 : memref<1x40x128xi32, #tpu.memory_space<hbm>> -> memref<40x128xi32, #tpu.memory_space<hbm>>
      %dma_start3A_53 = arith.constant 40 : i32
      %dma_start3A_54 = arith.constant 0 : i32
      %dma_start3A_55 = tpu.memref_slice %arg4[%add3A, %dma_start3A_53, %dma_start3A_54] : memref<32x80x128xi32, #tpu.memory_space<hbm>> -> memref<1x40x128xi32, #tpu.memory_space<hbm>>
      %dma_start3A_56 = tpu.memref_squeeze %dma_start3A_55 : memref<1x40x128xi32, #tpu.memory_space<hbm>> -> memref<40x128xi32, #tpu.memory_space<hbm>>
      tpu.enqueue_dma source(%dma_start3A_56 : memref<40x128xi32, #tpu.memory_space<hbm>>) target(%arg8 : memref<40x128xi32, #tpu.memory_space<vmem>>) target_semaphore(%run_scoped3A : memref<!tpu.dma_semaphore, #tpu.memory_space<semaphore_mem>>)
      %dma_wait3A = arith.constant 40 : i32
      %dma_wait3A_57 = arith.constant 0 : i32
      %dma_wait3A_58 = tpu.memref_slice %arg4[%add3A, %dma_wait3A, %dma_wait3A_57] : memref<32x80x128xi32, #tpu.memory_space<hbm>> -> memref<1x40x128xi32, #tpu.memory_space<hbm>>
      %dma_wait3A_59 = tpu.memref_squeeze %dma_wait3A_58 : memref<1x40x128xi32, #tpu.memory_space<hbm>> -> memref<40x128xi32, #tpu.memory_space<hbm>>
      %dma_wait3A_60 = arith.constant 40 : i32
      %dma_wait3A_61 = arith.constant 0 : i32
      %dma_wait3A_62 = tpu.memref_slice %arg4[%add3A, %dma_wait3A_60, %dma_wait3A_61] : memref<32x80x128xi32, #tpu.memory_space<hbm>> -> memref<1x40x128xi32, #tpu.memory_space<hbm>>
      %dma_wait3A_63 = tpu.memref_squeeze %dma_wait3A_62 : memref<1x40x128xi32, #tpu.memory_space<hbm>> -> memref<40x128xi32, #tpu.memory_space<hbm>>
      tpu.wait_dma2 semaphore(%run_scoped3A : memref<!tpu.dma_semaphore, #tpu.memory_space<semaphore_mem>>) src(%dma_wait3A_63 : memref<40x128xi32, #tpu.memory_space<hbm>>) dst(%arg8 : memref<40x128xi32, #tpu.memory_space<vmem>>)
      tpu.yield
    }) : () -> ()
    %dma_start3A_31 = arith.constant 0 : i32
    %dma_start3A_32 = arith.constant 0 : i32
    %dma_start3A_33 = tpu.memref_slice %arg7[%dma_start3A_31, %dma_start3A_32] : memref<40x128xi32, #tpu.memory_space<vmem>> -> memref<1x128xi32, #tpu.memory_space<vmem>>
    %dma_start3A_34 = tpu.memref_squeeze %dma_start3A_33 : memref<1x128xi32, #tpu.memory_space<vmem>> -> memref<128xi32, #tpu.memory_space<vmem>>
    %dma_start3A_35 = arith.constant 0 : i32
    %dma_start3A_36 = arith.constant 0 : i32
    %dma_start3A_37 = tpu.memref_slice %arg2[%dma_start3A_35, %dma_start3A_36] : memref<10000x128xf32, #tpu.memory_space<hbm>> -> memref<10000x128xf32, #tpu.memory_space<hbm>>
    tpu.enqueue_indirect_dma source(%dma_start3A_37 : memref<10000x128xf32, #tpu.memory_space<hbm>>) target(%arg9 : memref<128x128xf32, #tpu.memory_space<vmem>>) offsets(%dma_start3A_34 : memref<128xi32, #tpu.memory_space<vmem>>) semaphore(%arg12 : memref<!tpu.dma_semaphore, #tpu.memory_space<semaphore_mem>>)
    %scan3A_38 = arith.constant 0 : i32
    %scan3A_39 = arith.constant 0 : i32
    %scan3A_40 = arith.constant 20 : i32
    %scan3A_41 = arith.addi %scan3A_39, %scan3A_40 : i32
    %scan3A_42 = arith.constant 1 : i32
    scf.for %scan3A_49 = %scan3A_39 to %scan3A_41 step %scan3A_42  : i32 {
      %mul3A_50 = arith.constant 2 : i32
      %mul3A_51 = arith.muli %mul3A_50, %scan3A_49 : i32
      %add3A_52 = arith.constant 1 : i32
      %add3A_53 = arith.addi %mul3A_51, %add3A_52 : i32
      %dma_start3A_54 = arith.constant 0 : i32
      %dma_start3A_55 = tpu.memref_slice %arg7[%add3A_53, %dma_start3A_54] : memref<40x128xi32, #tpu.memory_space<vmem>> -> memref<1x128xi32, #tpu.memory_space<vmem>>
      %dma_start3A_56 = tpu.memref_squeeze %dma_start3A_55 : memref<1x128xi32, #tpu.memory_space<vmem>> -> memref<128xi32, #tpu.memory_space<vmem>>
      %dma_start3A_57 = arith.constant 0 : i32
      %dma_start3A_58 = arith.constant 0 : i32
      %dma_start3A_59 = tpu.memref_slice %arg2[%dma_start3A_57, %dma_start3A_58] : memref<10000x128xf32, #tpu.memory_space<hbm>> -> memref<10000x128xf32, #tpu.memory_space<hbm>>
      tpu.enqueue_indirect_dma source(%dma_start3A_59 : memref<10000x128xf32, #tpu.memory_space<hbm>>) target(%arg10 : memref<128x128xf32, #tpu.memory_space<vmem>>) offsets(%dma_start3A_56 : memref<128xi32, #tpu.memory_space<vmem>>) semaphore(%arg13 : memref<!tpu.dma_semaphore, #tpu.memory_space<semaphore_mem>>)
      %dma_wait3A = arith.constant 0 : i32
      %dma_wait3A_60 = tpu.memref_slice %arg7[%mul3A_51, %dma_wait3A] : memref<40x128xi32, #tpu.memory_space<vmem>> -> memref<1x128xi32, #tpu.memory_space<vmem>>
      %dma_wait3A_61 = tpu.memref_squeeze %dma_wait3A_60 : memref<1x128xi32, #tpu.memory_space<vmem>> -> memref<128xi32, #tpu.memory_space<vmem>>
      %dma_wait3A_62 = arith.constant 0 : i32
      %dma_wait3A_63 = arith.constant 0 : i32
      %dma_wait3A_64 = tpu.memref_slice %arg2[%dma_wait3A_62, %dma_wait3A_63] : memref<10000x128xf32, #tpu.memory_space<hbm>> -> memref<10000x128xf32, #tpu.memory_space<hbm>>
      tpu.wait_indirect_dma semaphore(%arg12 : memref<!tpu.dma_semaphore, #tpu.memory_space<semaphore_mem>>) src(%dma_wait3A_64 : memref<10000x128xf32, #tpu.memory_space<hbm>>) dst(%arg9 : memref<128x128xf32, #tpu.memory_space<vmem>>)
      "tpu.region"() ({
        %run_scoped3A = tpu.sem_alloc : memref<!tpu.dma_semaphore, #tpu.memory_space<semaphore_mem>>
        %dma_start3A_75 = arith.constant 0 : i32
        %dma_start3A_76 = tpu.memref_slice %arg8[%mul3A_51, %dma_start3A_75] : memref<40x128xi32, #tpu.memory_space<vmem>> -> memref<1x128xi32, #tpu.memory_space<vmem>>
        %dma_start3A_77 = tpu.memref_squeeze %dma_start3A_76 : memref<1x128xi32, #tpu.memory_space<vmem>> -> memref<128xi32, #tpu.memory_space<vmem>>
        %dma_start3A_78 = arith.constant 0 : i32
        %dma_start3A_79 = arith.constant 0 : i32
        %dma_start3A_80 = tpu.memref_slice %arg11[%dma_start3A_78, %dma_start3A_79] : memref<10112x128xf32, #tpu.memory_space<vmem_shared>> -> memref<10112x128xf32, #tpu.memory_space<vmem_shared>>
        tpu.enqueue_indirect_dma source(%arg9 : memref<128x128xf32, #tpu.memory_space<vmem>>) target(%dma_start3A_80 : memref<10112x128xf32, #tpu.memory_space<vmem_shared>>) offsets(%dma_start3A_77 : memref<128xi32, #tpu.memory_space<vmem>>) semaphore(%run_scoped3A : memref<!tpu.dma_semaphore, #tpu.memory_space<semaphore_mem>>) {add = true}
        %dma_wait3A_81 = arith.constant 0 : i32
        %dma_wait3A_82 = tpu.memref_slice %arg8[%mul3A_51, %dma_wait3A_81] : memref<40x128xi32, #tpu.memory_space<vmem>> -> memref<1x128xi32, #tpu.memory_space<vmem>>
        %dma_wait3A_83 = tpu.memref_squeeze %dma_wait3A_82 : memref<1x128xi32, #tpu.memory_space<vmem>> -> memref<128xi32, #tpu.memory_space<vmem>>
        %dma_wait3A_84 = arith.constant 0 : i32
        %dma_wait3A_85 = arith.constant 0 : i32
        %dma_wait3A_86 = tpu.memref_slice %arg11[%dma_wait3A_84, %dma_wait3A_85] : memref<10112x128xf32, #tpu.memory_space<vmem_shared>> -> memref<10112x128xf32, #tpu.memory_space<vmem_shared>>
        tpu.wait_indirect_dma semaphore(%run_scoped3A : memref<!tpu.dma_semaphore, #tpu.memory_space<semaphore_mem>>) src(%arg9 : memref<128x128xf32, #tpu.memory_space<vmem>>) dst(%dma_wait3A_86 : memref<10112x128xf32, #tpu.memory_space<vmem_shared>>)
        tpu.yield
      }) : () -> ()
      %add3A_65 = arith.constant 2 : i32
      %add3A_66 = arith.addi %mul3A_51, %add3A_65 : i32
      %lt3A = arith.constant 40 : i32
      %lt3A_67 = arith.cmpi slt, %add3A_66, %lt3A : i32
      %convert_element_type3A = arith.extui %lt3A_67 : i1 to i32
      %cond3A = arith.constant 0 : i32
      %cond3A_68 = arith.cmpi ne, %convert_element_type3A, %cond3A : i32
      scf.if %cond3A_68 {
        %add3A_75 = arith.constant 2 : i32
        %add3A_76 = arith.addi %mul3A_51, %add3A_75 : i32
        %dma_start3A_77 = arith.constant 0 : i32
        %dma_start3A_78 = tpu.memref_slice %arg7[%add3A_76, %dma_start3A_77] : memref<40x128xi32, #tpu.memory_space<vmem>> -> memref<1x128xi32, #tpu.memory_space<vmem>>
        %dma_start3A_79 = tpu.memref_squeeze %dma_start3A_78 : memref<1x128xi32, #tpu.memory_space<vmem>> -> memref<128xi32, #tpu.memory_space<vmem>>
        %dma_start3A_80 = arith.constant 0 : i32
        %dma_start3A_81 = arith.constant 0 : i32
        %dma_start3A_82 = tpu.memref_slice %arg2[%dma_start3A_80, %dma_start3A_81] : memref<10000x128xf32, #tpu.memory_space<hbm>> -> memref<10000x128xf32, #tpu.memory_space<hbm>>
        tpu.enqueue_indirect_dma source(%dma_start3A_82 : memref<10000x128xf32, #tpu.memory_space<hbm>>) target(%arg9 : memref<128x128xf32, #tpu.memory_space<vmem>>) offsets(%dma_start3A_79 : memref<128xi32, #tpu.memory_space<vmem>>) semaphore(%arg12 : memref<!tpu.dma_semaphore, #tpu.memory_space<semaphore_mem>>)
      } else {
      }
      %dma_wait3A_69 = arith.constant 0 : i32
      %dma_wait3A_70 = tpu.memref_slice %arg7[%add3A_53, %dma_wait3A_69] : memref<40x128xi32, #tpu.memory_space<vmem>> -> memref<1x128xi32, #tpu.memory_space<vmem>>
      %dma_wait3A_71 = tpu.memref_squeeze %dma_wait3A_70 : memref<1x128xi32, #tpu.memory_space<vmem>> -> memref<128xi32, #tpu.memory_space<vmem>>
      %dma_wait3A_72 = arith.constant 0 : i32
      %dma_wait3A_73 = arith.constant 0 : i32
      %dma_wait3A_74 = tpu.memref_slice %arg2[%dma_wait3A_72, %dma_wait3A_73] : memref<10000x128xf32, #tpu.memory_space<hbm>> -> memref<10000x128xf32, #tpu.memory_space<hbm>>
      tpu.wait_indirect_dma semaphore(%arg13 : memref<!tpu.dma_semaphore, #tpu.memory_space<semaphore_mem>>) src(%dma_wait3A_74 : memref<10000x128xf32, #tpu.memory_space<hbm>>) dst(%arg10 : memref<128x128xf32, #tpu.memory_space<vmem>>)
      "tpu.region"() ({
        %run_scoped3A = tpu.sem_alloc : memref<!tpu.dma_semaphore, #tpu.memory_space<semaphore_mem>>
        %dma_start3A_75 = arith.constant 0 : i32
        %dma_start3A_76 = tpu.memref_slice %arg8[%add3A_53, %dma_start3A_75] : memref<40x128xi32, #tpu.memory_space<vmem>> -> memref<1x128xi32, #tpu.memory_space<vmem>>
        %dma_start3A_77 = tpu.memref_squeeze %dma_start3A_76 : memref<1x128xi32, #tpu.memory_space<vmem>> -> memref<128xi32, #tpu.memory_space<vmem>>
        %dma_start3A_78 = arith.constant 0 : i32
        %dma_start3A_79 = arith.constant 0 : i32
        %dma_start3A_80 = tpu.memref_slice %arg11[%dma_start3A_78, %dma_start3A_79] : memref<10112x128xf32, #tpu.memory_space<vmem_shared>> -> memref<10112x128xf32, #tpu.memory_space<vmem_shared>>
        tpu.enqueue_indirect_dma source(%arg10 : memref<128x128xf32, #tpu.memory_space<vmem>>) target(%dma_start3A_80 : memref<10112x128xf32, #tpu.memory_space<vmem_shared>>) offsets(%dma_start3A_77 : memref<128xi32, #tpu.memory_space<vmem>>) semaphore(%run_scoped3A : memref<!tpu.dma_semaphore, #tpu.memory_space<semaphore_mem>>) {add = true}
        %dma_wait3A_81 = arith.constant 0 : i32
        %dma_wait3A_82 = tpu.memref_slice %arg8[%add3A_53, %dma_wait3A_81] : memref<40x128xi32, #tpu.memory_space<vmem>> -> memref<1x128xi32, #tpu.memory_space<vmem>>
        %dma_wait3A_83 = tpu.memref_squeeze %dma_wait3A_82 : memref<1x128xi32, #tpu.memory_space<vmem>> -> memref<128xi32, #tpu.memory_space<vmem>>
        %dma_wait3A_84 = arith.constant 0 : i32
        %dma_wait3A_85 = arith.constant 0 : i32
        %dma_wait3A_86 = tpu.memref_slice %arg11[%dma_wait3A_84, %dma_wait3A_85] : memref<10112x128xf32, #tpu.memory_space<vmem_shared>> -> memref<10112x128xf32, #tpu.memory_space<vmem_shared>>
        tpu.wait_indirect_dma semaphore(%run_scoped3A : memref<!tpu.dma_semaphore, #tpu.memory_space<semaphore_mem>>) src(%arg10 : memref<128x128xf32, #tpu.memory_space<vmem>>) dst(%dma_wait3A_86 : memref<10112x128xf32, #tpu.memory_space<vmem_shared>>)
        tpu.yield
      }) : () -> ()
    }
    %scan3A_43 = arith.constant 20 : i32
    %barrier3A_44 = arith.constant 0 : index
    tpu.barrier barrier_id(%barrier3A_44)
    %mul3A_45 = arith.constant 632 : i32
    %mul3A_46 = arith.muli %arg1, %mul3A_45 : i32
    %mul3A_47 = arith.constant 632 : i32
    %mul3A_48 = arith.muli %arg1, %mul3A_47 : i32
    "tpu.region"() ({
      %run_scoped3A = tpu.sem_alloc : memref<!tpu.dma_semaphore, #tpu.memory_space<semaphore_mem>>
      %dma_start3A_49 = arith.constant 0 : i32
      %dma_start3A_50 = tpu.memref_slice %arg6[%arg0, %mul3A_48, %dma_start3A_49] : memref<2x10112x128xf32, #tpu.memory_space<hbm>> -> memref<1x632x128xf32, #tpu.memory_space<hbm>>
      %dma_start3A_51 = tpu.memref_squeeze %dma_start3A_50 : memref<1x632x128xf32, #tpu.memory_space<hbm>> -> memref<632x128xf32, #tpu.memory_space<hbm>>
      %dma_start3A_52 = arith.constant 0 : i32
      %dma_start3A_53 = tpu.memref_slice %arg11[%mul3A_46, %dma_start3A_52] : memref<10112x128xf32, #tpu.memory_space<vmem_shared>> -> memref<632x128xf32, #tpu.memory_space<vmem_shared>>
      tpu.enqueue_dma source(%dma_start3A_53 : memref<632x128xf32, #tpu.memory_space<vmem_shared>>) target(%dma_start3A_51 : memref<632x128xf32, #tpu.memory_space<hbm>>) target_semaphore(%run_scoped3A : memref<!tpu.dma_semaphore, #tpu.memory_space<semaphore_mem>>)
      %dma_wait3A = arith.constant 0 : i32
      %dma_wait3A_54 = tpu.memref_slice %arg6[%arg0, %mul3A_48, %dma_wait3A] : memref<2x10112x128xf32, #tpu.memory_space<hbm>> -> memref<1x632x128xf32, #tpu.memory_space<hbm>>
      %dma_wait3A_55 = tpu.memref_squeeze %dma_wait3A_54 : memref<1x632x128xf32, #tpu.memory_space<hbm>> -> memref<632x128xf32, #tpu.memory_space<hbm>>
      %dma_wait3A_56 = arith.constant 0 : i32
      %dma_wait3A_57 = tpu.memref_slice %arg11[%mul3A_46, %dma_wait3A_56] : memref<10112x128xf32, #tpu.memory_space<vmem_shared>> -> memref<632x128xf32, #tpu.memory_space<vmem_shared>>
      tpu.wait_dma2 semaphore(%run_scoped3A : memref<!tpu.dma_semaphore, #tpu.memory_space<semaphore_mem>>) src(%dma_wait3A_57 : memref<632x128xf32, #tpu.memory_space<vmem_shared>>) dst(%dma_wait3A_55 : memref<632x128xf32, #tpu.memory_space<hbm>>)
      tpu.yield
    }) : () -> ()
    return
  }
}

module attributes {stable_mosaic.version = 14 : i64} {
  func.func @_tc_mm_body(%arg0: i32, %arg1: memref<2000x128xf32, #tpu.memory_space<vmem>>, %arg2: memref<128x128xf32, #tpu.memory_space<vmem>>, %arg3: memref<2000x128xf32, #tpu.memory_space<vmem>>) attributes {dimension_semantics = [#tpu.dimension_semantics<arbitrary>], iteration_bounds = array<i64: 5>, scalar_prefetch = 0 : i64, scratch_operands = 0 : i64, tpu.core_type = #tpu.core_type<tc>, window_params = [{transform_indices = @transform_0, window_bounds = array<i64: 2000, 128>}, {pipeline_mode = #tpu.pipeline_mode<synchronous>, transform_indices = @transform_1, window_bounds = array<i64: 128, 128>}, {transform_indices = @transform_2, window_bounds = array<i64: 2000, 128>}]} {
    %get3A = arith.constant 0 : index
    %get3A_0 = arith.constant 0 : index
    %get3A_1 = vector.load %arg1[%get3A, %get3A_0] : memref<2000x128xf32, #tpu.memory_space<vmem>>, vector<2000x128xf32>
    %get3A_2 = arith.constant 0 : index
    %get3A_3 = arith.constant 0 : index
    %get3A_4 = vector.load %arg2[%get3A_2, %get3A_3] : memref<128x128xf32, #tpu.memory_space<vmem>>, vector<128x128xf32>
    %dot_general3A = arith.constant dense<0.000000e+00> : vector<2000x128xf32>
    %dot_general3A_5 = tpu.matmul %get3A_1, %get3A_4, %dot_general3A {dimension_numbers = #tpu.dot_dimension_numbers<[1], [0], [0], [1], [0, 0, 1, 1], [], []>, transpose_lhs_hint = false} : vector<2000x128xf32>, vector<128x128xf32>, vector<2000x128xf32> -> vector<2000x128xf32>
    %swap3A = arith.constant 0 : index
    %swap3A_6 = arith.constant 0 : index
    %swap3A_7 = vector.load %arg3[%swap3A, %swap3A_6] : memref<2000x128xf32, #tpu.memory_space<vmem>>, vector<2000x128xf32>
    tpu.vector_store %arg3[%swap3A, %swap3A_6], %dot_general3A_5 {strides = array<i32>} : memref<2000x128xf32, #tpu.memory_space<vmem>>, vector<2000x128xf32>,
    return
  }
  func.func @transform_0(%arg0: i32) -> (i32, i32) {
    %c0_i32 = arith.constant 0 : i32
    %c0_i32_0 = arith.constant 0 : i32
    return %arg0, %c0_i32 : i32, i32
  }
  func.func @transform_1(%arg0: i32) -> (i32, i32) {
    %c0_i32 = arith.constant 0 : i32
    %c0_i32_0 = arith.constant 0 : i32
    %c0_i32_1 = arith.constant 0 : i32
    return %c0_i32, %c0_i32_0 : i32, i32
  }
  func.func @transform_2(%arg0: i32) -> (i32, i32) {
    %c0_i32 = arith.constant 0 : i32
    %c0_i32_0 = arith.constant 0 : i32
    return %arg0, %c0_i32 : i32, i32
  }
}

module attributes {stable_mosaic.version = 14 : i64} {
  func.func @_tc_scale_body(%arg0: i32, %arg1: memref<2x2000x128xf32, #tpu.memory_space<vmem>>, %arg2: memref<2000x128xf32, #tpu.memory_space<vmem>>, %arg3: memref<2000x128xf32, #tpu.memory_space<vmem>>, %arg4: memref<2000x1xf32, #tpu.memory_space<vmem>>) attributes {dimension_semantics = [#tpu.dimension_semantics<arbitrary>], iteration_bounds = array<i64: 5>, scalar_prefetch = 0 : i64, scratch_operands = 0 : i64, tpu.core_type = #tpu.core_type<tc>, window_params = [{transform_indices = @transform_0, window_bounds = array<i64: 2, 2000, 128>}, {transform_indices = @transform_1, window_bounds = array<i64: 2000, 128>}, {transform_indices = @transform_2, window_bounds = array<i64: 2000, 128>}, {transform_indices = @transform_3, window_bounds = array<i64: 2000, 1>}]} {
    %get3A = arith.constant 0 : index
    %get3A_0 = arith.constant 0 : index
    %get3A_1 = arith.constant 0 : index
    %get3A_2 = vector.load %arg1[%get3A, %get3A_0, %get3A_1] : memref<2x2000x128xf32, #tpu.memory_space<vmem>>, vector<1x2000x1xf32>
    %get3A_3 = vector.shape_cast %get3A_2 : vector<1x2000x1xf32> to vector<2000x1xf32>
    %get3A_4 = arith.constant 1 : index
    %get3A_5 = arith.constant 0 : index
    %get3A_6 = arith.constant 0 : index
    %get3A_7 = vector.load %arg1[%get3A_4, %get3A_5, %get3A_6] : memref<2x2000x128xf32, #tpu.memory_space<vmem>>, vector<1x2000x1xf32>
    %get3A_8 = vector.shape_cast %get3A_7 : vector<1x2000x1xf32> to vector<2000x1xf32>
    %add3A = arith.addf %get3A_3, %get3A_8 : vector<2000x1xf32>
    %add3A_9 = arith.constant 1.000000e+00 : f32
    %add3A_10 = vector.broadcast %add3A_9 : f32 to vector<2000x1xf32>
    %add3A_11 = arith.addf %add3A, %add3A_10 : vector<2000x1xf32>
    %rsqrt3A = math.rsqrt %add3A_11 : vector<2000x1xf32>
    %swap3A = arith.constant 0 : index
    %swap3A_12 = arith.constant 0 : index
    %swap3A_13 = vector.load %arg4[%swap3A, %swap3A_12] : memref<2000x1xf32, #tpu.memory_space<vmem>>, vector<2000x1xf32>
    tpu.vector_store %arg4[%swap3A, %swap3A_12], %rsqrt3A {strides = array<i32>} : memref<2000x1xf32, #tpu.memory_space<vmem>>, vector<2000x1xf32>,
    %get3A_14 = arith.constant 0 : index
    %get3A_15 = arith.constant 0 : index
    %get3A_16 = vector.load %arg2[%get3A_14, %get3A_15] : memref<2000x128xf32, #tpu.memory_space<vmem>>, vector<2000x128xf32>
    %mul3A = vector.broadcast %rsqrt3A : vector<2000x1xf32> to vector<2000x128xf32>
    %mul3A_17 = arith.mulf %get3A_16, %mul3A : vector<2000x128xf32>
    %swap3A_18 = arith.constant 0 : index
    %swap3A_19 = arith.constant 0 : index
    %swap3A_20 = vector.load %arg3[%swap3A_18, %swap3A_19] : memref<2000x128xf32, #tpu.memory_space<vmem>>, vector<2000x128xf32>
    tpu.vector_store %arg3[%swap3A_18, %swap3A_19], %mul3A_17 {strides = array<i32>} : memref<2000x128xf32, #tpu.memory_space<vmem>>, vector<2000x128xf32>,
    return
  }
  func.func @transform_0(%arg0: i32) -> (i32, i32, i32) {
    %c0_i32 = arith.constant 0 : i32
    %c0_i32_0 = arith.constant 0 : i32
    %c0_i32_1 = arith.constant 0 : i32
    return %c0_i32, %arg0, %c0_i32_0 : i32, i32, i32
  }
  func.func @transform_1(%arg0: i32) -> (i32, i32) {
    %c0_i32 = arith.constant 0 : i32
    %c0_i32_0 = arith.constant 0 : i32
    return %arg0, %c0_i32 : i32, i32
  }
  func.func @transform_2(%arg0: i32) -> (i32, i32) {
    %c0_i32 = arith.constant 0 : i32
    %c0_i32_0 = arith.constant 0 : i32
    return %arg0, %c0_i32 : i32, i32
  }
  func.func @transform_3(%arg0: i32) -> (i32, i32) {
    %c0_i32 = arith.constant 0 : i32
    %c0_i32_0 = arith.constant 0 : i32
    return %arg0, %c0_i32 : i32, i32
  }
}

module attributes {stable_mosaic.version = 14 : i64} {
  func.func @_tc_mid_body(%arg0: i32, %arg1: memref<2000x128xf32, #tpu.memory_space<vmem>>, %arg2: memref<1x2000x128xf32, #tpu.memory_space<vmem>>, %arg3: memref<1x2000x128xf32, #tpu.memory_space<vmem>>, %arg4: memref<2000x1xf32, #tpu.memory_space<vmem>>, %arg5: memref<1x128xf32, #tpu.memory_space<vmem>>, %arg6: memref<128x128xf32, #tpu.memory_space<vmem>>, %arg7: memref<2000x128xf32, #tpu.memory_space<vmem>>) attributes {dimension_semantics = [#tpu.dimension_semantics<arbitrary>], iteration_bounds = array<i64: 5>, scalar_prefetch = 0 : i64, scratch_operands = 0 : i64, tpu.core_type = #tpu.core_type<tc>, window_params = [{transform_indices = @transform_0, window_bounds = array<i64: 2000, 128>}, {transform_indices = @transform_1, window_bounds = array<i64: 1, 2000, 128>}, {transform_indices = @transform_2, window_bounds = array<i64: 1, 2000, 128>}, {transform_indices = @transform_3, window_bounds = array<i64: 2000, 1>}, {pipeline_mode = #tpu.pipeline_mode<synchronous>, transform_indices = @transform_4, window_bounds = array<i64: 1, 128>}, {pipeline_mode = #tpu.pipeline_mode<synchronous>, transform_indices = @transform_5, window_bounds = array<i64: 128, 128>}, {transform_indices = @transform_6, window_bounds = array<i64: 2000, 128>}]} {
    %get3A = arith.constant 0 : index
    %get3A_0 = arith.constant 0 : index
    %get3A_1 = vector.load %arg4[%get3A, %get3A_0] : memref<2000x1xf32, #tpu.memory_space<vmem>>, vector<2000x1xf32>
    %get3A_2 = arith.constant 0 : index
    %get3A_3 = arith.constant 0 : index
    %get3A_4 = vector.load %arg1[%get3A_2, %get3A_3] : memref<2000x128xf32, #tpu.memory_space<vmem>>, vector<2000x128xf32>
    %get3A_5 = arith.constant 0 : index
    %get3A_6 = arith.constant 0 : index
    %get3A_7 = arith.constant 0 : index
    %get3A_8 = vector.load %arg2[%get3A_5, %get3A_6, %get3A_7] : memref<1x2000x128xf32, #tpu.memory_space<vmem>>, vector<1x2000x128xf32>
    %get3A_9 = vector.shape_cast %get3A_8 : vector<1x2000x128xf32> to vector<2000x128xf32>
    %add3A = arith.addf %get3A_4, %get3A_9 : vector<2000x128xf32>
    %get3A_10 = arith.constant 0 : index
    %get3A_11 = arith.constant 0 : index
    %get3A_12 = arith.constant 0 : index
    %get3A_13 = vector.load %arg3[%get3A_10, %get3A_11, %get3A_12] : memref<1x2000x128xf32, #tpu.memory_space<vmem>>, vector<1x2000x128xf32>
    %get3A_14 = vector.shape_cast %get3A_13 : vector<1x2000x128xf32> to vector<2000x128xf32>
    %add3A_15 = arith.addf %add3A, %get3A_14 : vector<2000x128xf32>
    %mul3A = vector.broadcast %get3A_1 : vector<2000x1xf32> to vector<2000x128xf32>
    %mul3A_16 = arith.mulf %mul3A, %add3A_15 : vector<2000x128xf32>
    %get3A_17 = arith.constant 0 : index
    %get3A_18 = arith.constant 0 : index
    %get3A_19 = vector.load %arg5[%get3A_17, %get3A_18] : memref<1x128xf32, #tpu.memory_space<vmem>>, vector<1x128xf32>
    %add3A_20 = vector.broadcast %get3A_19 : vector<1x128xf32> to vector<2000x128xf32>
    %add3A_21 = arith.addf %mul3A_16, %add3A_20 : vector<2000x128xf32>
    %max3A = arith.constant 0.000000e+00 : f32
    %max3A_22 = vector.broadcast %max3A : f32 to vector<2000x128xf32>
    %max3A_23 = arith.maximumf %add3A_21, %max3A_22 : vector<2000x128xf32>
    %get3A_24 = arith.constant 0 : index
    %get3A_25 = arith.constant 0 : index
    %get3A_26 = vector.load %arg6[%get3A_24, %get3A_25] : memref<128x128xf32, #tpu.memory_space<vmem>>, vector<128x128xf32>
    %dot_general3A = arith.constant dense<0.000000e+00> : vector<2000x128xf32>
    %dot_general3A_27 = tpu.matmul %max3A_23, %get3A_26, %dot_general3A {dimension_numbers = #tpu.dot_dimension_numbers<[1], [0], [0], [1], [0, 0, 1, 1], [], []>, transpose_lhs_hint = false} : vector<2000x128xf32>, vector<128x128xf32>, vector<2000x128xf32> -> vector<2000x128xf32>
    %mul3A_28 = vector.broadcast %get3A_1 : vector<2000x1xf32> to vector<2000x128xf32>
    %mul3A_29 = arith.mulf %dot_general3A_27, %mul3A_28 : vector<2000x128xf32>
    %swap3A = arith.constant 0 : index
    %swap3A_30 = arith.constant 0 : index
    %swap3A_31 = vector.load %arg7[%swap3A, %swap3A_30] : memref<2000x128xf32, #tpu.memory_space<vmem>>, vector<2000x128xf32>
    tpu.vector_store %arg7[%swap3A, %swap3A_30], %mul3A_29 {strides = array<i32>} : memref<2000x128xf32, #tpu.memory_space<vmem>>, vector<2000x128xf32>,
    return
  }
  func.func @transform_0(%arg0: i32) -> (i32, i32) {
    %c0_i32 = arith.constant 0 : i32
    %c0_i32_0 = arith.constant 0 : i32
    return %arg0, %c0_i32 : i32, i32
  }
  func.func @transform_1(%arg0: i32) -> (i32, i32, i32) {
    %c0_i32 = arith.constant 0 : i32
    %c0_i32_0 = arith.constant 0 : i32
    %c0_i32_1 = arith.constant 0 : i32
    return %c0_i32, %arg0, %c0_i32_0 : i32, i32, i32
  }
  func.func @transform_2(%arg0: i32) -> (i32, i32, i32) {
    %c1_i32 = arith.constant 1 : i32
    %c0_i32 = arith.constant 0 : i32
    %c0_i32_0 = arith.constant 0 : i32
    return %c1_i32, %arg0, %c0_i32 : i32, i32, i32
  }
  func.func @transform_3(%arg0: i32) -> (i32, i32) {
    %c0_i32 = arith.constant 0 : i32
    %c0_i32_0 = arith.constant 0 : i32
    return %arg0, %c0_i32 : i32, i32
  }
  func.func @transform_4(%arg0: i32) -> (i32, i32) {
    %c0_i32 = arith.constant 0 : i32
    %c0_i32_0 = arith.constant 0 : i32
    %c0_i32_1 = arith.constant 0 : i32
    return %c0_i32, %c0_i32_0 : i32, i32
  }
  func.func @transform_5(%arg0: i32) -> (i32, i32) {
    %c0_i32 = arith.constant 0 : i32
    %c0_i32_0 = arith.constant 0 : i32
    %c0_i32_1 = arith.constant 0 : i32
    return %c0_i32, %c0_i32_0 : i32, i32
  }
  func.func @transform_6(%arg0: i32) -> (i32, i32) {
    %c0_i32 = arith.constant 0 : i32
    %c0_i32_0 = arith.constant 0 : i32
    return %arg0, %c0_i32 : i32, i32
  }
}

module attributes {stable_mosaic.version = 14 : i64} {
  func.func @_tc_final_body(%arg0: i32, %arg1: memref<2000x128xf32, #tpu.memory_space<vmem>>, %arg2: memref<1x2000x128xf32, #tpu.memory_space<vmem>>, %arg3: memref<1x2000x128xf32, #tpu.memory_space<vmem>>, %arg4: memref<2000x1xf32, #tpu.memory_space<vmem>>, %arg5: memref<1x128xf32, #tpu.memory_space<vmem>>, %arg6: memref<2000x128xf32, #tpu.memory_space<vmem>>) attributes {dimension_semantics = [#tpu.dimension_semantics<arbitrary>], iteration_bounds = array<i64: 5>, scalar_prefetch = 0 : i64, scratch_operands = 0 : i64, tpu.core_type = #tpu.core_type<tc>, window_params = [{transform_indices = @transform_0, window_bounds = array<i64: 2000, 128>}, {transform_indices = @transform_1, window_bounds = array<i64: 1, 2000, 128>}, {transform_indices = @transform_2, window_bounds = array<i64: 1, 2000, 128>}, {transform_indices = @transform_3, window_bounds = array<i64: 2000, 1>}, {pipeline_mode = #tpu.pipeline_mode<synchronous>, transform_indices = @transform_4, window_bounds = array<i64: 1, 128>}, {transform_indices = @transform_5, window_bounds = array<i64: 2000, 128>}]} {
    %get3A = arith.constant 0 : index
    %get3A_0 = arith.constant 0 : index
    %get3A_1 = vector.load %arg4[%get3A, %get3A_0] : memref<2000x1xf32, #tpu.memory_space<vmem>>, vector<2000x1xf32>
    %get3A_2 = arith.constant 0 : index
    %get3A_3 = arith.constant 0 : index
    %get3A_4 = vector.load %arg1[%get3A_2, %get3A_3] : memref<2000x128xf32, #tpu.memory_space<vmem>>, vector<2000x128xf32>
    %get3A_5 = arith.constant 0 : index
    %get3A_6 = arith.constant 0 : index
    %get3A_7 = arith.constant 0 : index
    %get3A_8 = vector.load %arg2[%get3A_5, %get3A_6, %get3A_7] : memref<1x2000x128xf32, #tpu.memory_space<vmem>>, vector<1x2000x128xf32>
    %get3A_9 = vector.shape_cast %get3A_8 : vector<1x2000x128xf32> to vector<2000x128xf32>
    %add3A = arith.addf %get3A_4, %get3A_9 : vector<2000x128xf32>
    %get3A_10 = arith.constant 0 : index
    %get3A_11 = arith.constant 0 : index
    %get3A_12 = arith.constant 0 : index
    %get3A_13 = vector.load %arg3[%get3A_10, %get3A_11, %get3A_12] : memref<1x2000x128xf32, #tpu.memory_space<vmem>>, vector<1x2000x128xf32>
    %get3A_14 = vector.shape_cast %get3A_13 : vector<1x2000x128xf32> to vector<2000x128xf32>
    %add3A_15 = arith.addf %add3A, %get3A_14 : vector<2000x128xf32>
    %mul3A = vector.broadcast %get3A_1 : vector<2000x1xf32> to vector<2000x128xf32>
    %mul3A_16 = arith.mulf %mul3A, %add3A_15 : vector<2000x128xf32>
    %get3A_17 = arith.constant 0 : index
    %get3A_18 = arith.constant 0 : index
    %get3A_19 = vector.load %arg5[%get3A_17, %get3A_18] : memref<1x128xf32, #tpu.memory_space<vmem>>, vector<1x128xf32>
    %add3A_20 = vector.broadcast %get3A_19 : vector<1x128xf32> to vector<2000x128xf32>
    %add3A_21 = arith.addf %mul3A_16, %add3A_20 : vector<2000x128xf32>
    %swap3A = arith.constant 0 : index
    %swap3A_22 = arith.constant 0 : index
    %swap3A_23 = vector.load %arg6[%swap3A, %swap3A_22] : memref<2000x128xf32, #tpu.memory_space<vmem>>, vector<2000x128xf32>
    tpu.vector_store %arg6[%swap3A, %swap3A_22], %add3A_21 {strides = array<i32>} : memref<2000x128xf32, #tpu.memory_space<vmem>>, vector<2000x128xf32>,
    return
  }
  func.func @transform_0(%arg0: i32) -> (i32, i32) {
    %c0_i32 = arith.constant 0 : i32
    %c0_i32_0 = arith.constant 0 : i32
    return %arg0, %c0_i32 : i32, i32
  }
  func.func @transform_1(%arg0: i32) -> (i32, i32, i32) {
    %c0_i32 = arith.constant 0 : i32
    %c0_i32_0 = arith.constant 0 : i32
    %c0_i32_1 = arith.constant 0 : i32
    return %c0_i32, %arg0, %c0_i32_0 : i32, i32, i32
  }
  func.func @transform_2(%arg0: i32) -> (i32, i32, i32) {
    %c1_i32 = arith.constant 1 : i32
    %c0_i32 = arith.constant 0 : i32
    %c0_i32_0 = arith.constant 0 : i32
    return %c1_i32, %arg0, %c0_i32 : i32, i32, i32
  }
  func.func @transform_3(%arg0: i32) -> (i32, i32) {
    %c0_i32 = arith.constant 0 : i32
    %c0_i32_0 = arith.constant 0 : i32
    return %arg0, %c0_i32 : i32, i32
  }
  func.func @transform_4(%arg0: i32) -> (i32, i32) {
    %c0_i32 = arith.constant 0 : i32
    %c0_i32_0 = arith.constant 0 : i32
    %c0_i32_1 = arith.constant 0 : i32
    return %c0_i32, %c0_i32_0 : i32, i32
  }
  func.func @transform_5(%arg0: i32) -> (i32, i32) {
    %c0_i32 = arith.constant 0 : i32
    %c0_i32_0 = arith.constant 0 : i32
    return %arg0, %c0_i32 : i32, i32
  }
}

</mosaic_0001>

<sc_bundles>
// kernel: kernel.11.cloned.1.call-start
scs
__scs_entry_jumppad:
0x0: {  	(pc) =	sbr.rel $0x88, $3  }
0x1: {  	(tag) =	ssettag $0x0;
	lr =	simm.s32 $0x1  }
0x2: {  	[smem:$0x3F99] =	sst lr;
	_ =	strace $0xD0000000  }
0x3: {  	_ = 	snop  }
0x4: {  	_ = 	snop  }
0x5: {  	_ = 	snop  }
0x6: {  	_ = 	snop  }
0x7: {  	_ = 	snop  }
__scs_overlays_trampoline_lowered:
0x8: {  	[smem:$0x3FA8] =	sst s0  }
0x9: {  	[smem:$0x3FA9] =	sst s1  }
0xa: {  	[smem:$0x3FAA] =	sst s2  }
0xb: {  	[smem:$0x3FAB] =	sst s3  }
0xc: {  	[smem:$0x3FAC] =	sst s4  }
0xd: {  	[smem:$0x3FAD] =	sst s5  }
0xe: {  	[smem:$0x3FAE] =	sst s6  }
0xf: {  	[smem:$0x3FAF] =	sst s7  }
0x10: {  	[smem:$0x3FB0] =	sst s8  }
0x11: {  	[smem:$0x3FB1] =	sst s9;
	s0 =	simm.s32 @!p0 $0x0  }
0x12: {  	s1 =	sld [smem:$0x3F97];
	s0 =	simm.s32 @p0 $0x1  }
0x13: {  	[smem:$0x3FB2] =	sst s0;
	s0 =	simm.s32 @!p1 $0x0  }
0x14: {  	s2 =	sld [smem:$0x3F96];
	s0 =	simm.s32 @p1 $0x1  }
0x15: {  	[smem:$0x3FB3] =	sst s0;
	s0 =	simm.s32 @!p2 $0x0  }
0x16: {  	s3 =	sld [smem:$0x3FDB];
	s0 =	simm.s32 @p2 $0x1  }
0x17: {  	s4 =	simm.s32 $0x1BF5;
	[smem:$0x3FB5] =	sst s0  }
0x18: {  	s0 =	sld [smem:$0x3F98];
	_ =	swait.ge [sflag:s4], $0x0  }
0x19: {  	s7 =	sld [smem:$0x3F99]  }
0x1a: {  	s8 =	sadd.s32 $0xFFFFE003, lr  }
0x1b: {  	s9 =	sadd.s32 $0xFFFFFEF7, lr;
	s5 =	simm.s32 $0xFFFFFFFF;
	p2 =	slt.u32 s8, $0xFFFFF086  }
0x1c: {  	p1 =	slt.u32 s9, $0xF7A;
	s5 =	simm.s32 @!p2 $0x0  }
0x1d: {  	s5 =	simm.s32 @p1 $0x1;
	p0 =	seq.s32 s7, s2  }
0x1e: {  	s7 =	smul.u32 @!p0 $0xF7A, s2;
	p2 =	seq.s32 @!p0 s5, $0x0  }
0x1f: {  	s9 =	smul.u32 $0xF7A, s1;
	s8 =	simm.s32 @!p0 $0x1BF5;
	p2 =	por !p2, p0  }
0x20: {  	[sflag:s8] =	ssyncset.s32 @!p0 $0xFFFFF086;
	s6 =	sadd.s32 @!p0 s3, s7;
	s7 =	simm.s32 @!p0 $0x108  }
0x21: {  	s3 =	sadd.s32 s3, s9;
	s6 =	sadd.s32 @!p0 $0x88, s6;
	s7 =	simm.s32 @p2 $0x1082  }
0x22: {  	[simem:s7], [sflag:s8] =	dma.local @!p0 [hbm:s6], $0xF7A  }
0x23: {  	s9 =	sor.u32 $0xD0000000, s2;
	s6 =	simm.s32 $0x108;
	_ =	swait.ge @!p0 [sflag:s8], $0x0  }
0x24: {  	s3 =	sadd.s32 $0x88, s3;
	s6 =	simm.s32 @!p1 $0x1082;
	[sflag:s4] =	ssyncset.s32 $0xFFFFF086  }
0x25: {  	[simem:s6], [sflag:s4] =	dma.local [hbm:s3], $0xF7A  }
0x26: {  	[smem:$0x3F99] =	sst s1;
	(tag) =	ssettag s2;
	_ =	strace s9  }
0x27: {  	s1 =	sld [smem:$0x3FA9]  }
0x28: {  	s2 =	sld [smem:$0x3FAA]  }
0x29: {  	s4 =	sld [smem:$0x3FAC]  }
0x2a: {  	p0 =	seq.s32 s5, $0x0;
	s5 =	sld [smem:$0x3FAD]  }
0x2b: {  	s6 =	sld [smem:$0x3FAE]  }
0x2c: {  	s7 =	sld [smem:$0x3FAF]  }
0x2d: {  	s3 =	simm.s32 $0x108;
	s8 =	sld [smem:$0x3FB0]  }
0x2e: {  	s3 =	simm.s32 @!p0 $0x1082;
	s9 =	sld [smem:$0x3FB1]  }
0x2f: {  	lr =	sadd.s32 s0, s3;
	s0 =	sld [smem:$0x3FA8]  }
0x30: {  	s3 =	sld [smem:$0x3FAB]  }
0x31: {  	[smem:$0x3FB4] =	sst s10  }
0x32: {  	s10 =	sld [smem:$0x3FB2];
	_ =	sdelay $0x3  }
0x33: {  	p0 =	seq.s32 s10, $0x1;
	s10 =	sld [smem:$0x3FB4];
	_ =	sdelay $0x3  }
0x34: {  	[smem:$0x3FB4] =	sst s10  }
0x35: {  	s10 =	sld [smem:$0x3FB3];
	_ =	sdelay $0x3  }
0x36: {  	p1 =	seq.s32 s10, $0x1;
	s10 =	sld [smem:$0x3FB4];
	_ =	sdelay $0x3  }
0x37: {  	[smem:$0x3FB4] =	sst s10  }
0x38: {  	s10 =	sld [smem:$0x3FB5]  }
0x39: {  	_ = 	snop;
	(pc) =	sbr.ind lr, $3  }
0x3a: {  	_ = 	snop  }
0x3b: {  	_ = 	snop  }
0x3c: {  	p2 =	seq.s32 s10, $0x1;
	s10 =	sld [smem:$0x3FB4]  }
0x3d: {  	_ =	shalt  }
0x3e: {  	_ =	shalt  }
0x3f: {  	_ =	shalt  }
0x40: {  	_ =	shalt  }
0x41: {  	_ =	shalt  }
0x42: {  	_ =	shalt  }
0x43: {  	_ =	shalt  }
0x44: {  	_ =	shalt  }
0x45: {  	_ =	shalt  }
0x46: {  	_ =	shalt  }
0x47: {  	_ =	shalt  }
0x48: {  	_ =	shalt  }
0x49: {  	_ =	shalt  }
0x4a: {  	_ =	shalt  }
0x4b: {  	_ =	shalt  }
0x4c: {  	_ =	shalt  }
0x4d: {  	_ =	shalt  }
0x4e: {  	_ =	shalt  }
0x4f: {  	_ =	shalt  }
0x50: {  	_ =	shalt  }
0x51: {  	_ =	shalt  }
0x52: {  	_ =	shalt  }
0x53: {  	_ =	shalt  }
0x54: {  	_ =	shalt  }
0x55: {  	_ =	shalt  }
0x56: {  	_ =	shalt  }
0x57: {  	_ =	shalt  }
0x58: {  	_ =	shalt  }
0x59: {  	_ =	shalt  }
0x5a: {  	_ =	shalt  }
0x5b: {  	_ =	shalt  }
0x5c: {  	_ =	shalt  }
0x5d: {  	_ =	shalt  }
0x5e: {  	_ =	shalt  }
0x5f: {  	_ =	shalt  }
0x60: {  	_ =	shalt  }
0x61: {  	_ =	shalt  }
0x62: {  	_ =	shalt  }
0x63: {  	_ =	shalt  }
0x64: {  	_ =	shalt  }
0x65: {  	_ =	shalt  }
0x66: {  	_ =	shalt  }
0x67: {  	_ =	shalt  }
0x68: {  	_ =	shalt  }
0x69: {  	_ =	shalt  }
0x6a: {  	_ =	shalt  }
0x6b: {  	_ =	shalt  }
0x6c: {  	_ =	shalt  }
0x6d: {  	_ =	shalt  }
0x6e: {  	_ =	shalt  }
0x6f: {  	_ =	shalt  }
0x70: {  	_ =	shalt  }
0x71: {  	_ =	shalt  }
0x72: {  	_ =	shalt  }
0x73: {  	_ =	shalt  }
0x74: {  	_ =	shalt  }
0x75: {  	_ =	shalt  }
0x76: {  	_ =	shalt  }
0x77: {  	_ =	shalt  }
0x78: {  	_ =	shalt  }
0x79: {  	_ =	shalt  }
0x7a: {  	_ =	shalt  }
0x7b: {  	_ =	shalt  }
0x7c: {  	_ =	shalt  }
0x7d: {  	_ =	shalt  }
0x7e: {  	_ =	shalt  }
0x7f: {  	_ =	shalt  }
0x80: {  	_ =	shalt  }
0x81: {  	_ =	shalt  }
0x82: {  	_ =	shalt  }
0x83: {  	_ =	shalt  }
0x84: {  	_ =	shalt  }
0x85: {  	_ =	shalt  }
0x86: {  	_ =	shalt  }
0x87: {  	_ =	shalt  }
.Lfunc_end0:
.L_simem_size_0:
called_computation_lowered:
.L_overlay_start_0:
0x88: {  	s2 =	sld [smem:$0x3FD9]  }
0x89: {  	s3 =	sld [smem:$0x3FFE];
	_ =	sdelay $0x1  }
0x8a: {  	s1 =	srdreg.scid  }
0x8b: {  	s0 =	sand.u32 $0x1, s1  }
0x8c: {  	s17 =	sshll.u32 s0, $0xA;
	s2 =	sadd.s32 s3, s2  }
0x8d: {  	s2 =	sadd.s32 s2, s17  }
0x8e: {  	[smem:$0x3FC0] =	sst s2  }
0x8f: {  	_ = 	snop  }
0x90: {  	s2 =	sld [smem:$0x3FD0];
	(tm) =	ssettm $0x1  }
0x91: {  	s18 =	sld [smem:$0x3FFB];
	_ =	sdelay $0x3  }
0x92: {  	_ =	strace s18  }
0x93: {  	s3 =	sld [smem:$0x3FFC];
	_ =	sdelay $0x3  }
0x94: {  	_ =	strace s3  }
0x95: {  	s3 =	sld [smem:$0x3FFD];
	_ =	sdelay $0x3  }
0x96: {  	_ =	strace s3  }
0x97: {  	_ =	strace $0x8FFFFFFF  }
0x98: {  	s19 =	sld [smem:$0x3FDB];
	_ =	sdelay $0x1  }
0x99: {  	s4 =	simm.s32 $_scs_section_size  }
0x9a: {  	s5 =	simm.s32 $_size__tile_overlayer_lowered;
	s6 =	simm.s32 $_tile_overlayer_lowered  }
0x9b: {  	s22 =	simm.s32 $0x1BFF;
	s21 =	sshll.u32 s6, $0x1;
	s3 =	sadd.s32 s4, s19  }
0x9c: {  	s7 =	simm.s32 $0x0;
	s20 =	sshll.u32 s5, $0x1;
	s5 =	sadd.s32 s21, s3  }
0x9d: {  	[timem:s7], [sflag:s22] =	dma.local [hbm:s5], s20  }
0x9e: {  	_ =	swait.ge [sflag:s22], s20  }
0x9f: {  	s4 =	ssub.s32 $0x0, s20;
	[sflag:s22] =	ssyncset.done $0x0  }
0xa0: {  	[sflag:s22] =	ssyncadd.s32 s4;
	_ =	sdelay $0x1  }
0xa1: {  	s23 =	simm.s32 $0x1B8B  }
0xa2: {  	_ =	swait.ge [sflag:s23], $0x1  }
0xa3: {  	[sflag:s23] =	ssyncset.done $0x0  }
0xa4: {  	s25 =	simm.s32 $0x1B8E;
	s24 =	sld [smem:$0x3FFE];
	[sflag:s23] =	ssyncadd.s32 $0xFFFFFFFF  }
0xa5: {  	s26 =	simm.s32 $execute0_lowered;
	[smem:$0x3FD2] =	sst s25  }
0xa6: {  	s5 =	sshll.u32 s26, $0x1;
	_ =	strace $0x80000046;
	[dreg:$0x1] =	wrdreg $0xFFFFFFFF  }
0xa7: {  	s28 =	simm.s32 $_size_execute0_lowered;
	s3 =	sadd.s32 s3, s5;
	[dreg:$0x0] =	wrdreg $0x0  }
0xa8: {  	s5 =	sshll.u32 s28, $0x1;
	[dreg:$0x2] =	wrdreg s3  }
0xa9: {  	[dreg:$0x3] =	wrdreg s5  }
0xaa: {  	[dreg:$0x4] =	wrdreg $0xC0  }
0xab: {  	_ =	task [dreg:s7], $0x5FFFF  }
0xac: {  	[dreg:$0x1] =	wrdreg $0xFFFFFFFF  }
0xad: {  	[dreg:$0x0] =	wrdreg $0x60  }
0xae: {  	[dreg:$0x2] =	wrdreg s24  }
0xaf: {  	[dreg:$0x3] =	wrdreg s2  }
0xb0: {  	[dreg:$0x4] =	wrdreg $0x68000  }
0xb1: {  	[dreg:$0x5] =	wrdreg $0x9  }
0xb2: {  	_ =	task.clear_ibuf [dreg:s7], $0x6FFFF;
	_ =	strace $0x90000046  }
0xb3: {  	s29 =	simm.s32 $0x9;
	_ =	strace $0x80000048  }
0xb4: {  	_ =	swait.ge [sflag:s29], $0x1  }
0xb5: {  	[sflag:s29] =	ssyncadd.s32 $0xFFFFFFFF  }
0xb6: {  	_ =	strace $0x90000048  }
0xb7: {  	_ =	sfence  }
0xb8: {  	s30 =	sld [smem:$0x0];
	_ =	sdelay $0x2  }
0xb9: {  	s31 =	sshll.u32 s1, $0xD;
	s1 =	sshrl.u32 s1, $0x2  }
0xba: {  	s3 =	sand.u32 $0x4000, s31;
	s1 =	sadd.s32 s1, s30  }
0xbb: {  	s0 =	sor.u32 s3, s0;
	s1 =	sshll.u32 s1, $0x11  }
0xbc: {  	s0 =	sor.u32 s1, s0  }
0xbd: {  	s0 =	sadd.s32 $0x8F2B, s0  }
0xbe: {  	[sflag:s0] =	ssyncadd.remote.s32 $0x1  }
0xbf: {  	_ =	sfence.sel $0xFFFF  }
0xc0: {  	[dreg:$0x0] =	wrdreg $0xFFFFFFFF;
	(pc) =	sbr.abs _section_cstart, $3  }
0xc1: {  	[dreg:$0x1] =	wrdreg $0xFFFFFFFF  }
0xc2: {  	_ =	task.clear_ibuf [dreg:s7], $0x2FFFF;
	_ =	strace $0x9FFFFFFF  }
0xc3: {  	(tm) =	ssettm $0x7FFFFFFF  }
tec
execute0_lowered:
.L_overlay_start_1:
0x0: {  	(tag) =	ssettag $0x1  }
0x1: {  	s6 =	rddreg [dreg:$0x0]  }
0x2: {  	s2 =	rddreg [dreg:$0x1]  }
0x3: {  	s0 =	srdreg.scid;
	s3 =	rddreg [dreg:$0x2];
	s4 =	simm.s32 $0x0  }
0x4: {  	s13 =	simm.s32 $0x80;
	s5 =	sand.u32 $0x1, s0;
	s0 =	stileid.u32  }
0x5: {  	s14 =	simm.s32 $0x0;
	[smem:$0x7FF] =	sst s4;
	s8 =	smul.u32 $0x13C00, s0  }
0x6: {  	s1 =	sshll.u32 s5, $0x4;
	s9 =	smul.u32 $0x13C000, s5;
	s5 =	ssub.s32 $0x2, s5  }
0x7: {  	s29 =	smul.u32 $0x4F000, s0;
	s31 =	sshll.u32 s0, $0x6;
	s1 =	sor.u32 s0, s1  }
0x8: {  	s11 =	sshrl.u32 s5, $0x1;
	s7 =	smul.u32 $0x500, s1;
	s1 =	rddreg [dreg:$0x3]  }
0x9: {  	_ =	strace $0x80000047;
	s10 =	sshrl.u32 s8, $0x3;
	s8 =	sadd.s32 s8, s9  }
0xa: {  	s11 =	ssub.s32 s5, s11;
	s30 =	sshrl.u32 s29, $0x2;
	s10 =	sadd.s32 s10, s6  }
0xb: {  	s8 =	sshrl.u32 s8, $0x3;
	s12 =	sadd.s32 s30, s3;
	s9 =	smax.u32 s11, $0x1  }
0xc: {  	s11 =	simm.s32 $0x1;
	s7 =	sadd.s32 s7, s6;
	s8 =	sadd.s32 s8, s6  }
0xd: {  	s5 =	sadd.s32 $0xD200, s10;
	s6 =	sor.u32 $0x1C01, s31;
	s10 =	sshrl.u32 s12, $0x3  }
0xe: {  	s12 =	simm.s32 $0x2800;
	s7 =	sadd.s32 $0x3200, s7;
	s8 =	sadd.s32 $0x34A00, s8  }
.LBB2_1:
0xf: {  	[spmem:s10], [sflag:s6] =	dma.local [hbm:s5], $0x2780  }
0x10: {  	_ =	swait.ge [sflag:s11], $0x2780  }
0x11: {  	[sflag:s11] =	ssyncset.done $0x0  }
0x12: {  	[sflag:s11] =	ssyncadd.s32 $0xFFFFD880  }
0x13: {  	[tilespmem:s4], [sflag:$0x1] =	stream.linear.gather [hbm4b:s7+s4], $0x2800, $0x38;
	[tilespmem:$0x1A400] =	vst v63  }
0x14: {  	_ =	swait.ge [sflag:s11], $0x2800  }
0x15: {  	[sflag:s11] =	ssyncset.done $0x0  }
0x16: {  	[sflag:s11] =	ssyncadd.s32 $0xFFFFD800  }
0x17: {  	[tilespmem:s12], [sflag:$0x1] =	stream.linear.gather [hbm4b:s2+s4], $0x4000, $0x38;
	[tilespmem:$0x1A400] =	vst v63  }
0x18: {  	_ =	swait.ge [sflag:s11], $0x4000  }
0x19: {  	[sflag:s11] =	ssyncset.done $0x0  }
0x1a: {  	[sflag:s11] =	ssyncadd.s32 $0xFFFFC000  }
0x1b: {  	s15 =	simm.s32 $0x0;
	[bflag:$0x0] =	sbarrier.arrive $0xFFFF  }
0x1c: {  	[spmem:s3] =	stream.indirect.scatter.add.f32 [tilespmem:s12], [sflag:$0x1], $0x80, s15, s13, $0xb8;
	[tilespmem:$0x1A400] =	vst v63  }
0x1d: {  	_ =	swait.ge [sflag:s11], $0x4000  }
0x1e: {  	s15 =	simm.s32 $0x200;
	[sflag:s11] =	ssyncset.done $0x0  }
.LBB2_2:
0x1f: {  	s16 =	sshra.s32 s15, $0x2;
	[sflag:s11] =	ssyncadd.s32 $0xFFFFC000;
	p0 =	sne.s32 s15, $0x9E00  }
0x20: {  	[spmem:s3] =	stream.indirect.scatter.add.f32 [tilespmem:s12], [sflag:$0x1], $0x80, s16, s13, $0xb8;
	[tilespmem:$0x1A400] =	vst v63  }
.Ltmp0:
0x21: {  	_ = 	snop;
	(pc) =	sbr.rel @p0 .LBB2_2-.Ltmp0, $4  }
0x22: {  	_ = 	snop  }
0x23: {  	s15 =	sadd.s32 $0x200, s15  }
0x24: {  	_ =	swait.ge [sflag:s11], $0x4000  }
0x25: {  	[sflag:s11] =	ssyncset.done $0x0  }
0x26: {  	s14 =	sadd.s32 $0x1, s14  }
0x27: {  	[sflag:s11] =	ssyncadd.s32 $0xFFFFC000;
	p0 =	sne.s32 s14, s9  }
.Ltmp1:
0x28: {  	[bflag:$0x0] =	sbarrier.arrive $0xFFFF;
	(pc) =	sbr.rel @p0 .LBB2_1-.Ltmp1, $4  }
0x29: {  	[hbm:s8], [sflag:s6] =	dma.local [spmem:s10], $0x2780  }
0x2a: {  	_ =	swait.ge [sflag:s11], $0x2780  }
0x2b: {  	[sflag:s11] =	ssyncset.done $0x0  }
0x2c: {  	[sflag:s11] =	ssyncadd.s32 $0xFFFFD880  }
0x2d: {  	_ =	sfence.sel $0x180000  }
0x2e: {  	[bflag:$0x0] =	sbarrier.arrive $0xFFFF  }
0x2f: {  	p0 =	sne.s32 s0, $0x0;
	_ =	strace $0x90000047  }
0x30: {  	s0 =	sadd.s32 @!p0 $0x100000, s1;
	[bflag:$0x2] =	sbarrier.arrive $0xFFFF  }
0x31: {  	[sflag:s0] =	ssyncadd.tile.s32 @!p0 $0x1;
	_ =	shalt  }
.Lfunc_end2:
_tile_overlayer_lowered:
.L_overlay_start_2:
0x32: {  	(tag) =	ssettag $0x2  }
0x33: {  	s0 =	rddreg [dreg:$0x0];
	s2 =	stileid.u32  }
0x34: {  	s1 =	rddreg [dreg:$0x1];
	p0 =	sne.s32 s2, $0x0  }
0x35: {  	s3 =	rddreg [dreg:$0x2];
	[bflag:$0x3] =	sbarrier.arrive $0xFFFF;
	s2 =	simm.s32 @!p0 $0x1C01  }
0x36: {  	[timem:s3], [sflag:s2] =	dma.local @!p0 [hbm:s0], s1  }
0x37: {  	s0 =	simm.s32 @!p0 $0x1  }
0x38: {  	_ =	swait.ge @!p0 [sflag:s0], s1  }
0x39: {  	s1 =	ssub.s32 @!p0 $0x0, s1;
	[sflag:s0] =	ssyncset.done @!p0 $0x0  }
0x3a: {  	[sflag:s0] =	ssyncadd.s32 @!p0 s1  }
0x3b: {  	[bflag:$0x3] =	sbarrier.arrive $0xFFFF  }
0x3c: {  	_ =	shalt  }

// kernel: kernel.14.cloned.1.call-start
scs
__scs_entry_jumppad:
0x0: {  	(pc) =	sbr.rel $0x88, $3  }
0x1: {  	(tag) =	ssettag $0x0;
	lr =	simm.s32 $0x1  }
0x2: {  	[smem:$0x3F99] =	sst lr;
	_ =	strace $0xD0000000  }
0x3: {  	_ = 	snop  }
0x4: {  	_ = 	snop  }
0x5: {  	_ = 	snop  }
0x6: {  	_ = 	snop  }
0x7: {  	_ = 	snop  }
__scs_overlays_trampoline_lowered:
0x8: {  	[smem:$0x3FA8] =	sst s0  }
0x9: {  	[smem:$0x3FA9] =	sst s1  }
0xa: {  	[smem:$0x3FAA] =	sst s2  }
0xb: {  	[smem:$0x3FAB] =	sst s3  }
0xc: {  	[smem:$0x3FAC] =	sst s4  }
0xd: {  	[smem:$0x3FAD] =	sst s5  }
0xe: {  	[smem:$0x3FAE] =	sst s6  }
0xf: {  	[smem:$0x3FAF] =	sst s7  }
0x10: {  	[smem:$0x3FB0] =	sst s8  }
0x11: {  	[smem:$0x3FB1] =	sst s9;
	s0 =	simm.s32 @!p0 $0x0  }
0x12: {  	s1 =	sld [smem:$0x3F97];
	s0 =	simm.s32 @p0 $0x1  }
0x13: {  	[smem:$0x3FB2] =	sst s0;
	s0 =	simm.s32 @!p1 $0x0  }
0x14: {  	s2 =	sld [smem:$0x3F96];
	s0 =	simm.s32 @p1 $0x1  }
0x15: {  	[smem:$0x3FB3] =	sst s0;
	s0 =	simm.s32 @!p2 $0x0  }
0x16: {  	s3 =	sld [smem:$0x3FDB];
	s0 =	simm.s32 @p2 $0x1  }
0x17: {  	s4 =	simm.s32 $0x1BF5;
	[smem:$0x3FB5] =	sst s0  }
0x18: {  	s0 =	sld [smem:$0x3F98];
	_ =	swait.ge [sflag:s4], $0x0  }
0x19: {  	s7 =	sld [smem:$0x3F99]  }
0x1a: {  	s8 =	sadd.s32 $0xFFFFE003, lr  }
0x1b: {  	s9 =	sadd.s32 $0xFFFFFEF7, lr;
	s5 =	simm.s32 $0xFFFFFFFF;
	p2 =	slt.u32 s8, $0xFFFFF086  }
0x1c: {  	p1 =	slt.u32 s9, $0xF7A;
	s5 =	simm.s32 @!p2 $0x0  }
0x1d: {  	s5 =	simm.s32 @p1 $0x1;
	p0 =	seq.s32 s7, s2  }
0x1e: {  	s7 =	smul.u32 @!p0 $0xF7A, s2;
	p2 =	seq.s32 @!p0 s5, $0x0  }
0x1f: {  	s9 =	smul.u32 $0xF7A, s1;
	s8 =	simm.s32 @!p0 $0x1BF5;
	p2 =	por !p2, p0  }
0x20: {  	[sflag:s8] =	ssyncset.s32 @!p0 $0xFFFFF086;
	s6 =	sadd.s32 @!p0 s3, s7;
	s7 =	simm.s32 @!p0 $0x108  }
0x21: {  	s3 =	sadd.s32 s3, s9;
	s6 =	sadd.s32 @!p0 $0x88, s6;
	s7 =	simm.s32 @p2 $0x1082  }
0x22: {  	[simem:s7], [sflag:s8] =	dma.local @!p0 [hbm:s6], $0xF7A  }
0x23: {  	s9 =	sor.u32 $0xD0000000, s2;
	s6 =	simm.s32 $0x108;
	_ =	swait.ge @!p0 [sflag:s8], $0x0  }
0x24: {  	s3 =	sadd.s32 $0x88, s3;
	s6 =	simm.s32 @!p1 $0x1082;
	[sflag:s4] =	ssyncset.s32 $0xFFFFF086  }
0x25: {  	[simem:s6], [sflag:s4] =	dma.local [hbm:s3], $0xF7A  }
0x26: {  	[smem:$0x3F99] =	sst s1;
	(tag) =	ssettag s2;
	_ =	strace s9  }
0x27: {  	s1 =	sld [smem:$0x3FA9]  }
0x28: {  	s2 =	sld [smem:$0x3FAA]  }
0x29: {  	s4 =	sld [smem:$0x3FAC]  }
0x2a: {  	p0 =	seq.s32 s5, $0x0;
	s5 =	sld [smem:$0x3FAD]  }
0x2b: {  	s6 =	sld [smem:$0x3FAE]  }
0x2c: {  	s7 =	sld [smem:$0x3FAF]  }
0x2d: {  	s3 =	simm.s32 $0x108;
	s8 =	sld [smem:$0x3FB0]  }
0x2e: {  	s3 =	simm.s32 @!p0 $0x1082;
	s9 =	sld [smem:$0x3FB1]  }
0x2f: {  	lr =	sadd.s32 s0, s3;
	s0 =	sld [smem:$0x3FA8]  }
0x30: {  	s3 =	sld [smem:$0x3FAB]  }
0x31: {  	[smem:$0x3FB4] =	sst s10  }
0x32: {  	s10 =	sld [smem:$0x3FB2];
	_ =	sdelay $0x3  }
0x33: {  	p0 =	seq.s32 s10, $0x1;
	s10 =	sld [smem:$0x3FB4];
	_ =	sdelay $0x3  }
0x34: {  	[smem:$0x3FB4] =	sst s10  }
0x35: {  	s10 =	sld [smem:$0x3FB3];
	_ =	sdelay $0x3  }
0x36: {  	p1 =	seq.s32 s10, $0x1;
	s10 =	sld [smem:$0x3FB4];
	_ =	sdelay $0x3  }
0x37: {  	[smem:$0x3FB4] =	sst s10  }
0x38: {  	s10 =	sld [smem:$0x3FB5]  }
0x39: {  	_ = 	snop;
	(pc) =	sbr.ind lr, $3  }
0x3a: {  	_ = 	snop  }
0x3b: {  	_ = 	snop  }
0x3c: {  	p2 =	seq.s32 s10, $0x1;
	s10 =	sld [smem:$0x3FB4]  }
0x3d: {  	_ =	shalt  }
0x3e: {  	_ =	shalt  }
0x3f: {  	_ =	shalt  }
0x40: {  	_ =	shalt  }
0x41: {  	_ =	shalt  }
0x42: {  	_ =	shalt  }
0x43: {  	_ =	shalt  }
0x44: {  	_ =	shalt  }
0x45: {  	_ =	shalt  }
0x46: {  	_ =	shalt  }
0x47: {  	_ =	shalt  }
0x48: {  	_ =	shalt  }
0x49: {  	_ =	shalt  }
0x4a: {  	_ =	shalt  }
0x4b: {  	_ =	shalt  }
0x4c: {  	_ =	shalt  }
0x4d: {  	_ =	shalt  }
0x4e: {  	_ =	shalt  }
0x4f: {  	_ =	shalt  }
0x50: {  	_ =	shalt  }
0x51: {  	_ =	shalt  }
0x52: {  	_ =	shalt  }
0x53: {  	_ =	shalt  }
0x54: {  	_ =	shalt  }
0x55: {  	_ =	shalt  }
0x56: {  	_ =	shalt  }
0x57: {  	_ =	shalt  }
0x58: {  	_ =	shalt  }
0x59: {  	_ =	shalt  }
0x5a: {  	_ =	shalt  }
0x5b: {  	_ =	shalt  }
0x5c: {  	_ =	shalt  }
0x5d: {  	_ =	shalt  }
0x5e: {  	_ =	shalt  }
0x5f: {  	_ =	shalt  }
0x60: {  	_ =	shalt  }
0x61: {  	_ =	shalt  }
0x62: {  	_ =	shalt  }
0x63: {  	_ =	shalt  }
0x64: {  	_ =	shalt  }
0x65: {  	_ =	shalt  }
0x66: {  	_ =	shalt  }
0x67: {  	_ =	shalt  }
0x68: {  	_ =	shalt  }
0x69: {  	_ =	shalt  }
0x6a: {  	_ =	shalt  }
0x6b: {  	_ =	shalt  }
0x6c: {  	_ =	shalt  }
0x6d: {  	_ =	shalt  }
0x6e: {  	_ =	shalt  }
0x6f: {  	_ =	shalt  }
0x70: {  	_ =	shalt  }
0x71: {  	_ =	shalt  }
0x72: {  	_ =	shalt  }
0x73: {  	_ =	shalt  }
0x74: {  	_ =	shalt  }
0x75: {  	_ =	shalt  }
0x76: {  	_ =	shalt  }
0x77: {  	_ =	shalt  }
0x78: {  	_ =	shalt  }
0x79: {  	_ =	shalt  }
0x7a: {  	_ =	shalt  }
0x7b: {  	_ =	shalt  }
0x7c: {  	_ =	shalt  }
0x7d: {  	_ =	shalt  }
0x7e: {  	_ =	shalt  }
0x7f: {  	_ =	shalt  }
0x80: {  	_ =	shalt  }
0x81: {  	_ =	shalt  }
0x82: {  	_ =	shalt  }
0x83: {  	_ =	shalt  }
0x84: {  	_ =	shalt  }
0x85: {  	_ =	shalt  }
0x86: {  	_ =	shalt  }
0x87: {  	_ =	shalt  }
.Lfunc_end0:
.L_simem_size_0:
called_computation.1_lowered:
.L_overlay_start_0:
0x88: {  	s2 =	sld [smem:$0x3FD9]  }
0x89: {  	s3 =	sld [smem:$0x3FFE];
	_ =	sdelay $0x1  }
0x8a: {  	s1 =	srdreg.scid  }
0x8b: {  	s0 =	sand.u32 $0x1, s1  }
0x8c: {  	s17 =	sshll.u32 s0, $0xA;
	s2 =	sadd.s32 s3, s2  }
0x8d: {  	s2 =	sadd.s32 s2, s17  }
0x8e: {  	[smem:$0x3FC0] =	sst s2  }
0x8f: {  	_ = 	snop  }
0x90: {  	s2 =	sld [smem:$0x3FD0];
	(tm) =	ssettm $0x1  }
0x91: {  	s18 =	sld [smem:$0x3FFB];
	_ =	sdelay $0x3  }
0x92: {  	_ =	strace s18  }
0x93: {  	s3 =	sld [smem:$0x3FFC];
	_ =	sdelay $0x3  }
0x94: {  	_ =	strace s3  }
0x95: {  	s3 =	sld [smem:$0x3FFD];
	_ =	sdelay $0x3  }
0x96: {  	_ =	strace s3  }
0x97: {  	_ =	strace $0x8FFFFFFF  }
0x98: {  	s19 =	sld [smem:$0x3FDB];
	_ =	sdelay $0x1  }
0x99: {  	s4 =	simm.s32 $_scs_section_size  }
0x9a: {  	s5 =	simm.s32 $_size__tile_overlayer_lowered;
	s6 =	simm.s32 $_tile_overlayer_lowered  }
0x9b: {  	s22 =	simm.s32 $0x1BFF;
	s21 =	sshll.u32 s6, $0x1;
	s3 =	sadd.s32 s4, s19  }
0x9c: {  	s7 =	simm.s32 $0x0;
	s20 =	sshll.u32 s5, $0x1;
	s5 =	sadd.s32 s21, s3  }
0x9d: {  	[timem:s7], [sflag:s22] =	dma.local [hbm:s5], s20  }
0x9e: {  	_ =	swait.ge [sflag:s22], s20  }
0x9f: {  	s4 =	ssub.s32 $0x0, s20;
	[sflag:s22] =	ssyncset.done $0x0  }
0xa0: {  	[sflag:s22] =	ssyncadd.s32 s4;
	_ =	sdelay $0x1  }
0xa1: {  	s23 =	simm.s32 $0x1B8B  }
0xa2: {  	_ =	swait.ge [sflag:s23], $0x1  }
0xa3: {  	[sflag:s23] =	ssyncset.done $0x0  }
0xa4: {  	s25 =	simm.s32 $0x1B8E;
	s24 =	sld [smem:$0x3FFE];
	[sflag:s23] =	ssyncadd.s32 $0xFFFFFFFF  }
0xa5: {  	s26 =	simm.s32 $execute0_lowered;
	[smem:$0x3FD2] =	sst s25  }
0xa6: {  	s5 =	sshll.u32 s26, $0x1;
	_ =	strace $0x80000049;
	[dreg:$0x1] =	wrdreg $0xFFFFFFFF  }
0xa7: {  	s28 =	simm.s32 $_size_execute0_lowered;
	s3 =	sadd.s32 s3, s5;
	[dreg:$0x0] =	wrdreg $0x0  }
0xa8: {  	s5 =	sshll.u32 s28, $0x1;
	[dreg:$0x2] =	wrdreg s3  }
0xa9: {  	[dreg:$0x3] =	wrdreg s5  }
0xaa: {  	[dreg:$0x4] =	wrdreg $0xC0  }
0xab: {  	_ =	task [dreg:s7], $0x5FFFF  }
0xac: {  	[dreg:$0x1] =	wrdreg $0xFFFFFFFF  }
0xad: {  	[dreg:$0x0] =	wrdreg $0x60  }
0xae: {  	[dreg:$0x2] =	wrdreg s2  }
0xaf: {  	[dreg:$0x3] =	wrdreg s24  }
0xb0: {  	[dreg:$0x4] =	wrdreg $0xA8000  }
0xb1: {  	[dreg:$0x5] =	wrdreg $0x9  }
0xb2: {  	_ =	task.clear_ibuf [dreg:s7], $0x6FFFF;
	_ =	strace $0x90000049  }
0xb3: {  	s29 =	simm.s32 $0x9;
	_ =	strace $0x8000004B  }
0xb4: {  	_ =	swait.ge [sflag:s29], $0x1  }
0xb5: {  	[sflag:s29] =	ssyncadd.s32 $0xFFFFFFFF  }
0xb6: {  	_ =	strace $0x9000004B  }
0xb7: {  	_ =	sfence  }
0xb8: {  	s30 =	sld [smem:$0x0];
	_ =	sdelay $0x2  }
0xb9: {  	s31 =	sshll.u32 s1, $0xD;
	s1 =	sshrl.u32 s1, $0x2  }
0xba: {  	s3 =	sand.u32 $0x4000, s31;
	s1 =	sadd.s32 s1, s30  }
0xbb: {  	s0 =	sor.u32 s3, s0;
	s1 =	sshll.u32 s1, $0x11  }
0xbc: {  	s0 =	sor.u32 s1, s0  }
0xbd: {  	s0 =	sadd.s32 $0x8F2B, s0  }
0xbe: {  	[sflag:s0] =	ssyncadd.remote.s32 $0x1  }
0xbf: {  	_ =	sfence.sel $0xFFFF  }
0xc0: {  	[dreg:$0x0] =	wrdreg $0xFFFFFFFF;
	(pc) =	sbr.abs _section_cstart, $3  }
0xc1: {  	[dreg:$0x1] =	wrdreg $0xFFFFFFFF  }
0xc2: {  	_ =	task.clear_ibuf [dreg:s7], $0x2FFFF;
	_ =	strace $0x9FFFFFFF  }
0xc3: {  	(tm) =	ssettm $0x7FFFFFFF  }
tec
execute0_lowered:
.L_overlay_start_1:
0x0: {  	(tag) =	ssettag $0x1  }
0x1: {  	s1 =	rddreg [dreg:$0x0]  }
0x2: {  	s6 =	rddreg [dreg:$0x1]  }
0x3: {  	s2 =	rddreg [dreg:$0x2]  }
0x4: {  	s3 =	srdreg.scid;
	s0 =	rddreg [dreg:$0x3];
	s4 =	simm.s32 $0x0  }
0x5: {  	s17 =	simm.s32 $0x3;
	s18 =	simm.s32 $0x1400;
	s19 =	simm.s32 $0x80  }
0x6: {  	s20 =	simm.s32 $0x6800;
	s21 =	simm.s32 $0x1;
	s22 =	simm.s32 $0x2  }
0x7: {  	s23 =	simm.s32 $0x1380;
	s24 =	simm.s32 $0x2700;
	s5 =	sand.u32 $0x1, s3  }
0x8: {  	s25 =	simm.s32 $0x2780;
	s3 =	stileid.u32;
	s7 =	smul.u32 $0x13C000, s5  }
0x9: {  	[smem:$0x7FF] =	sst s4;
	s12 =	sadd.s32 $0x83A00, s6;
	s8 =	smul.u32 $0x13C00, s3  }
0xa: {  	s13 =	sadd.s32 $0x3200, s6;
	s29 =	smul.u32 $0x4F000, s3;
	s9 =	sshll.u32 s5, $0x4  }
0xb: {  	_ =	strace $0x8000004A;
	s10 =	ssub.s32 $0x2, s5;
	s9 =	sor.u32 s3, s9  }
0xc: {  	s31 =	sshrl.u32 s10, $0x1;
	s7 =	sadd.s32 s8, s7;
	s30 =	sshrl.u32 s29, $0x2  }
0xd: {  	s9 =	smul.u32 $0x2800, s9;
	s15 =	ssub.s32 s10, s31;
	s7 =	sshrl.u32 s7, $0x3  }
0xe: {  	s5 =	sadd.s32 s30, s2;
	s15 =	smax.u32 s15, $0x1;
	s14 =	sadd.s32 s7, s6  }
0xf: {  	s6 =	sadd.s32 $0x4000, s5;
	s7 =	sadd.s32 $0x8000, s5;
	s11 =	sshrl.u32 s9, $0x3  }
0x10: {  	s8 =	sadd.s32 $0xC000, s5;
	s9 =	sadd.s32 $0x10000, s5;
	s10 =	sadd.s32 s12, s11  }
0x11: {  	s16 =	sadd.s32 $0x280, s11;
	s11 =	sadd.s32 s13, s11;
	s14 =	sadd.s32 $0x34A00, s14  }
0x12: {  	v0 =	vimm.f32 $0.0e+00;
	s12 =	sadd.s32 s12, s16;
	s13 =	sadd.s32 s13, s16;
	s16 =	simm.s32 $0x2800  }
.LBB2_1:
0x13: {  	s26 =	simm.s32 $0x0;
	s28 =	simm.s32 $0x200  }
.LBB2_2:
0x14: {  	p0 =	sne.s32 s28, $0xFE00;
	[tilespmem:s26+$0x2870] =	vst v0  }
0x15: {  	[tilespmem:s26+$0x2800] =	vst v0  }
0x16: {  	[tilespmem:s26+$0x2810] =	vst v0  }
.Ltmp0:
0x17: {  	[tilespmem:s26+$0x2820] =	vst v0;
	(pc) =	sbr.rel @p0 .LBB2_2-.Ltmp0, $4  }
0x18: {  	[tilespmem:s26+$0x2830] =	vst v0  }
0x19: {  	[tilespmem:s26+$0x2840] =	vst v0  }
0x1a: {  	[tilespmem:s26+$0x2850] =	vst v0  }
0x1b: {  	[tilespmem:s26+$0x2860] =	vst v0;
	s26 =	sshra.s32 s28, $0x2;
	s28 =	sadd.s32 $0x200, s28  }
0x1c: {  	[tilespmem:s26+$0x2870] =	vst v0  }
0x1d: {  	[tilespmem:s26+$0x2800] =	vst v0  }
0x1e: {  	[tilespmem:s26+$0x2810] =	vst v0  }
0x1f: {  	[tilespmem:s26+$0x2820] =	vst v0  }
0x20: {  	[tilespmem:s26+$0x2830] =	vst v0  }
0x21: {  	[tilespmem:s26+$0x2840] =	vst v0  }
0x22: {  	[tilespmem:s26+$0x2850] =	vst v0  }
0x23: {  	[tilespmem:s26+$0x2860] =	vst v0  }
0x24: {  	[spmem:s5] =	stream.linear.scatter [tilespmem:s16], [sflag:$0x3], $0x4000, $0x38;
	[tilespmem:$0x1E400] =	vst v63  }
0x25: {  	_ =	swait.ge [sflag:s17], $0x4000  }
0x26: {  	[sflag:s17] =	ssyncset.done $0x0  }
0x27: {  	[sflag:s17] =	ssyncadd.s32 $0xFFFFC000  }
0x28: {  	[spmem:s6] =	stream.linear.scatter [tilespmem:s16], [sflag:$0x3], $0x4000, $0x38;
	[tilespmem:$0x1E400] =	vst v63  }
0x29: {  	_ =	swait.ge [sflag:s17], $0x4000  }
0x2a: {  	[sflag:s17] =	ssyncset.done $0x0  }
0x2b: {  	[sflag:s17] =	ssyncadd.s32 $0xFFFFC000  }
0x2c: {  	[spmem:s7] =	stream.linear.scatter [tilespmem:s16], [sflag:$0x3], $0x4000, $0x38;
	[tilespmem:$0x1E400] =	vst v63  }
0x2d: {  	_ =	swait.ge [sflag:s17], $0x4000  }
0x2e: {  	[sflag:s17] =	ssyncset.done $0x0  }
0x2f: {  	[sflag:s17] =	ssyncadd.s32 $0xFFFFC000  }
0x30: {  	[spmem:s8] =	stream.linear.scatter [tilespmem:s16], [sflag:$0x3], $0x4000, $0x38;
	[tilespmem:$0x1E400] =	vst v63  }
0x31: {  	_ =	swait.ge [sflag:s17], $0x4000  }
0x32: {  	[sflag:s17] =	ssyncset.done $0x0  }
0x33: {  	[sflag:s17] =	ssyncadd.s32 $0xFFFFC000  }
0x34: {  	[spmem:s9] =	stream.linear.scatter [tilespmem:s16], [sflag:$0x3], $0x3C00, $0x38;
	[tilespmem:$0x1E400] =	vst v63  }
0x35: {  	_ =	swait.ge [sflag:s17], $0x3C00  }
0x36: {  	[sflag:s17] =	ssyncset.done $0x0  }
0x37: {  	s30 =	simm.s32 $0x0;
	[sflag:s17] =	ssyncadd.s32 $0xFFFFC400  }
0x38: {  	[tilespmem:s30], [sflag:$0x3] =	stream.linear.gather [hbm4b:s10+s30], $0x1400, $0x38;
	[tilespmem:$0x1E400] =	vst v63  }
0x39: {  	_ =	swait.ge [sflag:s17], $0x1400  }
0x3a: {  	[sflag:s17] =	ssyncset.done $0x0  }
0x3b: {  	[sflag:s17] =	ssyncadd.s32 $0xFFFFEC00  }
0x3c: {  	[tilespmem:s18], [sflag:$0x3] =	stream.linear.gather [hbm4b:s11+s30], $0x1400, $0x38;
	[tilespmem:$0x1E400] =	vst v63  }
0x3d: {  	_ =	swait.ge [sflag:s17], $0x1400  }
0x3e: {  	[sflag:s17] =	ssyncset.done $0x0  }
0x3f: {  	[sflag:s17] =	ssyncadd.s32 $0xFFFFEC00  }
0x40: {  	[bflag:$0x0] =	sbarrier.arrive $0xFFFF  }
0x41: {  	[tilespmem:s16], [sflag:$0x1] =	stream.indirect.gather [hbm4b:s1+s19], $0x80, s30, s19, $0xb8;
	[tilespmem:$0x1E400] =	vst v63  }
0x42: {  	s31 =	simm.s32 $0x80  }
0x43: {  	[tilespmem:s20], [sflag:$0x2] =	stream.indirect.gather [hbm4b:s1+s19], $0x80, s31, s19, $0xb8;
	[tilespmem:$0x1E400] =	vst v63  }
0x44: {  	_ =	swait.ge [sflag:s21], $0x4000  }
0x45: {  	[sflag:s21] =	ssyncset.done $0x0  }
0x46: {  	s29 =	simm.s32 $0x1400;
	[sflag:s21] =	ssyncadd.s32 $0xFFFFC000  }
0x47: {  	[spmem:s2] =	stream.indirect.scatter.add.f32 [tilespmem:s16], [sflag:$0x3], $0x80, s29, s19, $0xb8;
	[tilespmem:$0x1E400] =	vst v63  }
0x48: {  	_ =	swait.ge [sflag:s17], $0x4000  }
0x49: {  	[sflag:s17] =	ssyncset.done $0x0  }
0x4a: {  	s30 =	simm.s32 $0x100;
	[sflag:s17] =	ssyncadd.s32 $0xFFFFC000  }
0x4b: {  	[tilespmem:s16], [sflag:$0x1] =	stream.indirect.gather [hbm4b:s1+s19], $0x80, s30, s19, $0xb8;
	[tilespmem:$0x1E400] =	vst v63  }
0x4c: {  	_ =	swait.ge [sflag:s22], $0x4000  }
0x4d: {  	[sflag:s22] =	ssyncset.done $0x0  }
0x4e: {  	s31 =	simm.s32 $0x1480;
	[sflag:s22] =	ssyncadd.s32 $0xFFFFC000  }
0x4f: {  	[spmem:s2] =	stream.indirect.scatter.add.f32 [tilespmem:s20], [sflag:$0x3], $0x80, s31, s19, $0xb8;
	[tilespmem:$0x1E400] =	vst v63  }
0x50: {  	_ =	swait.ge [sflag:s17], $0x4000  }
0x51: {  	s28 =	simm.s32 $0x800;
	s26 =	simm.s32 $0x100;
	[sflag:s17] =	ssyncset.done $0x0  }
.LBB2_4:
0x52: {  	s29 =	sadd.s32 $0x80, s26  }
0x53: {  	[sflag:s17] =	ssyncadd.s32 $0xFFFFC000;
	s30 =	smov.u32 s28;
	s31 =	sadd.s32 $0x400, s28  }
0x54: {  	[tilespmem:s20], [sflag:$0x2] =	stream.indirect.gather [hbm4b:s1+s19], $0x80, s29, s19, $0xb8;
	[tilespmem:$0x1E400] =	vst v63  }
0x55: {  	p0 =	sne.s32 s28, $0x4800;
	_ =	swait.ge [sflag:s21], $0x4000  }
0x56: {  	[sflag:s21] =	ssyncset.done $0x0  }
0x57: {  	s28 =	sadd.s32 $0x1400, s26;
	[sflag:s21] =	ssyncadd.s32 $0xFFFFC000  }
0x58: {  	[spmem:s2] =	stream.indirect.scatter.add.f32 [tilespmem:s16], [sflag:$0x3], $0x80, s28, s19, $0xb8;
	[tilespmem:$0x1E400] =	vst v63  }
0x59: {  	_ =	swait.ge [sflag:s17], $0x4000  }
0x5a: {  	[sflag:s17] =	ssyncset.done $0x0  }
0x5b: {  	s28 =	sadd.s32 $0x100, s26;
	[sflag:s17] =	ssyncadd.s32 $0xFFFFC000  }
0x5c: {  	[tilespmem:s16], [sflag:$0x1] =	stream.indirect.gather [hbm4b:s1+s19], $0x80, s28, s19, $0xb8;
	[tilespmem:$0x1E400] =	vst v63  }
0x5d: {  	_ =	swait.ge [sflag:s22], $0x4000  }
.Ltmp1:
0x5e: {  	[sflag:s22] =	ssyncset.done $0x0;
	(pc) =	sbr.rel @p0 .LBB2_4-.Ltmp1, $4  }
0x5f: {  	s26 =	sadd.s32 $0x1480, s26;
	[sflag:s22] =	ssyncadd.s32 $0xFFFFC000  }
0x60: {  	[spmem:s2] =	stream.indirect.scatter.add.f32 [tilespmem:s20], [sflag:$0x3], $0x80, s26, s19, $0xb8;
	[tilespmem:$0x1E400] =	vst v63  }
0x61: {  	_ =	swait.ge [sflag:s17], $0x4000  }
0x62: {  	s28 =	smov.u32 s31;
	s26 =	sshra.s32 s30, $0x2;
	[sflag:s17] =	ssyncset.done $0x0  }
0x63: {  	s28 =	sadd.s32 $0x80, s26;
	[sflag:s17] =	ssyncadd.s32 $0xFFFFC000  }
0x64: {  	[tilespmem:s20], [sflag:$0x2] =	stream.indirect.gather [hbm4b:s1+s19], $0x80, s28, s19, $0xb8;
	[tilespmem:$0x1E400] =	vst v63  }
0x65: {  	_ =	swait.ge [sflag:s21], $0x4000  }
0x66: {  	[sflag:s21] =	ssyncset.done $0x0  }
0x67: {  	s28 =	sadd.s32 $0x1400, s26;
	[sflag:s21] =	ssyncadd.s32 $0xFFFFC000  }
0x68: {  	[spmem:s2] =	stream.indirect.scatter.add.f32 [tilespmem:s16], [sflag:$0x3], $0x80, s28, s19, $0xb8;
	[tilespmem:$0x1E400] =	vst v63  }
0x69: {  	_ =	swait.ge [sflag:s17], $0x4000  }
0x6a: {  	[sflag:s17] =	ssyncset.done $0x0  }
0x6b: {  	s28 =	sadd.s32 $0x100, s26;
	[sflag:s17] =	ssyncadd.s32 $0xFFFFC000  }
0x6c: {  	[tilespmem:s16], [sflag:$0x1] =	stream.indirect.gather [hbm4b:s1+s19], $0x80, s28, s19, $0xb8;
	[tilespmem:$0x1E400] =	vst v63  }
0x6d: {  	_ =	swait.ge [sflag:s22], $0x4000  }
0x6e: {  	[sflag:s22] =	ssyncset.done $0x0  }
0x6f: {  	s29 =	sadd.s32 $0x1480, s26;
	[sflag:s22] =	ssyncadd.s32 $0xFFFFC000  }
0x70: {  	[spmem:s2] =	stream.indirect.scatter.add.f32 [tilespmem:s20], [sflag:$0x3], $0x80, s29, s19, $0xb8;
	[tilespmem:$0x1E400] =	vst v63  }
0x71: {  	_ =	swait.ge [sflag:s17], $0x4000  }
0x72: {  	[sflag:s17] =	ssyncset.done $0x0  }
0x73: {  	[sflag:s17] =	ssyncadd.s32 $0xFFFFC000  }
0x74: {  	[tilespmem:s20], [sflag:$0x2] =	stream.indirect.gather [hbm4b:s1+s19], $0x80, s23, s19, $0xb8;
	[tilespmem:$0x1E400] =	vst v63  }
0x75: {  	_ =	swait.ge [sflag:s21], $0x4000  }
0x76: {  	[sflag:s21] =	ssyncset.done $0x0  }
0x77: {  	[sflag:s21] =	ssyncadd.s32 $0xFFFFC000  }
0x78: {  	[spmem:s2] =	stream.indirect.scatter.add.f32 [tilespmem:s16], [sflag:$0x3], $0x80, s24, s19, $0xb8;
	[tilespmem:$0x1E400] =	vst v63  }
0x79: {  	_ =	swait.ge [sflag:s17], $0x4000  }
0x7a: {  	[sflag:s17] =	ssyncset.done $0x0  }
0x7b: {  	[sflag:s17] =	ssyncadd.s32 $0xFFFFC000  }
0x7c: {  	_ =	swait.ge [sflag:s22], $0x4000  }
0x7d: {  	[sflag:s22] =	ssyncset.done $0x0  }
0x7e: {  	[sflag:s22] =	ssyncadd.s32 $0xFFFFC000  }
0x7f: {  	[spmem:s2] =	stream.indirect.scatter.add.f32 [tilespmem:s20], [sflag:$0x3], $0x80, s25, s19, $0xb8;
	[tilespmem:$0x1E400] =	vst v63  }
0x80: {  	_ =	swait.ge [sflag:s17], $0x4000  }
0x81: {  	[sflag:s17] =	ssyncset.done $0x0  }
0x82: {  	s30 =	simm.s32 $0x0;
	[sflag:s17] =	ssyncadd.s32 $0xFFFFC000  }
0x83: {  	[tilespmem:s30], [sflag:$0x3] =	stream.linear.gather [hbm4b:s12+s30], $0x1400, $0x38;
	[tilespmem:$0x1E400] =	vst v63  }
0x84: {  	_ =	swait.ge [sflag:s17], $0x1400  }
0x85: {  	[sflag:s17] =	ssyncset.done $0x0  }
0x86: {  	[sflag:s17] =	ssyncadd.s32 $0xFFFFEC00  }
0x87: {  	[tilespmem:s18], [sflag:$0x3] =	stream.linear.gather [hbm4b:s13+s30], $0x1400, $0x38;
	[tilespmem:$0x1E400] =	vst v63  }
0x88: {  	_ =	swait.ge [sflag:s17], $0x1400  }
0x89: {  	[sflag:s17] =	ssyncset.done $0x0  }
0x8a: {  	[sflag:s17] =	ssyncadd.s32 $0xFFFFEC00  }
0x8b: {  	[tilespmem:s16], [sflag:$0x1] =	stream.indirect.gather [hbm4b:s1+s19], $0x80, s30, s19, $0xb8;
	[tilespmem:$0x1E400] =	vst v63  }
0x8c: {  	s31 =	simm.s32 $0x80  }
0x8d: {  	[tilespmem:s20], [sflag:$0x2] =	stream.indirect.gather [hbm4b:s1+s19], $0x80, s31, s19, $0xb8;
	[tilespmem:$0x1E400] =	vst v63  }
0x8e: {  	_ =	swait.ge [sflag:s21], $0x4000  }
0x8f: {  	[sflag:s21] =	ssyncset.done $0x0  }
0x90: {  	s29 =	simm.s32 $0x1400;
	[sflag:s21] =	ssyncadd.s32 $0xFFFFC000  }
0x91: {  	[spmem:s2] =	stream.indirect.scatter.add.f32 [tilespmem:s16], [sflag:$0x3], $0x80, s29, s19, $0xb8;
	[tilespmem:$0x1E400] =	vst v63  }
0x92: {  	_ =	swait.ge [sflag:s17], $0x4000  }
0x93: {  	[sflag:s17] =	ssyncset.done $0x0  }
0x94: {  	s30 =	simm.s32 $0x100;
	[sflag:s17] =	ssyncadd.s32 $0xFFFFC000  }
0x95: {  	[tilespmem:s16], [sflag:$0x1] =	stream.indirect.gather [hbm4b:s1+s19], $0x80, s30, s19, $0xb8;
	[tilespmem:$0x1E400] =	vst v63  }
0x96: {  	_ =	swait.ge [sflag:s22], $0x4000  }
0x97: {  	[sflag:s22] =	ssyncset.done $0x0  }
0x98: {  	s31 =	simm.s32 $0x1480;
	[sflag:s22] =	ssyncadd.s32 $0xFFFFC000  }
0x99: {  	[spmem:s2] =	stream.indirect.scatter.add.f32 [tilespmem:s20], [sflag:$0x3], $0x80, s31, s19, $0xb8;
	[tilespmem:$0x1E400] =	vst v63  }
0x9a: {  	_ =	swait.ge [sflag:s17], $0x4000  }
0x9b: {  	s26 =	simm.s32 $0x100;
	s28 =	simm.s32 $0x800;
	[sflag:s17] =	ssyncset.done $0x0  }
.LBB2_6:
0x9c: {  	s29 =	sadd.s32 $0x80, s26  }
0x9d: {  	[sflag:s17] =	ssyncadd.s32 $0xFFFFC000;
	s30 =	smov.u32 s28;
	s31 =	sadd.s32 $0x400, s28  }
0x9e: {  	[tilespmem:s20], [sflag:$0x2] =	stream.indirect.gather [hbm4b:s1+s19], $0x80, s29, s19, $0xb8;
	[tilespmem:$0x1E400] =	vst v63  }
0x9f: {  	p0 =	sne.s32 s28, $0x4800;
	_ =	swait.ge [sflag:s21], $0x4000  }
0xa0: {  	[sflag:s21] =	ssyncset.done $0x0  }
0xa1: {  	s28 =	sadd.s32 $0x1400, s26;
	[sflag:s21] =	ssyncadd.s32 $0xFFFFC000  }
0xa2: {  	[spmem:s2] =	stream.indirect.scatter.add.f32 [tilespmem:s16], [sflag:$0x3], $0x80, s28, s19, $0xb8;
	[tilespmem:$0x1E400] =	vst v63  }
0xa3: {  	_ =	swait.ge [sflag:s17], $0x4000  }
0xa4: {  	[sflag:s17] =	ssyncset.done $0x0  }
0xa5: {  	s28 =	sadd.s32 $0x100, s26;
	[sflag:s17] =	ssyncadd.s32 $0xFFFFC000  }
0xa6: {  	[tilespmem:s16], [sflag:$0x1] =	stream.indirect.gather [hbm4b:s1+s19], $0x80, s28, s19, $0xb8;
	[tilespmem:$0x1E400] =	vst v63  }
0xa7: {  	_ =	swait.ge [sflag:s22], $0x4000  }
.Ltmp2:
0xa8: {  	[sflag:s22] =	ssyncset.done $0x0;
	(pc) =	sbr.rel @p0 .LBB2_6-.Ltmp2, $4  }
0xa9: {  	s26 =	sadd.s32 $0x1480, s26;
	[sflag:s22] =	ssyncadd.s32 $0xFFFFC000  }
0xaa: {  	[spmem:s2] =	stream.indirect.scatter.add.f32 [tilespmem:s20], [sflag:$0x3], $0x80, s26, s19, $0xb8;
	[tilespmem:$0x1E400] =	vst v63  }
0xab: {  	_ =	swait.ge [sflag:s17], $0x4000  }
0xac: {  	s28 =	smov.u32 s31;
	s26 =	sshra.s32 s30, $0x2;
	[sflag:s17] =	ssyncset.done $0x0  }
0xad: {  	s28 =	sadd.s32 $0x80, s26;
	[sflag:s17] =	ssyncadd.s32 $0xFFFFC000  }
0xae: {  	[tilespmem:s20], [sflag:$0x2] =	stream.indirect.gather [hbm4b:s1+s19], $0x80, s28, s19, $0xb8;
	[tilespmem:$0x1E400] =	vst v63  }
0xaf: {  	_ =	swait.ge [sflag:s21], $0x4000  }
0xb0: {  	[sflag:s21] =	ssyncset.done $0x0  }
0xb1: {  	s30 =	sadd.s32 $0x1400, s26;
	[sflag:s21] =	ssyncadd.s32 $0xFFFFC000  }
0xb2: {  	[spmem:s2] =	stream.indirect.scatter.add.f32 [tilespmem:s16], [sflag:$0x3], $0x80, s30, s19, $0xb8;
	[tilespmem:$0x1E400] =	vst v63  }
0xb3: {  	_ =	swait.ge [sflag:s17], $0x4000  }
0xb4: {  	[sflag:s17] =	ssyncset.done $0x0  }
0xb5: {  	s31 =	sadd.s32 $0x100, s26;
	[sflag:s17] =	ssyncadd.s32 $0xFFFFC000  }
0xb6: {  	[tilespmem:s16], [sflag:$0x1] =	stream.indirect.gather [hbm4b:s1+s19], $0x80, s31, s19, $0xb8;
	[tilespmem:$0x1E400] =	vst v63  }
0xb7: {  	_ =	swait.ge [sflag:s22], $0x4000  }
0xb8: {  	[sflag:s22] =	ssyncset.done $0x0  }
0xb9: {  	s29 =	sadd.s32 $0x1480, s26;
	[sflag:s22] =	ssyncadd.s32 $0xFFFFC000  }
0xba: {  	[spmem:s2] =	stream.indirect.scatter.add.f32 [tilespmem:s20], [sflag:$0x3], $0x80, s29, s19, $0xb8;
	[tilespmem:$0x1E400] =	vst v63  }
0xbb: {  	_ =	swait.ge [sflag:s17], $0x4000  }
0xbc: {  	[sflag:s17] =	ssyncset.done $0x0  }
0xbd: {  	[sflag:s17] =	ssyncadd.s32 $0xFFFFC000  }
0xbe: {  	[tilespmem:s20], [sflag:$0x2] =	stream.indirect.gather [hbm4b:s1+s19], $0x80, s23, s19, $0xb8;
	[tilespmem:$0x1E400] =	vst v63  }
0xbf: {  	_ =	swait.ge [sflag:s21], $0x4000  }
0xc0: {  	[sflag:s21] =	ssyncset.done $0x0  }
0xc1: {  	[sflag:s21] =	ssyncadd.s32 $0xFFFFC000  }
0xc2: {  	[spmem:s2] =	stream.indirect.scatter.add.f32 [tilespmem:s16], [sflag:$0x3], $0x80, s24, s19, $0xb8;
	[tilespmem:$0x1E400] =	vst v63  }
0xc3: {  	_ =	swait.ge [sflag:s17], $0x4000  }
0xc4: {  	[sflag:s17] =	ssyncset.done $0x0  }
0xc5: {  	[sflag:s17] =	ssyncadd.s32 $0xFFFFC000  }
0xc6: {  	_ =	swait.ge [sflag:s22], $0x4000  }
0xc7: {  	[sflag:s22] =	ssyncset.done $0x0  }
0xc8: {  	[sflag:s22] =	ssyncadd.s32 $0xFFFFC000  }
0xc9: {  	[spmem:s2] =	stream.indirect.scatter.add.f32 [tilespmem:s20], [sflag:$0x3], $0x80, s25, s19, $0xb8;
	[tilespmem:$0x1E400] =	vst v63  }
0xca: {  	_ =	swait.ge [sflag:s17], $0x4000  }
0xcb: {  	s4 =	sadd.s32 $0x1, s4;
	s30 =	sshll.u32 s3, $0x6;
	[sflag:s17] =	ssyncset.done $0x0  }
0xcc: {  	p0 =	sne.s32 s4, s15;
	s26 =	sor.u32 $0x1C03, s30;
	[sflag:s17] =	ssyncadd.s32 $0xFFFFC000  }
.Ltmp3:
0xcd: {  	s31 =	sshrl.u32 s5, $0x3;
	[bflag:$0x0] =	sbarrier.arrive $0xFFFF;
	(pc) =	sbr.rel @p0 .LBB2_1-.Ltmp3, $4  }
0xce: {  	[hbm:s14], [sflag:s26] =	dma.local [spmem:s31], $0x2780  }
0xcf: {  	_ =	swait.ge [sflag:s17], $0x2780  }
0xd0: {  	[sflag:s17] =	ssyncset.done $0x0  }
0xd1: {  	[sflag:s17] =	ssyncadd.s32 $0xFFFFD880  }
0xd2: {  	_ =	sfence.sel $0x180000  }
0xd3: {  	[bflag:$0x0] =	sbarrier.arrive $0xFFFF  }
0xd4: {  	p0 =	sne.s32 s3, $0x0;
	_ =	strace $0x9000004A  }
0xd5: {  	s0 =	sadd.s32 @!p0 $0x100000, s0;
	[bflag:$0x2] =	sbarrier.arrive $0xFFFF  }
0xd6: {  	[sflag:s0] =	ssyncadd.tile.s32 @!p0 $0x1;
	_ =	shalt  }
.Lfunc_end2:
_tile_overlayer_lowered:
.L_overlay_start_2:
0xd7: {  	(tag) =	ssettag $0x2  }
0xd8: {  	s0 =	rddreg [dreg:$0x0];
	s2 =	stileid.u32  }
0xd9: {  	s1 =	rddreg [dreg:$0x1];
	p0 =	sne.s32 s2, $0x0  }
0xda: {  	s3 =	rddreg [dreg:$0x2];
	[bflag:$0x3] =	sbarrier.arrive $0xFFFF;
	s2 =	simm.s32 @!p0 $0x1C03  }
0xdb: {  	[timem:s3], [sflag:s2] =	dma.local @!p0 [hbm:s0], s1  }
0xdc: {  	s0 =	simm.s32 @!p0 $0x3  }
0xdd: {  	_ =	swait.ge @!p0 [sflag:s0], s1  }
0xde: {  	s1 =	ssub.s32 @!p0 $0x0, s1;
	[sflag:s0] =	ssyncset.done @!p0 $0x0  }
0xdf: {  	[sflag:s0] =	ssyncadd.s32 @!p0 s1  }
0xe0: {  	[bflag:$0x3] =	sbarrier.arrive $0xFFFF  }
0xe1: {  	_ =	shalt  }

// kernel: kernel.17.cloned.1.call-start
scs
__scs_entry_jumppad:
0x0: {  	(pc) =	sbr.rel $0x88, $3  }
0x1: {  	(tag) =	ssettag $0x0;
	lr =	simm.s32 $0x1  }
0x2: {  	[smem:$0x3F99] =	sst lr;
	_ =	strace $0xD0000000  }
0x3: {  	_ = 	snop  }
0x4: {  	_ = 	snop  }
0x5: {  	_ = 	snop  }
0x6: {  	_ = 	snop  }
0x7: {  	_ = 	snop  }
__scs_overlays_trampoline_lowered:
0x8: {  	[smem:$0x3FA8] =	sst s0  }
0x9: {  	[smem:$0x3FA9] =	sst s1  }
0xa: {  	[smem:$0x3FAA] =	sst s2  }
0xb: {  	[smem:$0x3FAB] =	sst s3  }
0xc: {  	[smem:$0x3FAC] =	sst s4  }
0xd: {  	[smem:$0x3FAD] =	sst s5  }
0xe: {  	[smem:$0x3FAE] =	sst s6  }
0xf: {  	[smem:$0x3FAF] =	sst s7  }
0x10: {  	[smem:$0x3FB0] =	sst s8  }
0x11: {  	[smem:$0x3FB1] =	sst s9;
	s0 =	simm.s32 @!p0 $0x0  }
0x12: {  	s1 =	sld [smem:$0x3F97];
	s0 =	simm.s32 @p0 $0x1  }
0x13: {  	[smem:$0x3FB2] =	sst s0;
	s0 =	simm.s32 @!p1 $0x0  }
0x14: {  	s2 =	sld [smem:$0x3F96];
	s0 =	simm.s32 @p1 $0x1  }
0x15: {  	[smem:$0x3FB3] =	sst s0;
	s0 =	simm.s32 @!p2 $0x0  }
0x16: {  	s3 =	sld [smem:$0x3FDB];
	s0 =	simm.s32 @p2 $0x1  }
0x17: {  	s4 =	simm.s32 $0x1BF5;
	[smem:$0x3FB5] =	sst s0  }
0x18: {  	s0 =	sld [smem:$0x3F98];
	_ =	swait.ge [sflag:s4], $0x0  }
0x19: {  	s7 =	sld [smem:$0x3F99]  }
0x1a: {  	s8 =	sadd.s32 $0xFFFFE003, lr  }
0x1b: {  	s9 =	sadd.s32 $0xFFFFFEF7, lr;
	s5 =	simm.s32 $0xFFFFFFFF;
	p2 =	slt.u32 s8, $0xFFFFF086  }
0x1c: {  	p1 =	slt.u32 s9, $0xF7A;
	s5 =	simm.s32 @!p2 $0x0  }
0x1d: {  	s5 =	simm.s32 @p1 $0x1;
	p0 =	seq.s32 s7, s2  }
0x1e: {  	s7 =	smul.u32 @!p0 $0xF7A, s2;
	p2 =	seq.s32 @!p0 s5, $0x0  }
0x1f: {  	s9 =	smul.u32 $0xF7A, s1;
	s8 =	simm.s32 @!p0 $0x1BF5;
	p2 =	por !p2, p0  }
0x20: {  	[sflag:s8] =	ssyncset.s32 @!p0 $0xFFFFF086;
	s6 =	sadd.s32 @!p0 s3, s7;
	s7 =	simm.s32 @!p0 $0x108  }
0x21: {  	s3 =	sadd.s32 s3, s9;
	s6 =	sadd.s32 @!p0 $0x88, s6;
	s7 =	simm.s32 @p2 $0x1082  }
0x22: {  	[simem:s7], [sflag:s8] =	dma.local @!p0 [hbm:s6], $0xF7A  }
0x23: {  	s9 =	sor.u32 $0xD0000000, s2;
	s6 =	simm.s32 $0x108;
	_ =	swait.ge @!p0 [sflag:s8], $0x0  }
0x24: {  	s3 =	sadd.s32 $0x88, s3;
	s6 =	simm.s32 @!p1 $0x1082;
	[sflag:s4] =	ssyncset.s32 $0xFFFFF086  }
0x25: {  	[simem:s6], [sflag:s4] =	dma.local [hbm:s3], $0xF7A  }
0x26: {  	[smem:$0x3F99] =	sst s1;
	(tag) =	ssettag s2;
	_ =	strace s9  }
0x27: {  	s1 =	sld [smem:$0x3FA9]  }
0x28: {  	s2 =	sld [smem:$0x3FAA]  }
0x29: {  	s4 =	sld [smem:$0x3FAC]  }
0x2a: {  	p0 =	seq.s32 s5, $0x0;
	s5 =	sld [smem:$0x3FAD]  }
0x2b: {  	s6 =	sld [smem:$0x3FAE]  }
0x2c: {  	s7 =	sld [smem:$0x3FAF]  }
0x2d: {  	s3 =	simm.s32 $0x108;
	s8 =	sld [smem:$0x3FB0]  }
0x2e: {  	s3 =	simm.s32 @!p0 $0x1082;
	s9 =	sld [smem:$0x3FB1]  }
0x2f: {  	lr =	sadd.s32 s0, s3;
	s0 =	sld [smem:$0x3FA8]  }
0x30: {  	s3 =	sld [smem:$0x3FAB]  }
0x31: {  	[smem:$0x3FB4] =	sst s10  }
0x32: {  	s10 =	sld [smem:$0x3FB2];
	_ =	sdelay $0x3  }
0x33: {  	p0 =	seq.s32 s10, $0x1;
	s10 =	sld [smem:$0x3FB4];
	_ =	sdelay $0x3  }
0x34: {  	[smem:$0x3FB4] =	sst s10  }
0x35: {  	s10 =	sld [smem:$0x3FB3];
	_ =	sdelay $0x3  }
0x36: {  	p1 =	seq.s32 s10, $0x1;
	s10 =	sld [smem:$0x3FB4];
	_ =	sdelay $0x3  }
0x37: {  	[smem:$0x3FB4] =	sst s10  }
0x38: {  	s10 =	sld [smem:$0x3FB5]  }
0x39: {  	_ = 	snop;
	(pc) =	sbr.ind lr, $3  }
0x3a: {  	_ = 	snop  }
0x3b: {  	_ = 	snop  }
0x3c: {  	p2 =	seq.s32 s10, $0x1;
	s10 =	sld [smem:$0x3FB4]  }
0x3d: {  	_ =	shalt  }
0x3e: {  	_ =	shalt  }
0x3f: {  	_ =	shalt  }
0x40: {  	_ =	shalt  }
0x41: {  	_ =	shalt  }
0x42: {  	_ =	shalt  }
0x43: {  	_ =	shalt  }
0x44: {  	_ =	shalt  }
0x45: {  	_ =	shalt  }
0x46: {  	_ =	shalt  }
0x47: {  	_ =	shalt  }
0x48: {  	_ =	shalt  }
0x49: {  	_ =	shalt  }
0x4a: {  	_ =	shalt  }
0x4b: {  	_ =	shalt  }
0x4c: {  	_ =	shalt  }
0x4d: {  	_ =	shalt  }
0x4e: {  	_ =	shalt  }
0x4f: {  	_ =	shalt  }
0x50: {  	_ =	shalt  }
0x51: {  	_ =	shalt  }
0x52: {  	_ =	shalt  }
0x53: {  	_ =	shalt  }
0x54: {  	_ =	shalt  }
0x55: {  	_ =	shalt  }
0x56: {  	_ =	shalt  }
0x57: {  	_ =	shalt  }
0x58: {  	_ =	shalt  }
0x59: {  	_ =	shalt  }
0x5a: {  	_ =	shalt  }
0x5b: {  	_ =	shalt  }
0x5c: {  	_ =	shalt  }
0x5d: {  	_ =	shalt  }
0x5e: {  	_ =	shalt  }
0x5f: {  	_ =	shalt  }
0x60: {  	_ =	shalt  }
0x61: {  	_ =	shalt  }
0x62: {  	_ =	shalt  }
0x63: {  	_ =	shalt  }
0x64: {  	_ =	shalt  }
0x65: {  	_ =	shalt  }
0x66: {  	_ =	shalt  }
0x67: {  	_ =	shalt  }
0x68: {  	_ =	shalt  }
0x69: {  	_ =	shalt  }
0x6a: {  	_ =	shalt  }
0x6b: {  	_ =	shalt  }
0x6c: {  	_ =	shalt  }
0x6d: {  	_ =	shalt  }
0x6e: {  	_ =	shalt  }
0x6f: {  	_ =	shalt  }
0x70: {  	_ =	shalt  }
0x71: {  	_ =	shalt  }
0x72: {  	_ =	shalt  }
0x73: {  	_ =	shalt  }
0x74: {  	_ =	shalt  }
0x75: {  	_ =	shalt  }
0x76: {  	_ =	shalt  }
0x77: {  	_ =	shalt  }
0x78: {  	_ =	shalt  }
0x79: {  	_ =	shalt  }
0x7a: {  	_ =	shalt  }
0x7b: {  	_ =	shalt  }
0x7c: {  	_ =	shalt  }
0x7d: {  	_ =	shalt  }
0x7e: {  	_ =	shalt  }
0x7f: {  	_ =	shalt  }
0x80: {  	_ =	shalt  }
0x81: {  	_ =	shalt  }
0x82: {  	_ =	shalt  }
0x83: {  	_ =	shalt  }
0x84: {  	_ =	shalt  }
0x85: {  	_ =	shalt  }
0x86: {  	_ =	shalt  }
0x87: {  	_ =	shalt  }
.Lfunc_end0:
.L_simem_size_0:
called_computation.2_lowered:
.L_overlay_start_0:
0x88: {  	s2 =	sld [smem:$0x3FD9]  }
0x89: {  	s3 =	sld [smem:$0x3FFE];
	_ =	sdelay $0x1  }
0x8a: {  	s1 =	srdreg.scid  }
0x8b: {  	s0 =	sand.u32 $0x1, s1  }
0x8c: {  	s17 =	sshll.u32 s0, $0xA;
	s2 =	sadd.s32 s3, s2  }
0x8d: {  	s2 =	sadd.s32 s2, s17  }
0x8e: {  	[smem:$0x3FC0] =	sst s2  }
0x8f: {  	_ = 	snop  }
0x90: {  	s2 =	sld [smem:$0x3FD0];
	(tm) =	ssettm $0x1  }
0x91: {  	s18 =	sld [smem:$0x3FFB];
	_ =	sdelay $0x3  }
0x92: {  	_ =	strace s18  }
0x93: {  	s3 =	sld [smem:$0x3FFC];
	_ =	sdelay $0x3  }
0x94: {  	_ =	strace s3  }
0x95: {  	s3 =	sld [smem:$0x3FFD];
	_ =	sdelay $0x3  }
0x96: {  	_ =	strace s3  }
0x97: {  	_ =	strace $0x8FFFFFFF  }
0x98: {  	s19 =	sld [smem:$0x3FDB];
	_ =	sdelay $0x1  }
0x99: {  	s4 =	simm.s32 $_scs_section_size  }
0x9a: {  	s5 =	simm.s32 $_size__tile_overlayer_lowered;
	s6 =	simm.s32 $_tile_overlayer_lowered  }
0x9b: {  	s22 =	simm.s32 $0x1BFF;
	s21 =	sshll.u32 s6, $0x1;
	s3 =	sadd.s32 s4, s19  }
0x9c: {  	s7 =	simm.s32 $0x0;
	s20 =	sshll.u32 s5, $0x1;
	s5 =	sadd.s32 s21, s3  }
0x9d: {  	[timem:s7], [sflag:s22] =	dma.local [hbm:s5], s20  }
0x9e: {  	_ =	swait.ge [sflag:s22], s20  }
0x9f: {  	s4 =	ssub.s32 $0x0, s20;
	[sflag:s22] =	ssyncset.done $0x0  }
0xa0: {  	[sflag:s22] =	ssyncadd.s32 s4;
	_ =	sdelay $0x1  }
0xa1: {  	s23 =	simm.s32 $0x1B8B  }
0xa2: {  	_ =	swait.ge [sflag:s23], $0x1  }
0xa3: {  	[sflag:s23] =	ssyncset.done $0x0  }
0xa4: {  	s25 =	simm.s32 $0x1B8E;
	s24 =	sld [smem:$0x3FFE];
	[sflag:s23] =	ssyncadd.s32 $0xFFFFFFFF  }
0xa5: {  	s26 =	simm.s32 $execute0_lowered;
	[smem:$0x3FD2] =	sst s25  }
0xa6: {  	s5 =	sshll.u32 s26, $0x1;
	_ =	strace $0x8000004C;
	[dreg:$0x1] =	wrdreg $0xFFFFFFFF  }
0xa7: {  	s28 =	simm.s32 $_size_execute0_lowered;
	s3 =	sadd.s32 s3, s5;
	[dreg:$0x0] =	wrdreg $0x0  }
0xa8: {  	s5 =	sshll.u32 s28, $0x1;
	[dreg:$0x2] =	wrdreg s3  }
0xa9: {  	[dreg:$0x3] =	wrdreg s5  }
0xaa: {  	[dreg:$0x4] =	wrdreg $0xC0  }
0xab: {  	_ =	task [dreg:s7], $0x5FFFF  }
0xac: {  	[dreg:$0x1] =	wrdreg $0xFFFFFFFF  }
0xad: {  	[dreg:$0x0] =	wrdreg $0x60  }
0xae: {  	[dreg:$0x2] =	wrdreg s2  }
0xaf: {  	[dreg:$0x3] =	wrdreg s24  }
0xb0: {  	[dreg:$0x4] =	wrdreg $0xA8000  }
0xb1: {  	[dreg:$0x5] =	wrdreg $0x9  }
0xb2: {  	_ =	task.clear_ibuf [dreg:s7], $0x6FFFF;
	_ =	strace $0x9000004C  }
0xb3: {  	s29 =	simm.s32 $0x9;
	_ =	strace $0x8000004E  }
0xb4: {  	_ =	swait.ge [sflag:s29], $0x1  }
0xb5: {  	[sflag:s29] =	ssyncadd.s32 $0xFFFFFFFF  }
0xb6: {  	_ =	strace $0x9000004E  }
0xb7: {  	_ =	sfence  }
0xb8: {  	s30 =	sld [smem:$0x0];
	_ =	sdelay $0x2  }
0xb9: {  	s31 =	sshll.u32 s1, $0xD;
	s1 =	sshrl.u32 s1, $0x2  }
0xba: {  	s3 =	sand.u32 $0x4000, s31;
	s1 =	sadd.s32 s1, s30  }
0xbb: {  	s0 =	sor.u32 s3, s0;
	s1 =	sshll.u32 s1, $0x11  }
0xbc: {  	s0 =	sor.u32 s1, s0  }
0xbd: {  	s0 =	sadd.s32 $0x8F2B, s0  }
0xbe: {  	[sflag:s0] =	ssyncadd.remote.s32 $0x1  }
0xbf: {  	_ =	sfence.sel $0xFFFF  }
0xc0: {  	[dreg:$0x0] =	wrdreg $0xFFFFFFFF;
	(pc) =	sbr.abs _section_cstart, $3  }
0xc1: {  	[dreg:$0x1] =	wrdreg $0xFFFFFFFF  }
0xc2: {  	_ =	task.clear_ibuf [dreg:s7], $0x2FFFF;
	_ =	strace $0x9FFFFFFF  }
0xc3: {  	(tm) =	ssettm $0x7FFFFFFF  }
tec
execute0_lowered:
.L_overlay_start_1:
0x0: {  	(tag) =	ssettag $0x1  }
0x1: {  	s1 =	rddreg [dreg:$0x0]  }
0x2: {  	s6 =	rddreg [dreg:$0x1]  }
0x3: {  	s2 =	rddreg [dreg:$0x2]  }
0x4: {  	s3 =	srdreg.scid;
	s0 =	rddreg [dreg:$0x3];
	s4 =	simm.s32 $0x0  }
0x5: {  	s17 =	simm.s32 $0x3;
	s18 =	simm.s32 $0x1400;
	s19 =	simm.s32 $0x80  }
0x6: {  	s20 =	simm.s32 $0x6800;
	s21 =	simm.s32 $0x1;
	s22 =	simm.s32 $0x2  }
0x7: {  	s23 =	simm.s32 $0x1380;
	s24 =	simm.s32 $0x2700;
	s5 =	sand.u32 $0x1, s3  }
0x8: {  	s25 =	simm.s32 $0x2780;
	s3 =	stileid.u32;
	s7 =	smul.u32 $0x13C000, s5  }
0x9: {  	[smem:$0x7FF] =	sst s4;
	s12 =	sadd.s32 $0x83A00, s6;
	s8 =	smul.u32 $0x13C00, s3  }
0xa: {  	s13 =	sadd.s32 $0x3200, s6;
	s29 =	smul.u32 $0x4F000, s3;
	s9 =	sshll.u32 s5, $0x4  }
0xb: {  	_ =	strace $0x8000004D;
	s10 =	ssub.s32 $0x2, s5;
	s9 =	sor.u32 s3, s9  }
0xc: {  	s31 =	sshrl.u32 s10, $0x1;
	s7 =	sadd.s32 s8, s7;
	s30 =	sshrl.u32 s29, $0x2  }
0xd: {  	s9 =	smul.u32 $0x2800, s9;
	s15 =	ssub.s32 s10, s31;
	s7 =	sshrl.u32 s7, $0x3  }
0xe: {  	s5 =	sadd.s32 s30, s2;
	s15 =	smax.u32 s15, $0x1;
	s14 =	sadd.s32 s7, s6  }
0xf: {  	s6 =	sadd.s32 $0x4000, s5;
	s7 =	sadd.s32 $0x8000, s5;
	s11 =	sshrl.u32 s9, $0x3  }
0x10: {  	s8 =	sadd.s32 $0xC000, s5;
	s9 =	sadd.s32 $0x10000, s5;
	s10 =	sadd.s32 s12, s11  }
0x11: {  	s16 =	sadd.s32 $0x280, s11;
	s11 =	sadd.s32 s13, s11;
	s14 =	sadd.s32 $0x34A00, s14  }
0x12: {  	v0 =	vimm.f32 $0.0e+00;
	s12 =	sadd.s32 s12, s16;
	s13 =	sadd.s32 s13, s16;
	s16 =	simm.s32 $0x2800  }
.LBB2_1:
0x13: {  	s26 =	simm.s32 $0x0;
	s28 =	simm.s32 $0x200  }
.LBB2_2:
0x14: {  	p0 =	sne.s32 s28, $0xFE00;
	[tilespmem:s26+$0x2870] =	vst v0  }
0x15: {  	[tilespmem:s26+$0x2800] =	vst v0  }
0x16: {  	[tilespmem:s26+$0x2810] =	vst v0  }
.Ltmp0:
0x17: {  	[tilespmem:s26+$0x2820] =	vst v0;
	(pc) =	sbr.rel @p0 .LBB2_2-.Ltmp0, $4  }
0x18: {  	[tilespmem:s26+$0x2830] =	vst v0  }
0x19: {  	[tilespmem:s26+$0x2840] =	vst v0  }
0x1a: {  	[tilespmem:s26+$0x2850] =	vst v0  }
0x1b: {  	[tilespmem:s26+$0x2860] =	vst v0;
	s26 =	sshra.s32 s28, $0x2;
	s28 =	sadd.s32 $0x200, s28  }
0x1c: {  	[tilespmem:s26+$0x2870] =	vst v0  }
0x1d: {  	[tilespmem:s26+$0x2800] =	vst v0  }
0x1e: {  	[tilespmem:s26+$0x2810] =	vst v0  }
0x1f: {  	[tilespmem:s26+$0x2820] =	vst v0  }
0x20: {  	[tilespmem:s26+$0x2830] =	vst v0  }
0x21: {  	[tilespmem:s26+$0x2840] =	vst v0  }
0x22: {  	[tilespmem:s26+$0x2850] =	vst v0  }
0x23: {  	[tilespmem:s26+$0x2860] =	vst v0  }
0x24: {  	[spmem:s5] =	stream.linear.scatter [tilespmem:s16], [sflag:$0x3], $0x4000, $0x38;
	[tilespmem:$0x1E400] =	vst v63  }
0x25: {  	_ =	swait.ge [sflag:s17], $0x4000  }
0x26: {  	[sflag:s17] =	ssyncset.done $0x0  }
0x27: {  	[sflag:s17] =	ssyncadd.s32 $0xFFFFC000  }
0x28: {  	[spmem:s6] =	stream.linear.scatter [tilespmem:s16], [sflag:$0x3], $0x4000, $0x38;
	[tilespmem:$0x1E400] =	vst v63  }
0x29: {  	_ =	swait.ge [sflag:s17], $0x4000  }
0x2a: {  	[sflag:s17] =	ssyncset.done $0x0  }
0x2b: {  	[sflag:s17] =	ssyncadd.s32 $0xFFFFC000  }
0x2c: {  	[spmem:s7] =	stream.linear.scatter [tilespmem:s16], [sflag:$0x3], $0x4000, $0x38;
	[tilespmem:$0x1E400] =	vst v63  }
0x2d: {  	_ =	swait.ge [sflag:s17], $0x4000  }
0x2e: {  	[sflag:s17] =	ssyncset.done $0x0  }
0x2f: {  	[sflag:s17] =	ssyncadd.s32 $0xFFFFC000  }
0x30: {  	[spmem:s8] =	stream.linear.scatter [tilespmem:s16], [sflag:$0x3], $0x4000, $0x38;
	[tilespmem:$0x1E400] =	vst v63  }
0x31: {  	_ =	swait.ge [sflag:s17], $0x4000  }
0x32: {  	[sflag:s17] =	ssyncset.done $0x0  }
0x33: {  	[sflag:s17] =	ssyncadd.s32 $0xFFFFC000  }
0x34: {  	[spmem:s9] =	stream.linear.scatter [tilespmem:s16], [sflag:$0x3], $0x3C00, $0x38;
	[tilespmem:$0x1E400] =	vst v63  }
0x35: {  	_ =	swait.ge [sflag:s17], $0x3C00  }
0x36: {  	[sflag:s17] =	ssyncset.done $0x0  }
0x37: {  	s30 =	simm.s32 $0x0;
	[sflag:s17] =	ssyncadd.s32 $0xFFFFC400  }
0x38: {  	[tilespmem:s30], [sflag:$0x3] =	stream.linear.gather [hbm4b:s10+s30], $0x1400, $0x38;
	[tilespmem:$0x1E400] =	vst v63  }
0x39: {  	_ =	swait.ge [sflag:s17], $0x1400  }
0x3a: {  	[sflag:s17] =	ssyncset.done $0x0  }
0x3b: {  	[sflag:s17] =	ssyncadd.s32 $0xFFFFEC00  }
0x3c: {  	[tilespmem:s18], [sflag:$0x3] =	stream.linear.gather [hbm4b:s11+s30], $0x1400, $0x38;
	[tilespmem:$0x1E400] =	vst v63  }
0x3d: {  	_ =	swait.ge [sflag:s17], $0x1400  }
0x3e: {  	[sflag:s17] =	ssyncset.done $0x0  }
0x3f: {  	[sflag:s17] =	ssyncadd.s32 $0xFFFFEC00  }
0x40: {  	[bflag:$0x0] =	sbarrier.arrive $0xFFFF  }
0x41: {  	[tilespmem:s16], [sflag:$0x1] =	stream.indirect.gather [hbm4b:s1+s19], $0x80, s30, s19, $0xb8;
	[tilespmem:$0x1E400] =	vst v63  }
0x42: {  	s31 =	simm.s32 $0x80  }
0x43: {  	[tilespmem:s20], [sflag:$0x2] =	stream.indirect.gather [hbm4b:s1+s19], $0x80, s31, s19, $0xb8;
	[tilespmem:$0x1E400] =	vst v63  }
0x44: {  	_ =	swait.ge [sflag:s21], $0x4000  }
0x45: {  	[sflag:s21] =	ssyncset.done $0x0  }
0x46: {  	s29 =	simm.s32 $0x1400;
	[sflag:s21] =	ssyncadd.s32 $0xFFFFC000  }
0x47: {  	[spmem:s2] =	stream.indirect.scatter.add.f32 [tilespmem:s16], [sflag:$0x3], $0x80, s29, s19, $0xb8;
	[tilespmem:$0x1E400] =	vst v63  }
0x48: {  	_ =	swait.ge [sflag:s17], $0x4000  }
0x49: {  	[sflag:s17] =	ssyncset.done $0x0  }
0x4a: {  	s30 =	simm.s32 $0x100;
	[sflag:s17] =	ssyncadd.s32 $0xFFFFC000  }
0x4b: {  	[tilespmem:s16], [sflag:$0x1] =	stream.indirect.gather [hbm4b:s1+s19], $0x80, s30, s19, $0xb8;
	[tilespmem:$0x1E400] =	vst v63  }
0x4c: {  	_ =	swait.ge [sflag:s22], $0x4000  }
0x4d: {  	[sflag:s22] =	ssyncset.done $0x0  }
0x4e: {  	s31 =	simm.s32 $0x1480;
	[sflag:s22] =	ssyncadd.s32 $0xFFFFC000  }
0x4f: {  	[spmem:s2] =	stream.indirect.scatter.add.f32 [tilespmem:s20], [sflag:$0x3], $0x80, s31, s19, $0xb8;
	[tilespmem:$0x1E400] =	vst v63  }
0x50: {  	_ =	swait.ge [sflag:s17], $0x4000  }
0x51: {  	s28 =	simm.s32 $0x800;
	s26 =	simm.s32 $0x100;
	[sflag:s17] =	ssyncset.done $0x0  }
.LBB2_4:
0x52: {  	s29 =	sadd.s32 $0x80, s26  }
0x53: {  	[sflag:s17] =	ssyncadd.s32 $0xFFFFC000;
	s30 =	smov.u32 s28;
	s31 =	sadd.s32 $0x400, s28  }
0x54: {  	[tilespmem:s20], [sflag:$0x2] =	stream.indirect.gather [hbm4b:s1+s19], $0x80, s29, s19, $0xb8;
	[tilespmem:$0x1E400] =	vst v63  }
0x55: {  	p0 =	sne.s32 s28, $0x4800;
	_ =	swait.ge [sflag:s21], $0x4000  }
0x56: {  	[sflag:s21] =	ssyncset.done $0x0  }
0x57: {  	s28 =	sadd.s32 $0x1400, s26;
	[sflag:s21] =	ssyncadd.s32 $0xFFFFC000  }
0x58: {  	[spmem:s2] =	stream.indirect.scatter.add.f32 [tilespmem:s16], [sflag:$0x3], $0x80, s28, s19, $0xb8;
	[tilespmem:$0x1E400] =	vst v63  }
0x59: {  	_ =	swait.ge [sflag:s17], $0x4000  }
0x5a: {  	[sflag:s17] =	ssyncset.done $0x0  }
0x5b: {  	s28 =	sadd.s32 $0x100, s26;
	[sflag:s17] =	ssyncadd.s32 $0xFFFFC000  }
0x5c: {  	[tilespmem:s16], [sflag:$0x1] =	stream.indirect.gather [hbm4b:s1+s19], $0x80, s28, s19, $0xb8;
	[tilespmem:$0x1E400] =	vst v63  }
0x5d: {  	_ =	swait.ge [sflag:s22], $0x4000  }
.Ltmp1:
0x5e: {  	[sflag:s22] =	ssyncset.done $0x0;
	(pc) =	sbr.rel @p0 .LBB2_4-.Ltmp1, $4  }
0x5f: {  	s26 =	sadd.s32 $0x1480, s26;
	[sflag:s22] =	ssyncadd.s32 $0xFFFFC000  }
0x60: {  	[spmem:s2] =	stream.indirect.scatter.add.f32 [tilespmem:s20], [sflag:$0x3], $0x80, s26, s19, $0xb8;
	[tilespmem:$0x1E400] =	vst v63  }
0x61: {  	_ =	swait.ge [sflag:s17], $0x4000  }
0x62: {  	s28 =	smov.u32 s31;
	s26 =	sshra.s32 s30, $0x2;
	[sflag:s17] =	ssyncset.done $0x0  }
0x63: {  	s28 =	sadd.s32 $0x80, s26;
	[sflag:s17] =	ssyncadd.s32 $0xFFFFC000  }
0x64: {  	[tilespmem:s20], [sflag:$0x2] =	stream.indirect.gather [hbm4b:s1+s19], $0x80, s28, s19, $0xb8;
	[tilespmem:$0x1E400] =	vst v63  }
0x65: {  	_ =	swait.ge [sflag:s21], $0x4000  }
0x66: {  	[sflag:s21] =	ssyncset.done $0x0  }
0x67: {  	s28 =	sadd.s32 $0x1400, s26;
	[sflag:s21] =	ssyncadd.s32 $0xFFFFC000  }
0x68: {  	[spmem:s2] =	stream.indirect.scatter.add.f32 [tilespmem:s16], [sflag:$0x3], $0x80, s28, s19, $0xb8;
	[tilespmem:$0x1E400] =	vst v63  }
0x69: {  	_ =	swait.ge [sflag:s17], $0x4000  }
0x6a: {  	[sflag:s17] =	ssyncset.done $0x0  }
0x6b: {  	s28 =	sadd.s32 $0x100, s26;
	[sflag:s17] =	ssyncadd.s32 $0xFFFFC000  }
0x6c: {  	[tilespmem:s16], [sflag:$0x1] =	stream.indirect.gather [hbm4b:s1+s19], $0x80, s28, s19, $0xb8;
	[tilespmem:$0x1E400] =	vst v63  }
0x6d: {  	_ =	swait.ge [sflag:s22], $0x4000  }
0x6e: {  	[sflag:s22] =	ssyncset.done $0x0  }
0x6f: {  	s29 =	sadd.s32 $0x1480, s26;
	[sflag:s22] =	ssyncadd.s32 $0xFFFFC000  }
0x70: {  	[spmem:s2] =	stream.indirect.scatter.add.f32 [tilespmem:s20], [sflag:$0x3], $0x80, s29, s19, $0xb8;
	[tilespmem:$0x1E400] =	vst v63  }
0x71: {  	_ =	swait.ge [sflag:s17], $0x4000  }
0x72: {  	[sflag:s17] =	ssyncset.done $0x0  }
0x73: {  	[sflag:s17] =	ssyncadd.s32 $0xFFFFC000  }
0x74: {  	[tilespmem:s20], [sflag:$0x2] =	stream.indirect.gather [hbm4b:s1+s19], $0x80, s23, s19, $0xb8;
	[tilespmem:$0x1E400] =	vst v63  }
0x75: {  	_ =	swait.ge [sflag:s21], $0x4000  }
0x76: {  	[sflag:s21] =	ssyncset.done $0x0  }
0x77: {  	[sflag:s21] =	ssyncadd.s32 $0xFFFFC000  }
0x78: {  	[spmem:s2] =	stream.indirect.scatter.add.f32 [tilespmem:s16], [sflag:$0x3], $0x80, s24, s19, $0xb8;
	[tilespmem:$0x1E400] =	vst v63  }
0x79: {  	_ =	swait.ge [sflag:s17], $0x4000  }
0x7a: {  	[sflag:s17] =	ssyncset.done $0x0  }
0x7b: {  	[sflag:s17] =	ssyncadd.s32 $0xFFFFC000  }
0x7c: {  	_ =	swait.ge [sflag:s22], $0x4000  }
0x7d: {  	[sflag:s22] =	ssyncset.done $0x0  }
0x7e: {  	[sflag:s22] =	ssyncadd.s32 $0xFFFFC000  }
0x7f: {  	[spmem:s2] =	stream.indirect.scatter.add.f32 [tilespmem:s20], [sflag:$0x3], $0x80, s25, s19, $0xb8;
	[tilespmem:$0x1E400] =	vst v63  }
0x80: {  	_ =	swait.ge [sflag:s17], $0x4000  }
0x81: {  	[sflag:s17] =	ssyncset.done $0x0  }
0x82: {  	s30 =	simm.s32 $0x0;
	[sflag:s17] =	ssyncadd.s32 $0xFFFFC000  }
0x83: {  	[tilespmem:s30], [sflag:$0x3] =	stream.linear.gather [hbm4b:s12+s30], $0x1400, $0x38;
	[tilespmem:$0x1E400] =	vst v63  }
0x84: {  	_ =	swait.ge [sflag:s17], $0x1400  }
0x85: {  	[sflag:s17] =	ssyncset.done $0x0  }
0x86: {  	[sflag:s17] =	ssyncadd.s32 $0xFFFFEC00  }
0x87: {  	[tilespmem:s18], [sflag:$0x3] =	stream.linear.gather [hbm4b:s13+s30], $0x1400, $0x38;
	[tilespmem:$0x1E400] =	vst v63  }
0x88: {  	_ =	swait.ge [sflag:s17], $0x1400  }
0x89: {  	[sflag:s17] =	ssyncset.done $0x0  }
0x8a: {  	[sflag:s17] =	ssyncadd.s32 $0xFFFFEC00  }
0x8b: {  	[tilespmem:s16], [sflag:$0x1] =	stream.indirect.gather [hbm4b:s1+s19], $0x80, s30, s19, $0xb8;
	[tilespmem:$0x1E400] =	vst v63  }
0x8c: {  	s31 =	simm.s32 $0x80  }
0x8d: {  	[tilespmem:s20], [sflag:$0x2] =	stream.indirect.gather [hbm4b:s1+s19], $0x80, s31, s19, $0xb8;
	[tilespmem:$0x1E400] =	vst v63  }
0x8e: {  	_ =	swait.ge [sflag:s21], $0x4000  }
0x8f: {  	[sflag:s21] =	ssyncset.done $0x0  }
0x90: {  	s29 =	simm.s32 $0x1400;
	[sflag:s21] =	ssyncadd.s32 $0xFFFFC000  }
0x91: {  	[spmem:s2] =	stream.indirect.scatter.add.f32 [tilespmem:s16], [sflag:$0x3], $0x80, s29, s19, $0xb8;
	[tilespmem:$0x1E400] =	vst v63  }
0x92: {  	_ =	swait.ge [sflag:s17], $0x4000  }
0x93: {  	[sflag:s17] =	ssyncset.done $0x0  }
0x94: {  	s30 =	simm.s32 $0x100;
	[sflag:s17] =	ssyncadd.s32 $0xFFFFC000  }
0x95: {  	[tilespmem:s16], [sflag:$0x1] =	stream.indirect.gather [hbm4b:s1+s19], $0x80, s30, s19, $0xb8;
	[tilespmem:$0x1E400] =	vst v63  }
0x96: {  	_ =	swait.ge [sflag:s22], $0x4000  }
0x97: {  	[sflag:s22] =	ssyncset.done $0x0  }
0x98: {  	s31 =	simm.s32 $0x1480;
	[sflag:s22] =	ssyncadd.s32 $0xFFFFC000  }
0x99: {  	[spmem:s2] =	stream.indirect.scatter.add.f32 [tilespmem:s20], [sflag:$0x3], $0x80, s31, s19, $0xb8;
	[tilespmem:$0x1E400] =	vst v63  }
0x9a: {  	_ =	swait.ge [sflag:s17], $0x4000  }
0x9b: {  	s26 =	simm.s32 $0x100;
	s28 =	simm.s32 $0x800;
	[sflag:s17] =	ssyncset.done $0x0  }
.LBB2_6:
0x9c: {  	s29 =	sadd.s32 $0x80, s26  }
0x9d: {  	[sflag:s17] =	ssyncadd.s32 $0xFFFFC000;
	s30 =	smov.u32 s28;
	s31 =	sadd.s32 $0x400, s28  }
0x9e: {  	[tilespmem:s20], [sflag:$0x2] =	stream.indirect.gather [hbm4b:s1+s19], $0x80, s29, s19, $0xb8;
	[tilespmem:$0x1E400] =	vst v63  }
0x9f: {  	p0 =	sne.s32 s28, $0x4800;
	_ =	swait.ge [sflag:s21], $0x4000  }
0xa0: {  	[sflag:s21] =	ssyncset.done $0x0  }
0xa1: {  	s28 =	sadd.s32 $0x1400, s26;
	[sflag:s21] =	ssyncadd.s32 $0xFFFFC000  }
0xa2: {  	[spmem:s2] =	stream.indirect.scatter.add.f32 [tilespmem:s16], [sflag:$0x3], $0x80, s28, s19, $0xb8;
	[tilespmem:$0x1E400] =	vst v63  }
0xa3: {  	_ =	swait.ge [sflag:s17], $0x4000  }
0xa4: {  	[sflag:s17] =	ssyncset.done $0x0  }
0xa5: {  	s28 =	sadd.s32 $0x100, s26;
	[sflag:s17] =	ssyncadd.s32 $0xFFFFC000  }
0xa6: {  	[tilespmem:s16], [sflag:$0x1] =	stream.indirect.gather [hbm4b:s1+s19], $0x80, s28, s19, $0xb8;
	[tilespmem:$0x1E400] =	vst v63  }
0xa7: {  	_ =	swait.ge [sflag:s22], $0x4000  }
.Ltmp2:
0xa8: {  	[sflag:s22] =	ssyncset.done $0x0;
	(pc) =	sbr.rel @p0 .LBB2_6-.Ltmp2, $4  }
0xa9: {  	s26 =	sadd.s32 $0x1480, s26;
	[sflag:s22] =	ssyncadd.s32 $0xFFFFC000  }
0xaa: {  	[spmem:s2] =	stream.indirect.scatter.add.f32 [tilespmem:s20], [sflag:$0x3], $0x80, s26, s19, $0xb8;
	[tilespmem:$0x1E400] =	vst v63  }
0xab: {  	_ =	swait.ge [sflag:s17], $0x4000  }
0xac: {  	s28 =	smov.u32 s31;
	s26 =	sshra.s32 s30, $0x2;
	[sflag:s17] =	ssyncset.done $0x0  }
0xad: {  	s28 =	sadd.s32 $0x80, s26;
	[sflag:s17] =	ssyncadd.s32 $0xFFFFC000  }
0xae: {  	[tilespmem:s20], [sflag:$0x2] =	stream.indirect.gather [hbm4b:s1+s19], $0x80, s28, s19, $0xb8;
	[tilespmem:$0x1E400] =	vst v63  }
0xaf: {  	_ =	swait.ge [sflag:s21], $0x4000  }
0xb0: {  	[sflag:s21] =	ssyncset.done $0x0  }
0xb1: {  	s30 =	sadd.s32 $0x1400, s26;
	[sflag:s21] =	ssyncadd.s32 $0xFFFFC000  }
0xb2: {  	[spmem:s2] =	stream.indirect.scatter.add.f32 [tilespmem:s16], [sflag:$0x3], $0x80, s30, s19, $0xb8;
	[tilespmem:$0x1E400] =	vst v63  }
0xb3: {  	_ =	swait.ge [sflag:s17], $0x4000  }
0xb4: {  	[sflag:s17] =	ssyncset.done $0x0  }
0xb5: {  	s31 =	sadd.s32 $0x100, s26;
	[sflag:s17] =	ssyncadd.s32 $0xFFFFC000  }
0xb6: {  	[tilespmem:s16], [sflag:$0x1] =	stream.indirect.gather [hbm4b:s1+s19], $0x80, s31, s19, $0xb8;
	[tilespmem:$0x1E400] =	vst v63  }
0xb7: {  	_ =	swait.ge [sflag:s22], $0x4000  }
0xb8: {  	[sflag:s22] =	ssyncset.done $0x0  }
0xb9: {  	s29 =	sadd.s32 $0x1480, s26;
	[sflag:s22] =	ssyncadd.s32 $0xFFFFC000  }
0xba: {  	[spmem:s2] =	stream.indirect.scatter.add.f32 [tilespmem:s20], [sflag:$0x3], $0x80, s29, s19, $0xb8;
	[tilespmem:$0x1E400] =	vst v63  }
0xbb: {  	_ =	swait.ge [sflag:s17], $0x4000  }
0xbc: {  	[sflag:s17] =	ssyncset.done $0x0  }
0xbd: {  	[sflag:s17] =	ssyncadd.s32 $0xFFFFC000  }
0xbe: {  	[tilespmem:s20], [sflag:$0x2] =	stream.indirect.gather [hbm4b:s1+s19], $0x80, s23, s19, $0xb8;
	[tilespmem:$0x1E400] =	vst v63  }
0xbf: {  	_ =	swait.ge [sflag:s21], $0x4000  }
0xc0: {  	[sflag:s21] =	ssyncset.done $0x0  }
0xc1: {  	[sflag:s21] =	ssyncadd.s32 $0xFFFFC000  }
0xc2: {  	[spmem:s2] =	stream.indirect.scatter.add.f32 [tilespmem:s16], [sflag:$0x3], $0x80, s24, s19, $0xb8;
	[tilespmem:$0x1E400] =	vst v63  }
0xc3: {  	_ =	swait.ge [sflag:s17], $0x4000  }
0xc4: {  	[sflag:s17] =	ssyncset.done $0x0  }
0xc5: {  	[sflag:s17] =	ssyncadd.s32 $0xFFFFC000  }
0xc6: {  	_ =	swait.ge [sflag:s22], $0x4000  }
0xc7: {  	[sflag:s22] =	ssyncset.done $0x0  }
0xc8: {  	[sflag:s22] =	ssyncadd.s32 $0xFFFFC000  }
0xc9: {  	[spmem:s2] =	stream.indirect.scatter.add.f32 [tilespmem:s20], [sflag:$0x3], $0x80, s25, s19, $0xb8;
	[tilespmem:$0x1E400] =	vst v63  }
0xca: {  	_ =	swait.ge [sflag:s17], $0x4000  }
0xcb: {  	s4 =	sadd.s32 $0x1, s4;
	s30 =	sshll.u32 s3, $0x6;
	[sflag:s17] =	ssyncset.done $0x0  }
0xcc: {  	p0 =	sne.s32 s4, s15;
	s26 =	sor.u32 $0x1C03, s30;
	[sflag:s17] =	ssyncadd.s32 $0xFFFFC000  }
.Ltmp3:
0xcd: {  	s31 =	sshrl.u32 s5, $0x3;
	[bflag:$0x0] =	sbarrier.arrive $0xFFFF;
	(pc) =	sbr.rel @p0 .LBB2_1-.Ltmp3, $4  }
0xce: {  	[hbm:s14], [sflag:s26] =	dma.local [spmem:s31], $0x2780  }
0xcf: {  	_ =	swait.ge [sflag:s17], $0x2780  }
0xd0: {  	[sflag:s17] =	ssyncset.done $0x0  }
0xd1: {  	[sflag:s17] =	ssyncadd.s32 $0xFFFFD880  }
0xd2: {  	_ =	sfence.sel $0x180000  }
0xd3: {  	[bflag:$0x0] =	sbarrier.arrive $0xFFFF  }
0xd4: {  	p0 =	sne.s32 s3, $0x0;
	_ =	strace $0x9000004D  }
0xd5: {  	s0 =	sadd.s32 @!p0 $0x100000, s0;
	[bflag:$0x2] =	sbarrier.arrive $0xFFFF  }
0xd6: {  	[sflag:s0] =	ssyncadd.tile.s32 @!p0 $0x1;
	_ =	shalt  }
.Lfunc_end2:
_tile_overlayer_lowered:
.L_overlay_start_2:
0xd7: {  	(tag) =	ssettag $0x2  }
0xd8: {  	s0 =	rddreg [dreg:$0x0];
	s2 =	stileid.u32  }
0xd9: {  	s1 =	rddreg [dreg:$0x1];
	p0 =	sne.s32 s2, $0x0  }
0xda: {  	s3 =	rddreg [dreg:$0x2];
	[bflag:$0x3] =	sbarrier.arrive $0xFFFF;
	s2 =	simm.s32 @!p0 $0x1C03  }
0xdb: {  	[timem:s3], [sflag:s2] =	dma.local @!p0 [hbm:s0], s1  }
0xdc: {  	s0 =	simm.s32 @!p0 $0x3  }
0xdd: {  	_ =	swait.ge @!p0 [sflag:s0], s1  }
0xde: {  	s1 =	ssub.s32 @!p0 $0x0, s1;
	[sflag:s0] =	ssyncset.done @!p0 $0x0  }
0xdf: {  	[sflag:s0] =	ssyncadd.s32 @!p0 s1  }
0xe0: {  	[bflag:$0x3] =	sbarrier.arrive $0xFFFF  }
0xe1: {  	_ =	shalt  }

// kernel: kernel.20.cloned.1.call-start
scs
__scs_entry_jumppad:
0x0: {  	(pc) =	sbr.rel $0x88, $3  }
0x1: {  	(tag) =	ssettag $0x0;
	lr =	simm.s32 $0x1  }
0x2: {  	[smem:$0x3F99] =	sst lr;
	_ =	strace $0xD0000000  }
0x3: {  	_ = 	snop  }
0x4: {  	_ = 	snop  }
0x5: {  	_ = 	snop  }
0x6: {  	_ = 	snop  }
0x7: {  	_ = 	snop  }
__scs_overlays_trampoline_lowered:
0x8: {  	[smem:$0x3FA8] =	sst s0  }
0x9: {  	[smem:$0x3FA9] =	sst s1  }
0xa: {  	[smem:$0x3FAA] =	sst s2  }
0xb: {  	[smem:$0x3FAB] =	sst s3  }
0xc: {  	[smem:$0x3FAC] =	sst s4  }
0xd: {  	[smem:$0x3FAD] =	sst s5  }
0xe: {  	[smem:$0x3FAE] =	sst s6  }
0xf: {  	[smem:$0x3FAF] =	sst s7  }
0x10: {  	[smem:$0x3FB0] =	sst s8  }
0x11: {  	[smem:$0x3FB1] =	sst s9;
	s0 =	simm.s32 @!p0 $0x0  }
0x12: {  	s1 =	sld [smem:$0x3F97];
	s0 =	simm.s32 @p0 $0x1  }
0x13: {  	[smem:$0x3FB2] =	sst s0;
	s0 =	simm.s32 @!p1 $0x0  }
0x14: {  	s2 =	sld [smem:$0x3F96];
	s0 =	simm.s32 @p1 $0x1  }
0x15: {  	[smem:$0x3FB3] =	sst s0;
	s0 =	simm.s32 @!p2 $0x0  }
0x16: {  	s3 =	sld [smem:$0x3FDB];
	s0 =	simm.s32 @p2 $0x1  }
0x17: {  	s4 =	simm.s32 $0x1BF5;
	[smem:$0x3FB5] =	sst s0  }
0x18: {  	s0 =	sld [smem:$0x3F98];
	_ =	swait.ge [sflag:s4], $0x0  }
0x19: {  	s7 =	sld [smem:$0x3F99]  }
0x1a: {  	s8 =	sadd.s32 $0xFFFFE003, lr  }
0x1b: {  	s9 =	sadd.s32 $0xFFFFFEF7, lr;
	s5 =	simm.s32 $0xFFFFFFFF;
	p2 =	slt.u32 s8, $0xFFFFF086  }
0x1c: {  	p1 =	slt.u32 s9, $0xF7A;
	s5 =	simm.s32 @!p2 $0x0  }
0x1d: {  	s5 =	simm.s32 @p1 $0x1;
	p0 =	seq.s32 s7, s2  }
0x1e: {  	s7 =	smul.u32 @!p0 $0xF7A, s2;
	p2 =	seq.s32 @!p0 s5, $0x0  }
0x1f: {  	s9 =	smul.u32 $0xF7A, s1;
	s8 =	simm.s32 @!p0 $0x1BF5;
	p2 =	por !p2, p0  }
0x20: {  	[sflag:s8] =	ssyncset.s32 @!p0 $0xFFFFF086;
	s6 =	sadd.s32 @!p0 s3, s7;
	s7 =	simm.s32 @!p0 $0x108  }
0x21: {  	s3 =	sadd.s32 s3, s9;
	s6 =	sadd.s32 @!p0 $0x88, s6;
	s7 =	simm.s32 @p2 $0x1082  }
0x22: {  	[simem:s7], [sflag:s8] =	dma.local @!p0 [hbm:s6], $0xF7A  }
0x23: {  	s9 =	sor.u32 $0xD0000000, s2;
	s6 =	simm.s32 $0x108;
	_ =	swait.ge @!p0 [sflag:s8], $0x0  }
0x24: {  	s3 =	sadd.s32 $0x88, s3;
	s6 =	simm.s32 @!p1 $0x1082;
	[sflag:s4] =	ssyncset.s32 $0xFFFFF086  }
0x25: {  	[simem:s6], [sflag:s4] =	dma.local [hbm:s3], $0xF7A  }
0x26: {  	[smem:$0x3F99] =	sst s1;
	(tag) =	ssettag s2;
	_ =	strace s9  }
0x27: {  	s1 =	sld [smem:$0x3FA9]  }
0x28: {  	s2 =	sld [smem:$0x3FAA]  }
0x29: {  	s4 =	sld [smem:$0x3FAC]  }
0x2a: {  	p0 =	seq.s32 s5, $0x0;
	s5 =	sld [smem:$0x3FAD]  }
0x2b: {  	s6 =	sld [smem:$0x3FAE]  }
0x2c: {  	s7 =	sld [smem:$0x3FAF]  }
0x2d: {  	s3 =	simm.s32 $0x108;
	s8 =	sld [smem:$0x3FB0]  }
0x2e: {  	s3 =	simm.s32 @!p0 $0x1082;
	s9 =	sld [smem:$0x3FB1]  }
0x2f: {  	lr =	sadd.s32 s0, s3;
	s0 =	sld [smem:$0x3FA8]  }
0x30: {  	s3 =	sld [smem:$0x3FAB]  }
0x31: {  	[smem:$0x3FB4] =	sst s10  }
0x32: {  	s10 =	sld [smem:$0x3FB2];
	_ =	sdelay $0x3  }
0x33: {  	p0 =	seq.s32 s10, $0x1;
	s10 =	sld [smem:$0x3FB4];
	_ =	sdelay $0x3  }
0x34: {  	[smem:$0x3FB4] =	sst s10  }
0x35: {  	s10 =	sld [smem:$0x3FB3];
	_ =	sdelay $0x3  }
0x36: {  	p1 =	seq.s32 s10, $0x1;
	s10 =	sld [smem:$0x3FB4];
	_ =	sdelay $0x3  }
0x37: {  	[smem:$0x3FB4] =	sst s10  }
0x38: {  	s10 =	sld [smem:$0x3FB5]  }
0x39: {  	_ = 	snop;
	(pc) =	sbr.ind lr, $3  }
0x3a: {  	_ = 	snop  }
0x3b: {  	_ = 	snop  }
0x3c: {  	p2 =	seq.s32 s10, $0x1;
	s10 =	sld [smem:$0x3FB4]  }
0x3d: {  	_ =	shalt  }
0x3e: {  	_ =	shalt  }
0x3f: {  	_ =	shalt  }
0x40: {  	_ =	shalt  }
0x41: {  	_ =	shalt  }
0x42: {  	_ =	shalt  }
0x43: {  	_ =	shalt  }
0x44: {  	_ =	shalt  }
0x45: {  	_ =	shalt  }
0x46: {  	_ =	shalt  }
0x47: {  	_ =	shalt  }
0x48: {  	_ =	shalt  }
0x49: {  	_ =	shalt  }
0x4a: {  	_ =	shalt  }
0x4b: {  	_ =	shalt  }
0x4c: {  	_ =	shalt  }
0x4d: {  	_ =	shalt  }
0x4e: {  	_ =	shalt  }
0x4f: {  	_ =	shalt  }
0x50: {  	_ =	shalt  }
0x51: {  	_ =	shalt  }
0x52: {  	_ =	shalt  }
0x53: {  	_ =	shalt  }
0x54: {  	_ =	shalt  }
0x55: {  	_ =	shalt  }
0x56: {  	_ =	shalt  }
0x57: {  	_ =	shalt  }
0x58: {  	_ =	shalt  }
0x59: {  	_ =	shalt  }
0x5a: {  	_ =	shalt  }
0x5b: {  	_ =	shalt  }
0x5c: {  	_ =	shalt  }
0x5d: {  	_ =	shalt  }
0x5e: {  	_ =	shalt  }
0x5f: {  	_ =	shalt  }
0x60: {  	_ =	shalt  }
0x61: {  	_ =	shalt  }
0x62: {  	_ =	shalt  }
0x63: {  	_ =	shalt  }
0x64: {  	_ =	shalt  }
0x65: {  	_ =	shalt  }
0x66: {  	_ =	shalt  }
0x67: {  	_ =	shalt  }
0x68: {  	_ =	shalt  }
0x69: {  	_ =	shalt  }
0x6a: {  	_ =	shalt  }
0x6b: {  	_ =	shalt  }
0x6c: {  	_ =	shalt  }
0x6d: {  	_ =	shalt  }
0x6e: {  	_ =	shalt  }
0x6f: {  	_ =	shalt  }
0x70: {  	_ =	shalt  }
0x71: {  	_ =	shalt  }
0x72: {  	_ =	shalt  }
0x73: {  	_ =	shalt  }
0x74: {  	_ =	shalt  }
0x75: {  	_ =	shalt  }
0x76: {  	_ =	shalt  }
0x77: {  	_ =	shalt  }
0x78: {  	_ =	shalt  }
0x79: {  	_ =	shalt  }
0x7a: {  	_ =	shalt  }
0x7b: {  	_ =	shalt  }
0x7c: {  	_ =	shalt  }
0x7d: {  	_ =	shalt  }
0x7e: {  	_ =	shalt  }
0x7f: {  	_ =	shalt  }
0x80: {  	_ =	shalt  }
0x81: {  	_ =	shalt  }
0x82: {  	_ =	shalt  }
0x83: {  	_ =	shalt  }
0x84: {  	_ =	shalt  }
0x85: {  	_ =	shalt  }
0x86: {  	_ =	shalt  }
0x87: {  	_ =	shalt  }
.Lfunc_end0:
.L_simem_size_0:
called_computation.3_lowered:
.L_overlay_start_0:
0x88: {  	s2 =	sld [smem:$0x3FD9]  }
0x89: {  	s3 =	sld [smem:$0x3FFE];
	_ =	sdelay $0x1  }
0x8a: {  	s1 =	srdreg.scid  }
0x8b: {  	s0 =	sand.u32 $0x1, s1  }
0x8c: {  	s17 =	sshll.u32 s0, $0xA;
	s2 =	sadd.s32 s3, s2  }
0x8d: {  	s2 =	sadd.s32 s2, s17  }
0x8e: {  	[smem:$0x3FC0] =	sst s2  }
0x8f: {  	_ = 	snop  }
0x90: {  	s2 =	sld [smem:$0x3FD0];
	(tm) =	ssettm $0x1  }
0x91: {  	s18 =	sld [smem:$0x3FFB];
	_ =	sdelay $0x3  }
0x92: {  	_ =	strace s18  }
0x93: {  	s3 =	sld [smem:$0x3FFC];
	_ =	sdelay $0x3  }
0x94: {  	_ =	strace s3  }
0x95: {  	s3 =	sld [smem:$0x3FFD];
	_ =	sdelay $0x3  }
0x96: {  	_ =	strace s3  }
0x97: {  	_ =	strace $0x8FFFFFFF  }
0x98: {  	s19 =	sld [smem:$0x3FDB];
	_ =	sdelay $0x1  }
0x99: {  	s4 =	simm.s32 $_scs_section_size  }
0x9a: {  	s5 =	simm.s32 $_size__tile_overlayer_lowered;
	s6 =	simm.s32 $_tile_overlayer_lowered  }
0x9b: {  	s22 =	simm.s32 $0x1BFF;
	s21 =	sshll.u32 s6, $0x1;
	s3 =	sadd.s32 s4, s19  }
0x9c: {  	s7 =	simm.s32 $0x0;
	s20 =	sshll.u32 s5, $0x1;
	s5 =	sadd.s32 s21, s3  }
0x9d: {  	[timem:s7], [sflag:s22] =	dma.local [hbm:s5], s20  }
0x9e: {  	_ =	swait.ge [sflag:s22], s20  }
0x9f: {  	s4 =	ssub.s32 $0x0, s20;
	[sflag:s22] =	ssyncset.done $0x0  }
0xa0: {  	[sflag:s22] =	ssyncadd.s32 s4;
	_ =	sdelay $0x1  }
0xa1: {  	s23 =	simm.s32 $0x1B8B  }
0xa2: {  	_ =	swait.ge [sflag:s23], $0x1  }
0xa3: {  	[sflag:s23] =	ssyncset.done $0x0  }
0xa4: {  	s25 =	simm.s32 $0x1B8E;
	s24 =	sld [smem:$0x3FFE];
	[sflag:s23] =	ssyncadd.s32 $0xFFFFFFFF  }
0xa5: {  	s26 =	simm.s32 $execute0_lowered;
	[smem:$0x3FD2] =	sst s25  }
0xa6: {  	s5 =	sshll.u32 s26, $0x1;
	_ =	strace $0x8000004F;
	[dreg:$0x1] =	wrdreg $0xFFFFFFFF  }
0xa7: {  	s28 =	simm.s32 $_size_execute0_lowered;
	s3 =	sadd.s32 s3, s5;
	[dreg:$0x0] =	wrdreg $0x0  }
0xa8: {  	s5 =	sshll.u32 s28, $0x1;
	[dreg:$0x2] =	wrdreg s3  }
0xa9: {  	[dreg:$0x3] =	wrdreg s5  }
0xaa: {  	[dreg:$0x4] =	wrdreg $0xC0  }
0xab: {  	_ =	task [dreg:s7], $0x5FFFF  }
0xac: {  	[dreg:$0x1] =	wrdreg $0xFFFFFFFF  }
0xad: {  	[dreg:$0x0] =	wrdreg $0x60  }
0xae: {  	[dreg:$0x2] =	wrdreg s2  }
0xaf: {  	[dreg:$0x3] =	wrdreg s24  }
0xb0: {  	[dreg:$0x4] =	wrdreg $0xA8000  }
0xb1: {  	[dreg:$0x5] =	wrdreg $0x9  }
0xb2: {  	_ =	task.clear_ibuf [dreg:s7], $0x6FFFF;
	_ =	strace $0x9000004F  }
0xb3: {  	s29 =	simm.s32 $0x9;
	_ =	strace $0x80000051  }
0xb4: {  	_ =	swait.ge [sflag:s29], $0x1  }
0xb5: {  	[sflag:s29] =	ssyncadd.s32 $0xFFFFFFFF  }
0xb6: {  	_ =	strace $0x90000051  }
0xb7: {  	_ =	sfence  }
0xb8: {  	s30 =	sld [smem:$0x0];
	_ =	sdelay $0x2  }
0xb9: {  	s31 =	sshll.u32 s1, $0xD;
	s1 =	sshrl.u32 s1, $0x2  }
0xba: {  	s3 =	sand.u32 $0x4000, s31;
	s1 =	sadd.s32 s1, s30  }
0xbb: {  	s0 =	sor.u32 s3, s0;
	s1 =	sshll.u32 s1, $0x11  }
0xbc: {  	s0 =	sor.u32 s1, s0  }
0xbd: {  	s0 =	sadd.s32 $0x8F2B, s0  }
0xbe: {  	[sflag:s0] =	ssyncadd.remote.s32 $0x1  }
0xbf: {  	_ =	sfence.sel $0xFFFF  }
0xc0: {  	[dreg:$0x0] =	wrdreg $0xFFFFFFFF;
	(pc) =	sbr.abs _section_cstart, $3  }
0xc1: {  	[dreg:$0x1] =	wrdreg $0xFFFFFFFF  }
0xc2: {  	_ =	task.clear_ibuf [dreg:s7], $0x2FFFF;
	_ =	strace $0x9FFFFFFF  }
0xc3: {  	(tm) =	ssettm $0x7FFFFFFF  }
tec
execute0_lowered:
.L_overlay_start_1:
0x0: {  	(tag) =	ssettag $0x1  }
0x1: {  	s1 =	rddreg [dreg:$0x0]  }
0x2: {  	s6 =	rddreg [dreg:$0x1]  }
0x3: {  	s2 =	rddreg [dreg:$0x2]  }
0x4: {  	s3 =	srdreg.scid;
	s0 =	rddreg [dreg:$0x3];
	s4 =	simm.s32 $0x0  }
0x5: {  	s17 =	simm.s32 $0x3;
	s18 =	simm.s32 $0x1400;
	s19 =	simm.s32 $0x80  }
0x6: {  	s20 =	simm.s32 $0x6800;
	s21 =	simm.s32 $0x1;
	s22 =	simm.s32 $0x2  }
0x7: {  	s23 =	simm.s32 $0x1380;
	s24 =	simm.s32 $0x2700;
	s5 =	sand.u32 $0x1, s3  }
0x8: {  	s25 =	simm.s32 $0x2780;
	s3 =	stileid.u32;
	s7 =	smul.u32 $0x13C000, s5  }
0x9: {  	[smem:$0x7FF] =	sst s4;
	s12 =	sadd.s32 $0x83A00, s6;
	s8 =	smul.u32 $0x13C00, s3  }
0xa: {  	s13 =	sadd.s32 $0x3200, s6;
	s29 =	smul.u32 $0x4F000, s3;
	s9 =	sshll.u32 s5, $0x4  }
0xb: {  	_ =	strace $0x80000050;
	s10 =	ssub.s32 $0x2, s5;
	s9 =	sor.u32 s3, s9  }
0xc: {  	s31 =	sshrl.u32 s10, $0x1;
	s7 =	sadd.s32 s8, s7;
	s30 =	sshrl.u32 s29, $0x2  }
0xd: {  	s9 =	smul.u32 $0x2800, s9;
	s15 =	ssub.s32 s10, s31;
	s7 =	sshrl.u32 s7, $0x3  }
0xe: {  	s5 =	sadd.s32 s30, s2;
	s15 =	smax.u32 s15, $0x1;
	s14 =	sadd.s32 s7, s6  }
0xf: {  	s6 =	sadd.s32 $0x4000, s5;
	s7 =	sadd.s32 $0x8000, s5;
	s11 =	sshrl.u32 s9, $0x3  }
0x10: {  	s8 =	sadd.s32 $0xC000, s5;
	s9 =	sadd.s32 $0x10000, s5;
	s10 =	sadd.s32 s12, s11  }
0x11: {  	s16 =	sadd.s32 $0x280, s11;
	s11 =	sadd.s32 s13, s11;
	s14 =	sadd.s32 $0x34A00, s14  }
0x12: {  	v0 =	vimm.f32 $0.0e+00;
	s12 =	sadd.s32 s12, s16;
	s13 =	sadd.s32 s13, s16;
	s16 =	simm.s32 $0x2800  }
.LBB2_1:
0x13: {  	s26 =	simm.s32 $0x0;
	s28 =	simm.s32 $0x200  }
.LBB2_2:
0x14: {  	p0 =	sne.s32 s28, $0xFE00;
	[tilespmem:s26+$0x2870] =	vst v0  }
0x15: {  	[tilespmem:s26+$0x2800] =	vst v0  }
0x16: {  	[tilespmem:s26+$0x2810] =	vst v0  }
.Ltmp0:
0x17: {  	[tilespmem:s26+$0x2820] =	vst v0;
	(pc) =	sbr.rel @p0 .LBB2_2-.Ltmp0, $4  }
0x18: {  	[tilespmem:s26+$0x2830] =	vst v0  }
0x19: {  	[tilespmem:s26+$0x2840] =	vst v0  }
0x1a: {  	[tilespmem:s26+$0x2850] =	vst v0  }
0x1b: {  	[tilespmem:s26+$0x2860] =	vst v0;
	s26 =	sshra.s32 s28, $0x2;
	s28 =	sadd.s32 $0x200, s28  }
0x1c: {  	[tilespmem:s26+$0x2870] =	vst v0  }
0x1d: {  	[tilespmem:s26+$0x2800] =	vst v0  }
0x1e: {  	[tilespmem:s26+$0x2810] =	vst v0  }
0x1f: {  	[tilespmem:s26+$0x2820] =	vst v0  }
0x20: {  	[tilespmem:s26+$0x2830] =	vst v0  }
0x21: {  	[tilespmem:s26+$0x2840] =	vst v0  }
0x22: {  	[tilespmem:s26+$0x2850] =	vst v0  }
0x23: {  	[tilespmem:s26+$0x2860] =	vst v0  }
0x24: {  	[spmem:s5] =	stream.linear.scatter [tilespmem:s16], [sflag:$0x3], $0x4000, $0x38;
	[tilespmem:$0x1E400] =	vst v63  }
0x25: {  	_ =	swait.ge [sflag:s17], $0x4000  }
0x26: {  	[sflag:s17] =	ssyncset.done $0x0  }
0x27: {  	[sflag:s17] =	ssyncadd.s32 $0xFFFFC000  }
0x28: {  	[spmem:s6] =	stream.linear.scatter [tilespmem:s16], [sflag:$0x3], $0x4000, $0x38;
	[tilespmem:$0x1E400] =	vst v63  }
0x29: {  	_ =	swait.ge [sflag:s17], $0x4000  }
0x2a: {  	[sflag:s17] =	ssyncset.done $0x0  }
0x2b: {  	[sflag:s17] =	ssyncadd.s32 $0xFFFFC000  }
0x2c: {  	[spmem:s7] =	stream.linear.scatter [tilespmem:s16], [sflag:$0x3], $0x4000, $0x38;
	[tilespmem:$0x1E400] =	vst v63  }
0x2d: {  	_ =	swait.ge [sflag:s17], $0x4000  }
0x2e: {  	[sflag:s17] =	ssyncset.done $0x0  }
0x2f: {  	[sflag:s17] =	ssyncadd.s32 $0xFFFFC000  }
0x30: {  	[spmem:s8] =	stream.linear.scatter [tilespmem:s16], [sflag:$0x3], $0x4000, $0x38;
	[tilespmem:$0x1E400] =	vst v63  }
0x31: {  	_ =	swait.ge [sflag:s17], $0x4000  }
0x32: {  	[sflag:s17] =	ssyncset.done $0x0  }
0x33: {  	[sflag:s17] =	ssyncadd.s32 $0xFFFFC000  }
0x34: {  	[spmem:s9] =	stream.linear.scatter [tilespmem:s16], [sflag:$0x3], $0x3C00, $0x38;
	[tilespmem:$0x1E400] =	vst v63  }
0x35: {  	_ =	swait.ge [sflag:s17], $0x3C00  }
0x36: {  	[sflag:s17] =	ssyncset.done $0x0  }
0x37: {  	s30 =	simm.s32 $0x0;
	[sflag:s17] =	ssyncadd.s32 $0xFFFFC400  }
0x38: {  	[tilespmem:s30], [sflag:$0x3] =	stream.linear.gather [hbm4b:s10+s30], $0x1400, $0x38;
	[tilespmem:$0x1E400] =	vst v63  }
0x39: {  	_ =	swait.ge [sflag:s17], $0x1400  }
0x3a: {  	[sflag:s17] =	ssyncset.done $0x0  }
0x3b: {  	[sflag:s17] =	ssyncadd.s32 $0xFFFFEC00  }
0x3c: {  	[tilespmem:s18], [sflag:$0x3] =	stream.linear.gather [hbm4b:s11+s30], $0x1400, $0x38;
	[tilespmem:$0x1E400] =	vst v63  }
0x3d: {  	_ =	swait.ge [sflag:s17], $0x1400  }
0x3e: {  	[sflag:s17] =	ssyncset.done $0x0  }
0x3f: {  	[sflag:s17] =	ssyncadd.s32 $0xFFFFEC00  }
0x40: {  	[bflag:$0x0] =	sbarrier.arrive $0xFFFF  }
0x41: {  	[tilespmem:s16], [sflag:$0x1] =	stream.indirect.gather [hbm4b:s1+s19], $0x80, s30, s19, $0xb8;
	[tilespmem:$0x1E400] =	vst v63  }
0x42: {  	s31 =	simm.s32 $0x80  }
0x43: {  	[tilespmem:s20], [sflag:$0x2] =	stream.indirect.gather [hbm4b:s1+s19], $0x80, s31, s19, $0xb8;
	[tilespmem:$0x1E400] =	vst v63  }
0x44: {  	_ =	swait.ge [sflag:s21], $0x4000  }
0x45: {  	[sflag:s21] =	ssyncset.done $0x0  }
0x46: {  	s29 =	simm.s32 $0x1400;
	[sflag:s21] =	ssyncadd.s32 $0xFFFFC000  }
0x47: {  	[spmem:s2] =	stream.indirect.scatter.add.f32 [tilespmem:s16], [sflag:$0x3], $0x80, s29, s19, $0xb8;
	[tilespmem:$0x1E400] =	vst v63  }
0x48: {  	_ =	swait.ge [sflag:s17], $0x4000  }
0x49: {  	[sflag:s17] =	ssyncset.done $0x0  }
0x4a: {  	s30 =	simm.s32 $0x100;
	[sflag:s17] =	ssyncadd.s32 $0xFFFFC000  }
0x4b: {  	[tilespmem:s16], [sflag:$0x1] =	stream.indirect.gather [hbm4b:s1+s19], $0x80, s30, s19, $0xb8;
	[tilespmem:$0x1E400] =	vst v63  }
0x4c: {  	_ =	swait.ge [sflag:s22], $0x4000  }
0x4d: {  	[sflag:s22] =	ssyncset.done $0x0  }
0x4e: {  	s31 =	simm.s32 $0x1480;
	[sflag:s22] =	ssyncadd.s32 $0xFFFFC000  }
0x4f: {  	[spmem:s2] =	stream.indirect.scatter.add.f32 [tilespmem:s20], [sflag:$0x3], $0x80, s31, s19, $0xb8;
	[tilespmem:$0x1E400] =	vst v63  }
0x50: {  	_ =	swait.ge [sflag:s17], $0x4000  }
0x51: {  	s28 =	simm.s32 $0x800;
	s26 =	simm.s32 $0x100;
	[sflag:s17] =	ssyncset.done $0x0  }
.LBB2_4:
0x52: {  	s29 =	sadd.s32 $0x80, s26  }
0x53: {  	[sflag:s17] =	ssyncadd.s32 $0xFFFFC000;
	s30 =	smov.u32 s28;
	s31 =	sadd.s32 $0x400, s28  }
0x54: {  	[tilespmem:s20], [sflag:$0x2] =	stream.indirect.gather [hbm4b:s1+s19], $0x80, s29, s19, $0xb8;
	[tilespmem:$0x1E400] =	vst v63  }
0x55: {  	p0 =	sne.s32 s28, $0x4800;
	_ =	swait.ge [sflag:s21], $0x4000  }
0x56: {  	[sflag:s21] =	ssyncset.done $0x0  }
0x57: {  	s28 =	sadd.s32 $0x1400, s26;
	[sflag:s21] =	ssyncadd.s32 $0xFFFFC000  }
0x58: {  	[spmem:s2] =	stream.indirect.scatter.add.f32 [tilespmem:s16], [sflag:$0x3], $0x80, s28, s19, $0xb8;
	[tilespmem:$0x1E400] =	vst v63  }
0x59: {  	_ =	swait.ge [sflag:s17], $0x4000  }
0x5a: {  	[sflag:s17] =	ssyncset.done $0x0  }
0x5b: {  	s28 =	sadd.s32 $0x100, s26;
	[sflag:s17] =	ssyncadd.s32 $0xFFFFC000  }
0x5c: {  	[tilespmem:s16], [sflag:$0x1] =	stream.indirect.gather [hbm4b:s1+s19], $0x80, s28, s19, $0xb8;
	[tilespmem:$0x1E400] =	vst v63  }
0x5d: {  	_ =	swait.ge [sflag:s22], $0x4000  }
.Ltmp1:
0x5e: {  	[sflag:s22] =	ssyncset.done $0x0;
	(pc) =	sbr.rel @p0 .LBB2_4-.Ltmp1, $4  }
0x5f: {  	s26 =	sadd.s32 $0x1480, s26;
	[sflag:s22] =	ssyncadd.s32 $0xFFFFC000  }
0x60: {  	[spmem:s2] =	stream.indirect.scatter.add.f32 [tilespmem:s20], [sflag:$0x3], $0x80, s26, s19, $0xb8;
	[tilespmem:$0x1E400] =	vst v63  }
0x61: {  	_ =	swait.ge [sflag:s17], $0x4000  }
0x62: {  	s28 =	smov.u32 s31;
	s26 =	sshra.s32 s30, $0x2;
	[sflag:s17] =	ssyncset.done $0x0  }
0x63: {  	s28 =	sadd.s32 $0x80, s26;
	[sflag:s17] =	ssyncadd.s32 $0xFFFFC000  }
0x64: {  	[tilespmem:s20], [sflag:$0x2] =	stream.indirect.gather [hbm4b:s1+s19], $0x80, s28, s19, $0xb8;
	[tilespmem:$0x1E400] =	vst v63  }
0x65: {  	_ =	swait.ge [sflag:s21], $0x4000  }
0x66: {  	[sflag:s21] =	ssyncset.done $0x0  }
0x67: {  	s28 =	sadd.s32 $0x1400, s26;
	[sflag:s21] =	ssyncadd.s32 $0xFFFFC000  }
0x68: {  	[spmem:s2] =	stream.indirect.scatter.add.f32 [tilespmem:s16], [sflag:$0x3], $0x80, s28, s19, $0xb8;
	[tilespmem:$0x1E400] =	vst v63  }
0x69: {  	_ =	swait.ge [sflag:s17], $0x4000  }
0x6a: {  	[sflag:s17] =	ssyncset.done $0x0  }
0x6b: {  	s28 =	sadd.s32 $0x100, s26;
	[sflag:s17] =	ssyncadd.s32 $0xFFFFC000  }
0x6c: {  	[tilespmem:s16], [sflag:$0x1] =	stream.indirect.gather [hbm4b:s1+s19], $0x80, s28, s19, $0xb8;
	[tilespmem:$0x1E400] =	vst v63  }
0x6d: {  	_ =	swait.ge [sflag:s22], $0x4000  }
0x6e: {  	[sflag:s22] =	ssyncset.done $0x0  }
0x6f: {  	s29 =	sadd.s32 $0x1480, s26;
	[sflag:s22] =	ssyncadd.s32 $0xFFFFC000  }
0x70: {  	[spmem:s2] =	stream.indirect.scatter.add.f32 [tilespmem:s20], [sflag:$0x3], $0x80, s29, s19, $0xb8;
	[tilespmem:$0x1E400] =	vst v63  }
0x71: {  	_ =	swait.ge [sflag:s17], $0x4000  }
0x72: {  	[sflag:s17] =	ssyncset.done $0x0  }
0x73: {  	[sflag:s17] =	ssyncadd.s32 $0xFFFFC000  }
0x74: {  	[tilespmem:s20], [sflag:$0x2] =	stream.indirect.gather [hbm4b:s1+s19], $0x80, s23, s19, $0xb8;
	[tilespmem:$0x1E400] =	vst v63  }
0x75: {  	_ =	swait.ge [sflag:s21], $0x4000  }
0x76: {  	[sflag:s21] =	ssyncset.done $0x0  }
0x77: {  	[sflag:s21] =	ssyncadd.s32 $0xFFFFC000  }
0x78: {  	[spmem:s2] =	stream.indirect.scatter.add.f32 [tilespmem:s16], [sflag:$0x3], $0x80, s24, s19, $0xb8;
	[tilespmem:$0x1E400] =	vst v63  }
0x79: {  	_ =	swait.ge [sflag:s17], $0x4000  }
0x7a: {  	[sflag:s17] =	ssyncset.done $0x0  }
0x7b: {  	[sflag:s17] =	ssyncadd.s32 $0xFFFFC000  }
0x7c: {  	_ =	swait.ge [sflag:s22], $0x4000  }
0x7d: {  	[sflag:s22] =	ssyncset.done $0x0  }
0x7e: {  	[sflag:s22] =	ssyncadd.s32 $0xFFFFC000  }
0x7f: {  	[spmem:s2] =	stream.indirect.scatter.add.f32 [tilespmem:s20], [sflag:$0x3], $0x80, s25, s19, $0xb8;
	[tilespmem:$0x1E400] =	vst v63  }
0x80: {  	_ =	swait.ge [sflag:s17], $0x4000  }
0x81: {  	[sflag:s17] =	ssyncset.done $0x0  }
0x82: {  	s30 =	simm.s32 $0x0;
	[sflag:s17] =	ssyncadd.s32 $0xFFFFC000  }
0x83: {  	[tilespmem:s30], [sflag:$0x3] =	stream.linear.gather [hbm4b:s12+s30], $0x1400, $0x38;
	[tilespmem:$0x1E400] =	vst v63  }
0x84: {  	_ =	swait.ge [sflag:s17], $0x1400  }
0x85: {  	[sflag:s17] =	ssyncset.done $0x0  }
0x86: {  	[sflag:s17] =	ssyncadd.s32 $0xFFFFEC00  }
0x87: {  	[tilespmem:s18], [sflag:$0x3] =	stream.linear.gather [hbm4b:s13+s30], $0x1400, $0x38;
	[tilespmem:$0x1E400] =	vst v63  }
0x88: {  	_ =	swait.ge [sflag:s17], $0x1400  }
0x89: {  	[sflag:s17] =	ssyncset.done $0x0  }
0x8a: {  	[sflag:s17] =	ssyncadd.s32 $0xFFFFEC00  }
0x8b: {  	[tilespmem:s16], [sflag:$0x1] =	stream.indirect.gather [hbm4b:s1+s19], $0x80, s30, s19, $0xb8;
	[tilespmem:$0x1E400] =	vst v63  }
0x8c: {  	s31 =	simm.s32 $0x80  }
0x8d: {  	[tilespmem:s20], [sflag:$0x2] =	stream.indirect.gather [hbm4b:s1+s19], $0x80, s31, s19, $0xb8;
	[tilespmem:$0x1E400] =	vst v63  }
0x8e: {  	_ =	swait.ge [sflag:s21], $0x4000  }
0x8f: {  	[sflag:s21] =	ssyncset.done $0x0  }
0x90: {  	s29 =	simm.s32 $0x1400;
	[sflag:s21] =	ssyncadd.s32 $0xFFFFC000  }
0x91: {  	[spmem:s2] =	stream.indirect.scatter.add.f32 [tilespmem:s16], [sflag:$0x3], $0x80, s29, s19, $0xb8;
	[tilespmem:$0x1E400] =	vst v63  }
0x92: {  	_ =	swait.ge [sflag:s17], $0x4000  }
0x93: {  	[sflag:s17] =	ssyncset.done $0x0  }
0x94: {  	s30 =	simm.s32 $0x100;
	[sflag:s17] =	ssyncadd.s32 $0xFFFFC000  }
0x95: {  	[tilespmem:s16], [sflag:$0x1] =	stream.indirect.gather [hbm4b:s1+s19], $0x80, s30, s19, $0xb8;
	[tilespmem:$0x1E400] =	vst v63  }
0x96: {  	_ =	swait.ge [sflag:s22], $0x4000  }
0x97: {  	[sflag:s22] =	ssyncset.done $0x0  }
0x98: {  	s31 =	simm.s32 $0x1480;
	[sflag:s22] =	ssyncadd.s32 $0xFFFFC000  }
0x99: {  	[spmem:s2] =	stream.indirect.scatter.add.f32 [tilespmem:s20], [sflag:$0x3], $0x80, s31, s19, $0xb8;
	[tilespmem:$0x1E400] =	vst v63  }
0x9a: {  	_ =	swait.ge [sflag:s17], $0x4000  }
0x9b: {  	s26 =	simm.s32 $0x100;
	s28 =	simm.s32 $0x800;
	[sflag:s17] =	ssyncset.done $0x0  }
.LBB2_6:
0x9c: {  	s29 =	sadd.s32 $0x80, s26  }
0x9d: {  	[sflag:s17] =	ssyncadd.s32 $0xFFFFC000;
	s30 =	smov.u32 s28;
	s31 =	sadd.s32 $0x400, s28  }
0x9e: {  	[tilespmem:s20], [sflag:$0x2] =	stream.indirect.gather [hbm4b:s1+s19], $0x80, s29, s19, $0xb8;
	[tilespmem:$0x1E400] =	vst v63  }
0x9f: {  	p0 =	sne.s32 s28, $0x4800;
	_ =	swait.ge [sflag:s21], $0x4000  }
0xa0: {  	[sflag:s21] =	ssyncset.done $0x0  }
0xa1: {  	s28 =	sadd.s32 $0x1400, s26;
	[sflag:s21] =	ssyncadd.s32 $0xFFFFC000  }
0xa2: {  	[spmem:s2] =	stream.indirect.scatter.add.f32 [tilespmem:s16], [sflag:$0x3], $0x80, s28, s19, $0xb8;
	[tilespmem:$0x1E400] =	vst v63  }
0xa3: {  	_ =	swait.ge [sflag:s17], $0x4000  }
0xa4: {  	[sflag:s17] =	ssyncset.done $0x0  }
0xa5: {  	s28 =	sadd.s32 $0x100, s26;
	[sflag:s17] =	ssyncadd.s32 $0xFFFFC000  }
0xa6: {  	[tilespmem:s16], [sflag:$0x1] =	stream.indirect.gather [hbm4b:s1+s19], $0x80, s28, s19, $0xb8;
	[tilespmem:$0x1E400] =	vst v63  }
0xa7: {  	_ =	swait.ge [sflag:s22], $0x4000  }
.Ltmp2:
0xa8: {  	[sflag:s22] =	ssyncset.done $0x0;
	(pc) =	sbr.rel @p0 .LBB2_6-.Ltmp2, $4  }
0xa9: {  	s26 =	sadd.s32 $0x1480, s26;
	[sflag:s22] =	ssyncadd.s32 $0xFFFFC000  }
0xaa: {  	[spmem:s2] =	stream.indirect.scatter.add.f32 [tilespmem:s20], [sflag:$0x3], $0x80, s26, s19, $0xb8;
	[tilespmem:$0x1E400] =	vst v63  }
0xab: {  	_ =	swait.ge [sflag:s17], $0x4000  }
0xac: {  	s28 =	smov.u32 s31;
	s26 =	sshra.s32 s30, $0x2;
	[sflag:s17] =	ssyncset.done $0x0  }
0xad: {  	s28 =	sadd.s32 $0x80, s26;
	[sflag:s17] =	ssyncadd.s32 $0xFFFFC000  }
0xae: {  	[tilespmem:s20], [sflag:$0x2] =	stream.indirect.gather [hbm4b:s1+s19], $0x80, s28, s19, $0xb8;
	[tilespmem:$0x1E400] =	vst v63  }
0xaf: {  	_ =	swait.ge [sflag:s21], $0x4000  }
0xb0: {  	[sflag:s21] =	ssyncset.done $0x0  }
0xb1: {  	s30 =	sadd.s32 $0x1400, s26;
	[sflag:s21] =	ssyncadd.s32 $0xFFFFC000  }
0xb2: {  	[spmem:s2] =	stream.indirect.scatter.add.f32 [tilespmem:s16], [sflag:$0x3], $0x80, s30, s19, $0xb8;
	[tilespmem:$0x1E400] =	vst v63  }
0xb3: {  	_ =	swait.ge [sflag:s17], $0x4000  }
0xb4: {  	[sflag:s17] =	ssyncset.done $0x0  }
0xb5: {  	s31 =	sadd.s32 $0x100, s26;
	[sflag:s17] =	ssyncadd.s32 $0xFFFFC000  }
0xb6: {  	[tilespmem:s16], [sflag:$0x1] =	stream.indirect.gather [hbm4b:s1+s19], $0x80, s31, s19, $0xb8;
	[tilespmem:$0x1E400] =	vst v63  }
0xb7: {  	_ =	swait.ge [sflag:s22], $0x4000  }
0xb8: {  	[sflag:s22] =	ssyncset.done $0x0  }
0xb9: {  	s29 =	sadd.s32 $0x1480, s26;
	[sflag:s22] =	ssyncadd.s32 $0xFFFFC000  }
0xba: {  	[spmem:s2] =	stream.indirect.scatter.add.f32 [tilespmem:s20], [sflag:$0x3], $0x80, s29, s19, $0xb8;
	[tilespmem:$0x1E400] =	vst v63  }
0xbb: {  	_ =	swait.ge [sflag:s17], $0x4000  }
0xbc: {  	[sflag:s17] =	ssyncset.done $0x0  }
0xbd: {  	[sflag:s17] =	ssyncadd.s32 $0xFFFFC000  }
0xbe: {  	[tilespmem:s20], [sflag:$0x2] =	stream.indirect.gather [hbm4b:s1+s19], $0x80, s23, s19, $0xb8;
	[tilespmem:$0x1E400] =	vst v63  }
0xbf: {  	_ =	swait.ge [sflag:s21], $0x4000  }
0xc0: {  	[sflag:s21] =	ssyncset.done $0x0  }
0xc1: {  	[sflag:s21] =	ssyncadd.s32 $0xFFFFC000  }
0xc2: {  	[spmem:s2] =	stream.indirect.scatter.add.f32 [tilespmem:s16], [sflag:$0x3], $0x80, s24, s19, $0xb8;
	[tilespmem:$0x1E400] =	vst v63  }
0xc3: {  	_ =	swait.ge [sflag:s17], $0x4000  }
0xc4: {  	[sflag:s17] =	ssyncset.done $0x0  }
0xc5: {  	[sflag:s17] =	ssyncadd.s32 $0xFFFFC000  }
0xc6: {  	_ =	swait.ge [sflag:s22], $0x4000  }
0xc7: {  	[sflag:s22] =	ssyncset.done $0x0  }
0xc8: {  	[sflag:s22] =	ssyncadd.s32 $0xFFFFC000  }
0xc9: {  	[spmem:s2] =	stream.indirect.scatter.add.f32 [tilespmem:s20], [sflag:$0x3], $0x80, s25, s19, $0xb8;
	[tilespmem:$0x1E400] =	vst v63  }
0xca: {  	_ =	swait.ge [sflag:s17], $0x4000  }
0xcb: {  	s4 =	sadd.s32 $0x1, s4;
	s30 =	sshll.u32 s3, $0x6;
	[sflag:s17] =	ssyncset.done $0x0  }
0xcc: {  	p0 =	sne.s32 s4, s15;
	s26 =	sor.u32 $0x1C03, s30;
	[sflag:s17] =	ssyncadd.s32 $0xFFFFC000  }
.Ltmp3:
0xcd: {  	s31 =	sshrl.u32 s5, $0x3;
	[bflag:$0x0] =	sbarrier.arrive $0xFFFF;
	(pc) =	sbr.rel @p0 .LBB2_1-.Ltmp3, $4  }
0xce: {  	[hbm:s14], [sflag:s26] =	dma.local [spmem:s31], $0x2780  }
0xcf: {  	_ =	swait.ge [sflag:s17], $0x2780  }
0xd0: {  	[sflag:s17] =	ssyncset.done $0x0  }
0xd1: {  	[sflag:s17] =	ssyncadd.s32 $0xFFFFD880  }
0xd2: {  	_ =	sfence.sel $0x180000  }
0xd3: {  	[bflag:$0x0] =	sbarrier.arrive $0xFFFF  }
0xd4: {  	p0 =	sne.s32 s3, $0x0;
	_ =	strace $0x90000050  }
0xd5: {  	s0 =	sadd.s32 @!p0 $0x100000, s0;
	[bflag:$0x2] =	sbarrier.arrive $0xFFFF  }
0xd6: {  	[sflag:s0] =	ssyncadd.tile.s32 @!p0 $0x1;
	_ =	shalt  }
.Lfunc_end2:
_tile_overlayer_lowered:
.L_overlay_start_2:
0xd7: {  	(tag) =	ssettag $0x2  }
0xd8: {  	s0 =	rddreg [dreg:$0x0];
	s2 =	stileid.u32  }
0xd9: {  	s1 =	rddreg [dreg:$0x1];
	p0 =	sne.s32 s2, $0x0  }
0xda: {  	s3 =	rddreg [dreg:$0x2];
	[bflag:$0x3] =	sbarrier.arrive $0xFFFF;
	s2 =	simm.s32 @!p0 $0x1C03  }
0xdb: {  	[timem:s3], [sflag:s2] =	dma.local @!p0 [hbm:s0], s1  }
0xdc: {  	s0 =	simm.s32 @!p0 $0x3  }
0xdd: {  	_ =	swait.ge @!p0 [sflag:s0], s1  }
0xde: {  	s1 =	ssub.s32 @!p0 $0x0, s1;
	[sflag:s0] =	ssyncset.done @!p0 $0x0  }
0xdf: {  	[sflag:s0] =	ssyncadd.s32 @!p0 s1  }
0xe0: {  	[bflag:$0x3] =	sbarrier.arrive $0xFFFF  }
0xe1: {  	_ =	shalt  }

</sc_bundles>
